<compile_context>
chip_gen: v7x
topology: tpu7x:2x2x1
jax: 0.10.2.dev20260603
libtpu: 0.0.44.dev20260713+nightly
codegen_flags: <defaults>
</compile_context>

<pallas_src>
import functools

import jax
import jax.numpy as jnp
from jax import lax
from jax.experimental import pallas as pl
from jax.experimental.pallas import tpu as pltpu
from jax.experimental.pallas import tpu_sc as plsc

I32 = jnp.int32
F32 = jnp.float32
_M16 = 0xFFFF
_M255 = 255


def _b2i(c):
    return jnp.where(c, jnp.int32(1), jnp.int32(0))


def _b2f(c):
    return jnp.where(c, F32(1.0), F32(0.0))


def _srl(x, n):
    return lax.shift_right_logical(x, jnp.full_like(x, n))


def _u32f(x):
    lo31 = (x & jnp.int32(0x7FFFFFFF)).astype(F32)
    return lo31 + jnp.where(x < 0, F32(2147483648.0), F32(0.0))


def _pair_f32(lo, hi):
    neg = hi < 0
    ml = jnp.where(neg, -lo, lo)
    mh = jnp.where(neg, ~hi + _b2i(lo == 0), hi)
    vf = _u32f(mh) * F32(4294967296.0) + _u32f(ml)
    return jnp.where(neg, -vf, vf)


def _trunc_rt(v):
    small = jnp.abs(v) < F32(8388608.0)
    return jnp.where(small, v.astype(I32).astype(F32), v)


def _rbf16(x):
    c = x * F32(65537.0)
    return c - (c - x)


def _mul64(sl, sh, ax):
    s0 = sl & _M16
    s1 = _srl(sl, 16)
    s2 = sh & _M16
    s3 = _srl(sh, 16)
    a0 = ax & _M16
    a1 = _srl(ax, 16)
    t0 = s0 * a0
    r0 = t0 & _M16
    c1 = _srl(t0, 16)
    t1a = s1 * a0
    t1b = s0 * a1
    sum1 = (t1a & _M16) + (t1b & _M16) + c1
    r1 = sum1 & _M16
    c2 = _srl(sum1, 16) + _srl(t1a, 16) + _srl(t1b, 16)
    t2a = s2 * a0
    t2b = s1 * a1
    sum2 = (t2a & _M16) + (t2b & _M16) + c2
    r2 = sum2 & _M16
    c3 = _srl(sum2, 16) + _srl(t2a, 16) + _srl(t2b, 16)
    t3a = s3 * a0
    t3b = s2 * a1
    sum3 = (t3a & _M16) + (t3b & _M16) + c3
    r3 = sum3 & _M16
    return r0 | (r1 << 16), r2 | (r3 << 16)


def _divmod64(sl, sh, d):
    neg = sh < 0
    ul = jnp.where(neg, -sl, sl)
    uh = jnp.where(neg, ~sh + _b2i(sl == 0), sh)
    rcp = F32(1.0) / d.astype(F32)
    r = sl - sl
    qlo = r
    qhi = r
    digits = [
        _srl(uh, 24) & _M255, _srl(uh, 16) & _M255, _srl(uh, 8) & _M255, uh & _M255,
        _srl(ul, 24) & _M255, _srl(ul, 16) & _M255, _srl(ul, 8) & _M255, ul & _M255,
    ]
    for b in digits:
        x = (r << 8) | b
        q = (_u32f(x) * rcp).astype(I32)
        rem = x - q * d
        for _ in range(2):
            q = jnp.where(rem < 0, q - 1, q)
            rem = jnp.where(rem < 0, rem + d, rem)
        for _ in range(2):
            q = jnp.where(rem >= d, q + 1, q)
            rem = jnp.where(rem >= d, rem - d, rem)
        qhi = (qhi << 8) | _srl(qlo, 24)
        qlo = (qlo << 8) | q
        r = rem
    rnz = _b2i(r != 0)
    inc_lo = qlo + rnz
    carry = _b2i((inc_lo == 0) & (rnz == 1))
    inc_hi = qhi + carry
    nql = -inc_lo
    nqh = ~inc_hi + _b2i(inc_lo == 0)
    out_qlo = jnp.where(neg, nql, qlo)
    out_qhi = jnp.where(neg, nqh, qhi)
    out_r = jnp.where(neg, jnp.where(rnz == 1, d - r, r), r)
    return out_qlo, out_qhi, out_r


def _ucmp_lt(a, b):
    bias = jnp.int32(-2147483648)
    return (a ^ bias) < (b ^ bias)


def _body(mem_hbm, regs_hbm, w1_hbm, w2_hbm, b1_hbm, b2_hbm, out_hbm,
          regs_v, b0v, b1v_, b2v_, b3v, b4v, b5v, b6v, b7v,
          w1v, bb1v, wcolv, b2cv, outv,
          sem_w, sem_g, sem_c):
    is_lead = (lax.axis_index("c") == 0) & (lax.axis_index("s") == 0)

    @pl.when(is_lead)
    def _():
        lane = lax.iota(I32, 16)
        zf = jnp.zeros((16,), F32)

        cw = [
            pltpu.make_async_copy(w1_hbm, w1v, sem_w),
            pltpu.make_async_copy(b1_hbm, bb1v, sem_w),
        ]
        for c in cw:
            c.start()

        pltpu.sync_copy(regs_hbm, regs_v)
        rv = regs_v[...]
        pc_s = rv[0]
        sp_s = rv[1]
        bp_s = rv[2]
        ax_s = rv[3]

        base = jnp.where(
            lane == 0, jnp.full((16,), pc_s, I32),
            jnp.where(lane == 1, jnp.full((16,), sp_s, I32),
                      jnp.where(lane == 2, jnp.full((16,), ax_s, I32),
                                jnp.where(lane == 3, jnp.full((16,), bp_s, I32),
                                          jnp.where(lane == 4,
                                                    jnp.full((16,), bp_s + 8, I32),
                                                    jnp.zeros((16,), I32))))))
        gbufs = [b0v, b1v_, b2v_, b3v, b4v, b5v, b6v, b7v]
        cg = []
        for k, gb in enumerate(gbufs):
            c = pltpu.make_async_copy(mem_hbm.at[base + k], gb, sem_g)
            c.start()
            cg.append(c)
        for c in cg:
            c.wait()

        bv = [plsc.bitcast(gb[...], I32) for gb in gbufs]
        lo_vec = bv[0] + (bv[1] << 8) + (bv[2] << 16) + (bv[3] << 24)
        hi_vec = bv[4] + (bv[5] << 8) + (bv[6] << 16) + (bv[7] << 24)

        i_lo = lo_vec[0]
        i_hi = hi_vec[0]
        sl = lo_vec[1]
        sh = hi_vec[1]
        opcode = i_lo & 255
        imm_lo = _srl(i_lo, 8) | (i_hi << 24)
        imm_hi = i_hi >> 8

        oc = jnp.minimum(opcode, jnp.int32(38))
        cb = oc * 4
        cc = []
        for j in range(4):
            for c in range(4):
                idx = lane * 156 + (c * 2496 + cb + j)
                h = pltpu.make_async_copy(
                    w2_hbm.at[idx], wcolv.at[pl.ds((j * 4 + c) * 16, 16)], sem_c)
                h.start()
                cc.append(h)
        hb2 = pltpu.make_async_copy(b2_hbm.at[cb + (lane & 3)], b2cv, sem_c)
        hb2.start()
        cc.append(hb2)

        xs = [
            _rbf16(pc_s.astype(F32)), _rbf16(sp_s.astype(F32)),
            _rbf16(bp_s.astype(F32)), _rbf16(ax_s.astype(F32)),
            _rbf16(_pair_f32(imm_lo, imm_hi)), _rbf16(_pair_f32(sl, sh)),
            _rbf16(_pair_f32(lo_vec[2], hi_vec[2])),
            _rbf16(_pair_f32(lo_vec[3], hi_vec[3])),
            _rbf16(_pair_f32(lo_vec[4], hi_vec[4])),
        ]

        for c in cw:
            c.wait()

        accs = []
        for c in range(4):
            acc = zf
            for k in range(9):
                acc = acc + xs[k] * w1v[pl.ds(k * 64 + c * 16, 16)]
            accs.append(_rbf16(acc + bb1v[pl.ds(c * 16, 16)]))

        for h in cc:
            h.wait()

        b2c = b2cv[...]
        sel = []
        for j in range(4):
            p = zf
            for c in range(4):
                p = p + accs[c] * wcolv[pl.ds((j * 4 + c) * 16, 16)]
            tot = F32(0.0)
            for l in range(16):
                tot = tot + p[l]
            tot = tot + b2c[j]
            sel.append(_trunc_rt(_rbf16(tot)))

        new_pc_f, new_sp_f, new_bp_f, new_ax_f = sel

        is_mul = _b2f(opcode == 16)
        is_div = _b2f(opcode == 17)
        is_mod = _b2f(opcode == 18)
        plo, phi = _mul64(sl, sh, ax_s)
        mul_f = _pair_f32(plo, phi)
        axv = jnp.full((16,), ax_s, I32)
        dv = jnp.where(axv == 0, jnp.full((16,), 1, I32), axv)
        qlo_v, qhi_v, rem_v = _divmod64(
            jnp.full((16,), sl, I32), jnp.full((16,), sh, I32), dv)
        div_f = _pair_f32(qlo_v, qhi_v)
        mod_f = rem_v.astype(F32)
        na = (
            new_ax_f * (F32(1.0) - is_mul - is_div - is_mod)
            + mul_f * is_mul + div_f * is_div + mod_f * is_mod
        )
        na = _trunc_rt(na)

        is_eq = _b2f(opcode == 24)
        is_ne = _b2f(opcode == 25)
        is_lt = _b2f(opcode == 26)
        is_gt = _b2f(opcode == 27)
        is_le = _b2f(opcode == 28)
        is_ge = _b2f(opcode == 29)
        eqb = (sh == 0) & (sl == ax_s)
        ltb = (sh < 0) | ((sh == 0) & _ucmp_lt(sl, ax_s))
        na = (
            na * (F32(1.0) - is_eq - is_ne - is_lt - is_gt - is_le - is_ge)
            + _b2f(eqb) * is_eq
            + _b2f(~eqb) * is_ne
            + _b2f(ltb) * is_lt
            + _b2f(~ltb & ~eqb) * is_gt
            + _b2f(ltb | eqb) * is_le
            + _b2f(~ltb) * is_ge
        )

        res = jnp.where(
            lane == 0, jnp.full((16,), new_pc_f, F32),
            jnp.where(lane == 1, jnp.full((16,), new_sp_f, F32),
                      jnp.where(lane == 2, jnp.full((16,), new_bp_f, F32),
                                jnp.where(lane == 3, na, zf))))
        outv[...] = res
        pltpu.sync_copy(outv, out_hbm)


def kernel(pc, sp, bp, ax, memory, W1, b1, W2, b2):
    mem32 = memory.astype(jnp.uint32)
    regs = jnp.concatenate([
        jnp.stack([pc, sp, bp, ax]).astype(jnp.uint32).astype(I32),
        jnp.zeros((12,), I32),
    ])
    mesh = plsc.VectorSubcoreMesh(core_axis_name="c", subcore_axis_name="s")
    run = functools.partial(
        pl.kernel,
        mesh=mesh,
        out_type=jax.ShapeDtypeStruct((16,), F32),
        scratch_types=[
            pltpu.VMEM((16,), I32),
            pltpu.VMEM((16,), jnp.uint32),
            pltpu.VMEM((16,), jnp.uint32),
            pltpu.VMEM((16,), jnp.uint32),
            pltpu.VMEM((16,), jnp.uint32),
            pltpu.VMEM((16,), jnp.uint32),
            pltpu.VMEM((16,), jnp.uint32),
            pltpu.VMEM((16,), jnp.uint32),
            pltpu.VMEM((16,), jnp.uint32),
            pltpu.VMEM((576,), F32),
            pltpu.VMEM((64,), F32),
            pltpu.VMEM((256,), F32),
            pltpu.VMEM((16,), F32),
            pltpu.VMEM((16,), F32),
            pltpu.SemaphoreType.DMA,
            pltpu.SemaphoreType.DMA,
            pltpu.SemaphoreType.DMA,
        ],
    )(_body)
    out = run(
        mem32, regs,
        W1.astype(F32).reshape(576),
        W2.astype(F32).reshape(9984),
        b1.astype(F32),
        b2.astype(F32),
    )
    o64 = out[:4].astype(jnp.int64)
    return o64[0], o64[1], o64[2], o64[3]

# --- scband reference (transcript-rebuilt; emitter-appended) ---
"""Pipeline reference for scband-c4-wired-transformer-62380105007242 (READ-ONLY COPY).

The authoritative reference and input builder live on the scoring server;
editing this copy changes nothing except your own understanding.
"""

import jax, jax.numpy as jnp
import numpy as np

jax.config.update("jax_enable_x64", True)

MEM_SIZE = 16777216

def _wire_weights():
    PC, SP, BP, AX, IMM, STACK, MEM_AX, MEM_BP, MEM_BP8 = range(9)
    W1 = np.zeros((9, 64), dtype=np.float32)
    b1 = np.zeros((64,), dtype=np.float32)
    W1[PC, 0] = 1
    W1[PC, 1] = 1
    b1[1] = 8
    W1[SP, 2] = 1
    W1[SP, 3] = 1
    b1[3] = 8
    W1[SP, 4] = 1
    b1[4] = -8
    W1[BP, 5] = 1
    W1[BP, 6] = 1
    W1[IMM, 6] = 1
    W1[AX, 7] = 1
    W1[IMM, 8] = 1
    W1[STACK, 9] = 1
    W1[MEM_AX, 10] = 1
    W1[STACK, 11] = 1
    W1[AX, 11] = 1
    W1[STACK, 12] = 1
    W1[AX, 12] = -1
    W1[MEM_BP, 14] = 1
    W1[MEM_BP8, 15] = 1
    W1[SP, 16] = 1
    W1[IMM, 16] = -1
    b1[16] = -8
    W1[BP, 17] = 1
    b1[17] = 16
    W2 = np.zeros((64, 156), dtype=np.float32)
    def set_opcode(op, pc_src, sp_src, bp_src, ax_src):
        base = op * 4
        W2[pc_src, base + 0] = 1
        W2[sp_src, base + 1] = 1
        W2[bp_src, base + 2] = 1
        W2[ax_src, base + 3] = 1
    I_PC, I_PC8, I_SP, I_SP8, I_SP_8, I_BP, I_BP_IMM = 0, 1, 2, 3, 4, 5, 6
    I_AX, I_IMM, I_STACK, I_MEM_AX, I_ADD, I_SUB = 7, 8, 9, 10, 11, 12
    I_MEM_BP, I_MEM_BP8, I_ENT_SP, I_LEV_SP = 14, 15, 16, 17
    set_opcode(0, I_PC8, I_SP, I_BP, I_BP_IMM)
    set_opcode(1, I_PC8, I_SP, I_BP, I_IMM)
    set_opcode(2, I_IMM, I_SP, I_BP, I_AX)
    set_opcode(3, I_IMM, I_SP_8, I_BP, I_AX)
    set_opcode(4, I_PC8, I_SP, I_BP, I_AX)
    set_opcode(5, I_PC8, I_SP, I_BP, I_AX)
    set_opcode(6, I_PC8, I_ENT_SP, I_SP_8, I_AX)
    set_opcode(7, I_PC8, I_SP, I_BP, I_AX)
    set_opcode(8, I_MEM_BP8, I_LEV_SP, I_MEM_BP, I_AX)
    set_opcode(9, I_PC8, I_SP, I_BP, I_MEM_AX)
    set_opcode(10, I_PC8, I_SP, I_BP, I_MEM_AX)
    set_opcode(11, I_PC8, I_SP8, I_BP, I_AX)
    set_opcode(12, I_PC8, I_SP8, I_BP, I_AX)
    set_opcode(13, I_PC8, I_SP_8, I_BP, I_AX)
    set_opcode(14, I_PC8, I_SP8, I_BP, I_ADD)
    set_opcode(15, I_PC8, I_SP8, I_BP, I_SUB)
    for op in range(16, 30):
        set_opcode(op, I_PC8, I_SP8, I_BP, I_AX)
    for op in range(30, 38):
        set_opcode(op, I_PC8, I_SP, I_BP, I_AX)
    set_opcode(38, I_PC, I_SP, I_BP, I_AX)
    b2 = np.zeros((156,), dtype=np.float32)
    return jnp.asarray(W1), jnp.asarray(b1), jnp.asarray(W2), jnp.asarray(b2)

def setup_inputs(seed: int = 0):
    key = jax.random.key(seed)
    k1, k2, k3, k4, k5 = jax.random.split(key, 5)
    memory = jax.random.randint(k1, (MEM_SIZE,), 0, 256, dtype=jnp.int64)
    pc = jax.random.randint(k2, (), 0, MEM_SIZE - 16, dtype=jnp.int64)
    sp = jax.random.randint(k3, (), 0, MEM_SIZE - 16, dtype=jnp.int64)
    bp = jax.random.randint(k4, (), 0, MEM_SIZE - 16, dtype=jnp.int64)
    ax = jax.random.randint(k5, (), 0, MEM_SIZE - 16, dtype=jnp.int64)
    W1, b1, W2, b2 = _wire_weights()
    return {"pc": pc, "sp": sp, "bp": bp, "ax": ax, "memory": memory, "W1": W1, "b1": b1, "W2": W2, "b2": b2}

def _read_int(memory, addr):
    addresses = jnp.clip(addr + jnp.arange(8, dtype=jnp.int64), 0, MEM_SIZE - 1)
    bytes_read = memory[addresses]
    shifts = jnp.array([0, 8, 16, 24, 32, 40, 48, 56], dtype=jnp.int64)
    return jnp.sum(jnp.left_shift(bytes_read, shifts))

def reference(pc, sp, bp, ax, memory, W1, b1, W2, b2):
    instruction = _read_int(memory, pc)
    opcode = instruction & 255
    imm = instruction >> 8
    stack_top = _read_int(memory, sp)
    mem_at_ax = _read_int(memory, ax)
    mem_at_bp = _read_int(memory, bp)
    mem_at_bp8 = _read_int(memory, bp + 8)
    ffn_input = jnp.stack([pc, sp, bp, ax, imm, stack_top, mem_at_ax, mem_at_bp, mem_at_bp8]).astype(jnp.float32)[None, :]
    h = ffn_input @ W1 + b1
    all_outputs = (h @ W2 + b2)[0]
    outputs = all_outputs.reshape(39, 4)
    diff = opcode.astype(jnp.float32) - jnp.arange(39, dtype=jnp.float32)
    attn = jax.nn.softmax(-(diff * diff) / 0.01, axis=-1)
    selected = (attn @ outputs).astype(jnp.int64)
    new_pc, new_sp, new_bp, new_ax = selected[0], selected[1], selected[2], selected[3]
    is_mul = (opcode == 16).astype(jnp.float32)
    is_div = (opcode == 17).astype(jnp.float32)
    is_mod = (opcode == 18).astype(jnp.float32)
    mul_result = stack_top * ax
    div_safe = jnp.where(ax == 0, jnp.int64(1), ax)
    div_result = stack_top // div_safe
    mod_result = stack_top % div_safe
    new_ax = (new_ax * (1 - is_mul - is_div - is_mod) + mul_result * is_mul + div_result * is_div + mod_result * is_mod).astype(jnp.int64)
    is_eq = (opcode == 24).astype(jnp.float32)
    is_ne = (opcode == 25).astype(jnp.float32)
    is_lt = (opcode == 26).astype(jnp.float32)
    is_gt = (opcode == 27).astype(jnp.float32)
    is_le = (opcode == 28).astype(jnp.float32)
    is_ge = (opcode == 29).astype(jnp.float32)
    eq_result = (stack_top == ax).astype(jnp.int64)
    ne_result = (stack_top != ax).astype(jnp.int64)
    lt_result = (stack_top < ax).astype(jnp.int64)
    gt_result = (stack_top > ax).astype(jnp.int64)
    le_result = (stack_top <= ax).astype(jnp.int64)
    ge_result = (stack_top >= ax).astype(jnp.int64)
    new_ax = (new_ax * (1 - is_eq - is_ne - is_lt - is_gt - is_le - is_ge) + eq_result * is_eq + ne_result * is_ne + lt_result * is_lt + gt_result * is_gt + le_result * is_le + ge_result * is_ge).astype(jnp.int64)
    return new_pc, new_sp, new_bp, new_ax

if __name__ == "__main__":
    import jax
    _d = setup_inputs()
    print(jax.jit(kernel)(*tuple(_d.values())))

</pallas_src>

<mosaic_0001>
#map = affine_map<(d0, d1) -> (0)>
module attributes {stable_mosaic.version = 14 : i64} {
  func.func @_body(%arg0: i32, %arg1: i32, %arg2: memref<16777216xi32, #tpu.memory_space<hbm>>, %arg3: memref<16xi32, #tpu.memory_space<hbm>>, %arg4: memref<576xf32, #tpu.memory_space<hbm>>, %arg5: memref<9984xf32, #tpu.memory_space<hbm>>, %arg6: memref<64xf32, #tpu.memory_space<hbm>>, %arg7: memref<156xf32, #tpu.memory_space<hbm>>, %arg8: memref<16xf32, #tpu.memory_space<hbm>>, %arg9: memref<16xi32, #tpu.memory_space<vmem>>, %arg10: memref<16xi32, #tpu.memory_space<vmem>>, %arg11: memref<16xi32, #tpu.memory_space<vmem>>, %arg12: memref<16xi32, #tpu.memory_space<vmem>>, %arg13: memref<16xi32, #tpu.memory_space<vmem>>, %arg14: memref<16xi32, #tpu.memory_space<vmem>>, %arg15: memref<16xi32, #tpu.memory_space<vmem>>, %arg16: memref<16xi32, #tpu.memory_space<vmem>>, %arg17: memref<16xi32, #tpu.memory_space<vmem>>, %arg18: memref<576xf32, #tpu.memory_space<vmem>>, %arg19: memref<64xf32, #tpu.memory_space<vmem>>, %arg20: memref<256xf32, #tpu.memory_space<vmem>>, %arg21: memref<16xf32, #tpu.memory_space<vmem>>, %arg22: memref<16xf32, #tpu.memory_space<vmem>>, %arg23: memref<!tpu.dma_semaphore, #tpu.memory_space<semaphore_mem>>, %arg24: memref<!tpu.dma_semaphore, #tpu.memory_space<semaphore_mem>>, %arg25: memref<!tpu.dma_semaphore, #tpu.memory_space<semaphore_mem>>) attributes {dimension_semantics = [#tpu.dimension_semantics<core_parallel>, #tpu.dimension_semantics<subcore_parallel>], iteration_bounds = array<i64: 2, 16>, scalar_prefetch = 0 : i64, scratch_operands = 17 : i64, tpu.core_type = #tpu.core_type<sc_vector_subcore>, window_params = [{transform_indices = #map}, {transform_indices = #map}, {transform_indices = #map}, {transform_indices = #map}, {transform_indices = #map}, {transform_indices = #map}, {transform_indices = #map}]} {
    %eq3A = arith.constant 0 : i32
    %eq3A_0 = arith.cmpi eq, %arg0, %eq3A : i32
    %eq3A_1 = arith.constant 0 : i32
    %eq3A_2 = arith.cmpi eq, %arg1, %eq3A_1 : i32
    %and3A = arith.andi %eq3A_0, %eq3A_2 : i1
    %convert_element_type3A = arith.extui %and3A : i1 to i32
    %cond3A = arith.constant 0 : i32
    %cond3A_3 = arith.cmpi ne, %convert_element_type3A, %cond3A : i32
    scf.if %cond3A_3 {
      %iota3A = tpu.iota {dimensions = array<i32: 0>} : vector<16xi32>
      %broadcast_in_dim3A = arith.constant 0.000000e+00 : f32
      %broadcast_in_dim3A_4 = vector.broadcast %broadcast_in_dim3A : f32 to vector<16xf32>
      tpu.enqueue_dma source(%arg4 : memref<576xf32, #tpu.memory_space<hbm>>) target(%arg18 : memref<576xf32, #tpu.memory_space<vmem>>) target_semaphore(%arg23 : memref<!tpu.dma_semaphore, #tpu.memory_space<semaphore_mem>>)
      tpu.enqueue_dma source(%arg6 : memref<64xf32, #tpu.memory_space<hbm>>) target(%arg19 : memref<64xf32, #tpu.memory_space<vmem>>) target_semaphore(%arg23 : memref<!tpu.dma_semaphore, #tpu.memory_space<semaphore_mem>>)
      "tpu.region"() ({
        %run_scoped3A = tpu.sem_alloc : memref<!tpu.dma_semaphore, #tpu.memory_space<semaphore_mem>>
        tpu.enqueue_dma source(%arg3 : memref<16xi32, #tpu.memory_space<hbm>>) target(%arg9 : memref<16xi32, #tpu.memory_space<vmem>>) target_semaphore(%run_scoped3A : memref<!tpu.dma_semaphore, #tpu.memory_space<semaphore_mem>>)
        tpu.wait_dma2 semaphore(%run_scoped3A : memref<!tpu.dma_semaphore, #tpu.memory_space<semaphore_mem>>) src(%arg3 : memref<16xi32, #tpu.memory_space<hbm>>) dst(%arg9 : memref<16xi32, #tpu.memory_space<vmem>>)
        tpu.yield
      }) : () -> ()
      %get3A = arith.constant 0 : index
      %get3A_5 = tpu.vector_load %arg9[%get3A] {strides = array<i32>} : memref<16xi32, #tpu.memory_space<vmem>>, vector<16xi32>,
      %get3A_6 = vector.shape_cast %get3A_5 : vector<16xi32> to vector<16xi32>
      %slice3A = vector.extract_strided_slice %get3A_6 {offsets = [0], sizes = [1], strides = [1]} : vector<16xi32> to vector<1xi32>
      %squeeze3A = vector.extract %slice3A[0] : i32 from vector<1xi32>
      %slice3A_7 = vector.extract_strided_slice %get3A_6 {offsets = [1], sizes = [1], strides = [1]} : vector<16xi32> to vector<1xi32>
      %squeeze3A_8 = vector.extract %slice3A_7[0] : i32 from vector<1xi32>
      %slice3A_9 = vector.extract_strided_slice %get3A_6 {offsets = [2], sizes = [1], strides = [1]} : vector<16xi32> to vector<1xi32>
      %squeeze3A_10 = vector.extract %slice3A_9[0] : i32 from vector<1xi32>
      %slice3A_11 = vector.extract_strided_slice %get3A_6 {offsets = [3], sizes = [1], strides = [1]} : vector<16xi32> to vector<1xi32>
      %squeeze3A_12 = vector.extract %slice3A_11[0] : i32 from vector<1xi32>
      %eq3A_13 = arith.constant 0 : i32
      %eq3A_14 = vector.broadcast %eq3A_13 : i32 to vector<16xi32>
      %eq3A_15 = arith.cmpi eq, %iota3A, %eq3A_14 : vector<16xi32>
      %broadcast_in_dim3A_16 = vector.broadcast %squeeze3A : i32 to vector<16xi32>
      %eq3A_17 = arith.constant 1 : i32
      %eq3A_18 = vector.broadcast %eq3A_17 : i32 to vector<16xi32>
      %eq3A_19 = arith.cmpi eq, %iota3A, %eq3A_18 : vector<16xi32>
      %broadcast_in_dim3A_20 = vector.broadcast %squeeze3A_8 : i32 to vector<16xi32>
      %eq3A_21 = arith.constant 2 : i32
      %eq3A_22 = vector.broadcast %eq3A_21 : i32 to vector<16xi32>
      %eq3A_23 = arith.cmpi eq, %iota3A, %eq3A_22 : vector<16xi32>
      %broadcast_in_dim3A_24 = vector.broadcast %squeeze3A_12 : i32 to vector<16xi32>
      %eq3A_25 = arith.constant 3 : i32
      %eq3A_26 = vector.broadcast %eq3A_25 : i32 to vector<16xi32>
      %eq3A_27 = arith.cmpi eq, %iota3A, %eq3A_26 : vector<16xi32>
      %broadcast_in_dim3A_28 = vector.broadcast %squeeze3A_10 : i32 to vector<16xi32>
      %eq3A_29 = arith.constant 4 : i32
      %eq3A_30 = vector.broadcast %eq3A_29 : i32 to vector<16xi32>
      %eq3A_31 = arith.cmpi eq, %iota3A, %eq3A_30 : vector<16xi32>
      %add3A = arith.constant 8 : i32
      %add3A_32 = arith.addi %squeeze3A_10, %add3A : i32
      %broadcast_in_dim3A_33 = vector.broadcast %add3A_32 : i32 to vector<16xi32>
      %broadcast_in_dim3A_34 = arith.constant 0 : i32
      %broadcast_in_dim3A_35 = vector.broadcast %broadcast_in_dim3A_34 : i32 to vector<16xi32>
      %select_n3A = arith.select %eq3A_31, %broadcast_in_dim3A_33, %broadcast_in_dim3A_35 : vector<16xi1>, vector<16xi32>
      %select_n3A_36 = arith.select %eq3A_27, %broadcast_in_dim3A_28, %select_n3A : vector<16xi1>, vector<16xi32>
      %select_n3A_37 = arith.select %eq3A_23, %broadcast_in_dim3A_24, %select_n3A_36 : vector<16xi1>, vector<16xi32>
      %select_n3A_38 = arith.select %eq3A_19, %broadcast_in_dim3A_20, %select_n3A_37 : vector<16xi1>, vector<16xi32>
      %select_n3A_39 = arith.select %eq3A_15, %broadcast_in_dim3A_16, %select_n3A_38 : vector<16xi1>, vector<16xi32>
      %add3A_40 = arith.constant 0 : i32
      %add3A_41 = vector.broadcast %add3A_40 : i32 to vector<16xi32>
      %add3A_42 = arith.addi %select_n3A_39, %add3A_41 : vector<16xi32>
      %dma_start3A = arith.constant 0 : i32
      %dma_start3A_43 = tpu.memref_slice %arg2[%dma_start3A] : memref<16777216xi32, #tpu.memory_space<hbm>> -> memref<16777216xi32, #tpu.memory_space<hbm>>
      tpu.enqueue_indirect_dma source(%dma_start3A_43 : memref<16777216xi32, #tpu.memory_space<hbm>>) target(%arg10 : memref<16xi32, #tpu.memory_space<vmem>>) offsets(%add3A_42 : vector<16xi32>) semaphore(%arg24 : memref<!tpu.dma_semaphore, #tpu.memory_space<semaphore_mem>>)
      %add3A_44 = arith.constant 1 : i32
      %add3A_45 = vector.broadcast %add3A_44 : i32 to vector<16xi32>
      %add3A_46 = arith.addi %select_n3A_39, %add3A_45 : vector<16xi32>
      %dma_start3A_47 = arith.constant 0 : i32
      %dma_start3A_48 = tpu.memref_slice %arg2[%dma_start3A_47] : memref<16777216xi32, #tpu.memory_space<hbm>> -> memref<16777216xi32, #tpu.memory_space<hbm>>
      tpu.enqueue_indirect_dma source(%dma_start3A_48 : memref<16777216xi32, #tpu.memory_space<hbm>>) target(%arg11 : memref<16xi32, #tpu.memory_space<vmem>>) offsets(%add3A_46 : vector<16xi32>) semaphore(%arg24 : memref<!tpu.dma_semaphore, #tpu.memory_space<semaphore_mem>>)
      %add3A_49 = arith.constant 2 : i32
      %add3A_50 = vector.broadcast %add3A_49 : i32 to vector<16xi32>
      %add3A_51 = arith.addi %select_n3A_39, %add3A_50 : vector<16xi32>
      %dma_start3A_52 = arith.constant 0 : i32
      %dma_start3A_53 = tpu.memref_slice %arg2[%dma_start3A_52] : memref<16777216xi32, #tpu.memory_space<hbm>> -> memref<16777216xi32, #tpu.memory_space<hbm>>
      tpu.enqueue_indirect_dma source(%dma_start3A_53 : memref<16777216xi32, #tpu.memory_space<hbm>>) target(%arg12 : memref<16xi32, #tpu.memory_space<vmem>>) offsets(%add3A_51 : vector<16xi32>) semaphore(%arg24 : memref<!tpu.dma_semaphore, #tpu.memory_space<semaphore_mem>>)
      %add3A_54 = arith.constant 3 : i32
      %add3A_55 = vector.broadcast %add3A_54 : i32 to vector<16xi32>
      %add3A_56 = arith.addi %select_n3A_39, %add3A_55 : vector<16xi32>
      %dma_start3A_57 = arith.constant 0 : i32
      %dma_start3A_58 = tpu.memref_slice %arg2[%dma_start3A_57] : memref<16777216xi32, #tpu.memory_space<hbm>> -> memref<16777216xi32, #tpu.memory_space<hbm>>
      tpu.enqueue_indirect_dma source(%dma_start3A_58 : memref<16777216xi32, #tpu.memory_space<hbm>>) target(%arg13 : memref<16xi32, #tpu.memory_space<vmem>>) offsets(%add3A_56 : vector<16xi32>) semaphore(%arg24 : memref<!tpu.dma_semaphore, #tpu.memory_space<semaphore_mem>>)
      %add3A_59 = arith.constant 4 : i32
      %add3A_60 = vector.broadcast %add3A_59 : i32 to vector<16xi32>
      %add3A_61 = arith.addi %select_n3A_39, %add3A_60 : vector<16xi32>
      %dma_start3A_62 = arith.constant 0 : i32
      %dma_start3A_63 = tpu.memref_slice %arg2[%dma_start3A_62] : memref<16777216xi32, #tpu.memory_space<hbm>> -> memref<16777216xi32, #tpu.memory_space<hbm>>
      tpu.enqueue_indirect_dma source(%dma_start3A_63 : memref<16777216xi32, #tpu.memory_space<hbm>>) target(%arg14 : memref<16xi32, #tpu.memory_space<vmem>>) offsets(%add3A_61 : vector<16xi32>) semaphore(%arg24 : memref<!tpu.dma_semaphore, #tpu.memory_space<semaphore_mem>>)
      %add3A_64 = arith.constant 5 : i32
      %add3A_65 = vector.broadcast %add3A_64 : i32 to vector<16xi32>
      %add3A_66 = arith.addi %select_n3A_39, %add3A_65 : vector<16xi32>
      %dma_start3A_67 = arith.constant 0 : i32
      %dma_start3A_68 = tpu.memref_slice %arg2[%dma_start3A_67] : memref<16777216xi32, #tpu.memory_space<hbm>> -> memref<16777216xi32, #tpu.memory_space<hbm>>
      tpu.enqueue_indirect_dma source(%dma_start3A_68 : memref<16777216xi32, #tpu.memory_space<hbm>>) target(%arg15 : memref<16xi32, #tpu.memory_space<vmem>>) offsets(%add3A_66 : vector<16xi32>) semaphore(%arg24 : memref<!tpu.dma_semaphore, #tpu.memory_space<semaphore_mem>>)
      %add3A_69 = arith.constant 6 : i32
      %add3A_70 = vector.broadcast %add3A_69 : i32 to vector<16xi32>
      %add3A_71 = arith.addi %select_n3A_39, %add3A_70 : vector<16xi32>
      %dma_start3A_72 = arith.constant 0 : i32
      %dma_start3A_73 = tpu.memref_slice %arg2[%dma_start3A_72] : memref<16777216xi32, #tpu.memory_space<hbm>> -> memref<16777216xi32, #tpu.memory_space<hbm>>
      tpu.enqueue_indirect_dma source(%dma_start3A_73 : memref<16777216xi32, #tpu.memory_space<hbm>>) target(%arg16 : memref<16xi32, #tpu.memory_space<vmem>>) offsets(%add3A_71 : vector<16xi32>) semaphore(%arg24 : memref<!tpu.dma_semaphore, #tpu.memory_space<semaphore_mem>>)
      %add3A_74 = arith.constant 7 : i32
      %add3A_75 = vector.broadcast %add3A_74 : i32 to vector<16xi32>
      %add3A_76 = arith.addi %select_n3A_39, %add3A_75 : vector<16xi32>
      %dma_start3A_77 = arith.constant 0 : i32
      %dma_start3A_78 = tpu.memref_slice %arg2[%dma_start3A_77] : memref<16777216xi32, #tpu.memory_space<hbm>> -> memref<16777216xi32, #tpu.memory_space<hbm>>
      tpu.enqueue_indirect_dma source(%dma_start3A_78 : memref<16777216xi32, #tpu.memory_space<hbm>>) target(%arg17 : memref<16xi32, #tpu.memory_space<vmem>>) offsets(%add3A_76 : vector<16xi32>) semaphore(%arg24 : memref<!tpu.dma_semaphore, #tpu.memory_space<semaphore_mem>>)
      %dma_wait3A = arith.constant 0 : i32
      %dma_wait3A_79 = tpu.memref_slice %arg2[%dma_wait3A] : memref<16777216xi32, #tpu.memory_space<hbm>> -> memref<16777216xi32, #tpu.memory_space<hbm>>
      tpu.wait_indirect_dma semaphore(%arg24 : memref<!tpu.dma_semaphore, #tpu.memory_space<semaphore_mem>>) src(%dma_wait3A_79 : memref<16777216xi32, #tpu.memory_space<hbm>>) dst(%arg10 : memref<16xi32, #tpu.memory_space<vmem>>)
      %dma_wait3A_80 = arith.constant 0 : i32
      %dma_wait3A_81 = tpu.memref_slice %arg2[%dma_wait3A_80] : memref<16777216xi32, #tpu.memory_space<hbm>> -> memref<16777216xi32, #tpu.memory_space<hbm>>
      tpu.wait_indirect_dma semaphore(%arg24 : memref<!tpu.dma_semaphore, #tpu.memory_space<semaphore_mem>>) src(%dma_wait3A_81 : memref<16777216xi32, #tpu.memory_space<hbm>>) dst(%arg11 : memref<16xi32, #tpu.memory_space<vmem>>)
      %dma_wait3A_82 = arith.constant 0 : i32
      %dma_wait3A_83 = tpu.memref_slice %arg2[%dma_wait3A_82] : memref<16777216xi32, #tpu.memory_space<hbm>> -> memref<16777216xi32, #tpu.memory_space<hbm>>
      tpu.wait_indirect_dma semaphore(%arg24 : memref<!tpu.dma_semaphore, #tpu.memory_space<semaphore_mem>>) src(%dma_wait3A_83 : memref<16777216xi32, #tpu.memory_space<hbm>>) dst(%arg12 : memref<16xi32, #tpu.memory_space<vmem>>)
      %dma_wait3A_84 = arith.constant 0 : i32
      %dma_wait3A_85 = tpu.memref_slice %arg2[%dma_wait3A_84] : memref<16777216xi32, #tpu.memory_space<hbm>> -> memref<16777216xi32, #tpu.memory_space<hbm>>
      tpu.wait_indirect_dma semaphore(%arg24 : memref<!tpu.dma_semaphore, #tpu.memory_space<semaphore_mem>>) src(%dma_wait3A_85 : memref<16777216xi32, #tpu.memory_space<hbm>>) dst(%arg13 : memref<16xi32, #tpu.memory_space<vmem>>)
      %dma_wait3A_86 = arith.constant 0 : i32
      %dma_wait3A_87 = tpu.memref_slice %arg2[%dma_wait3A_86] : memref<16777216xi32, #tpu.memory_space<hbm>> -> memref<16777216xi32, #tpu.memory_space<hbm>>
      tpu.wait_indirect_dma semaphore(%arg24 : memref<!tpu.dma_semaphore, #tpu.memory_space<semaphore_mem>>) src(%dma_wait3A_87 : memref<16777216xi32, #tpu.memory_space<hbm>>) dst(%arg14 : memref<16xi32, #tpu.memory_space<vmem>>)
      %dma_wait3A_88 = arith.constant 0 : i32
      %dma_wait3A_89 = tpu.memref_slice %arg2[%dma_wait3A_88] : memref<16777216xi32, #tpu.memory_space<hbm>> -> memref<16777216xi32, #tpu.memory_space<hbm>>
      tpu.wait_indirect_dma semaphore(%arg24 : memref<!tpu.dma_semaphore, #tpu.memory_space<semaphore_mem>>) src(%dma_wait3A_89 : memref<16777216xi32, #tpu.memory_space<hbm>>) dst(%arg15 : memref<16xi32, #tpu.memory_space<vmem>>)
      %dma_wait3A_90 = arith.constant 0 : i32
      %dma_wait3A_91 = tpu.memref_slice %arg2[%dma_wait3A_90] : memref<16777216xi32, #tpu.memory_space<hbm>> -> memref<16777216xi32, #tpu.memory_space<hbm>>
      tpu.wait_indirect_dma semaphore(%arg24 : memref<!tpu.dma_semaphore, #tpu.memory_space<semaphore_mem>>) src(%dma_wait3A_91 : memref<16777216xi32, #tpu.memory_space<hbm>>) dst(%arg16 : memref<16xi32, #tpu.memory_space<vmem>>)
      %dma_wait3A_92 = arith.constant 0 : i32
      %dma_wait3A_93 = tpu.memref_slice %arg2[%dma_wait3A_92] : memref<16777216xi32, #tpu.memory_space<hbm>> -> memref<16777216xi32, #tpu.memory_space<hbm>>
      tpu.wait_indirect_dma semaphore(%arg24 : memref<!tpu.dma_semaphore, #tpu.memory_space<semaphore_mem>>) src(%dma_wait3A_93 : memref<16777216xi32, #tpu.memory_space<hbm>>) dst(%arg17 : memref<16xi32, #tpu.memory_space<vmem>>)
      %get3A_94 = arith.constant 0 : index
      %get3A_95 = tpu.vector_load %arg10[%get3A_94] {strides = array<i32>} : memref<16xi32, #tpu.memory_space<vmem>>, vector<16xi32>,
      %get3A_96 = vector.shape_cast %get3A_95 : vector<16xi32> to vector<16xi32>
      %bitcast3A = vector.bitcast %get3A_96 : vector<16xi32> to vector<16xi32>
      %get3A_97 = arith.constant 0 : index
      %get3A_98 = tpu.vector_load %arg11[%get3A_97] {strides = array<i32>} : memref<16xi32, #tpu.memory_space<vmem>>, vector<16xi32>,
      %get3A_99 = vector.shape_cast %get3A_98 : vector<16xi32> to vector<16xi32>
      %bitcast3A_100 = vector.bitcast %get3A_99 : vector<16xi32> to vector<16xi32>
      %get3A_101 = arith.constant 0 : index
      %get3A_102 = tpu.vector_load %arg12[%get3A_101] {strides = array<i32>} : memref<16xi32, #tpu.memory_space<vmem>>, vector<16xi32>,
      %get3A_103 = vector.shape_cast %get3A_102 : vector<16xi32> to vector<16xi32>
      %bitcast3A_104 = vector.bitcast %get3A_103 : vector<16xi32> to vector<16xi32>
      %get3A_105 = arith.constant 0 : index
      %get3A_106 = tpu.vector_load %arg13[%get3A_105] {strides = array<i32>} : memref<16xi32, #tpu.memory_space<vmem>>, vector<16xi32>,
      %get3A_107 = vector.shape_cast %get3A_106 : vector<16xi32> to vector<16xi32>
      %bitcast3A_108 = vector.bitcast %get3A_107 : vector<16xi32> to vector<16xi32>
      %get3A_109 = arith.constant 0 : index
      %get3A_110 = tpu.vector_load %arg14[%get3A_109] {strides = array<i32>} : memref<16xi32, #tpu.memory_space<vmem>>, vector<16xi32>,
      %get3A_111 = vector.shape_cast %get3A_110 : vector<16xi32> to vector<16xi32>
      %bitcast3A_112 = vector.bitcast %get3A_111 : vector<16xi32> to vector<16xi32>
      %get3A_113 = arith.constant 0 : index
      %get3A_114 = tpu.vector_load %arg15[%get3A_113] {strides = array<i32>} : memref<16xi32, #tpu.memory_space<vmem>>, vector<16xi32>,
      %get3A_115 = vector.shape_cast %get3A_114 : vector<16xi32> to vector<16xi32>
      %bitcast3A_116 = vector.bitcast %get3A_115 : vector<16xi32> to vector<16xi32>
      %get3A_117 = arith.constant 0 : index
      %get3A_118 = tpu.vector_load %arg16[%get3A_117] {strides = array<i32>} : memref<16xi32, #tpu.memory_space<vmem>>, vector<16xi32>,
      %get3A_119 = vector.shape_cast %get3A_118 : vector<16xi32> to vector<16xi32>
      %bitcast3A_120 = vector.bitcast %get3A_119 : vector<16xi32> to vector<16xi32>
      %get3A_121 = arith.constant 0 : index
      %get3A_122 = tpu.vector_load %arg17[%get3A_121] {strides = array<i32>} : memref<16xi32, #tpu.memory_space<vmem>>, vector<16xi32>,
      %get3A_123 = vector.shape_cast %get3A_122 : vector<16xi32> to vector<16xi32>
      %bitcast3A_124 = vector.bitcast %get3A_123 : vector<16xi32> to vector<16xi32>
      %shift_left3A = arith.constant 8 : i32
      %shift_left3A_125 = vector.broadcast %shift_left3A : i32 to vector<16xi32>
      %shift_left3A_126 = arith.shli %bitcast3A_100, %shift_left3A_125 : vector<16xi32>
      %add3A_127 = arith.addi %bitcast3A, %shift_left3A_126 : vector<16xi32>
      %shift_left3A_128 = arith.constant 16 : i32
      %shift_left3A_129 = vector.broadcast %shift_left3A_128 : i32 to vector<16xi32>
      %shift_left3A_130 = arith.shli %bitcast3A_104, %shift_left3A_129 : vector<16xi32>
      %add3A_131 = arith.addi %add3A_127, %shift_left3A_130 : vector<16xi32>
      %shift_left3A_132 = arith.constant 24 : i32
      %shift_left3A_133 = vector.broadcast %shift_left3A_132 : i32 to vector<16xi32>
      %shift_left3A_134 = arith.shli %bitcast3A_108, %shift_left3A_133 : vector<16xi32>
      %add3A_135 = arith.addi %add3A_131, %shift_left3A_134 : vector<16xi32>
      %shift_left3A_136 = arith.constant 8 : i32
      %shift_left3A_137 = vector.broadcast %shift_left3A_136 : i32 to vector<16xi32>
      %shift_left3A_138 = arith.shli %bitcast3A_116, %shift_left3A_137 : vector<16xi32>
      %add3A_139 = arith.addi %bitcast3A_112, %shift_left3A_138 : vector<16xi32>
      %shift_left3A_140 = arith.constant 16 : i32
      %shift_left3A_141 = vector.broadcast %shift_left3A_140 : i32 to vector<16xi32>
      %shift_left3A_142 = arith.shli %bitcast3A_120, %shift_left3A_141 : vector<16xi32>
      %add3A_143 = arith.addi %add3A_139, %shift_left3A_142 : vector<16xi32>
      %shift_left3A_144 = arith.constant 24 : i32
      %shift_left3A_145 = vector.broadcast %shift_left3A_144 : i32 to vector<16xi32>
      %shift_left3A_146 = arith.shli %bitcast3A_124, %shift_left3A_145 : vector<16xi32>
      %add3A_147 = arith.addi %add3A_143, %shift_left3A_146 : vector<16xi32>
      %slice3A_148 = vector.extract_strided_slice %add3A_135 {offsets = [0], sizes = [1], strides = [1]} : vector<16xi32> to vector<1xi32>
      %squeeze3A_149 = vector.extract %slice3A_148[0] : i32 from vector<1xi32>
      %slice3A_150 = vector.extract_strided_slice %add3A_147 {offsets = [0], sizes = [1], strides = [1]} : vector<16xi32> to vector<1xi32>
      %squeeze3A_151 = vector.extract %slice3A_150[0] : i32 from vector<1xi32>
      %slice3A_152 = vector.extract_strided_slice %add3A_135 {offsets = [1], sizes = [1], strides = [1]} : vector<16xi32> to vector<1xi32>
      %squeeze3A_153 = vector.extract %slice3A_152[0] : i32 from vector<1xi32>
      %slice3A_154 = vector.extract_strided_slice %add3A_147 {offsets = [1], sizes = [1], strides = [1]} : vector<16xi32> to vector<1xi32>
      %squeeze3A_155 = vector.extract %slice3A_154[0] : i32 from vector<1xi32>
      %and3A_156 = arith.constant 255 : i32
      %and3A_157 = arith.andi %squeeze3A_149, %and3A_156 : i32
      %shift_right_logical3A = arith.constant 8 : i32
      %shift_right_logical3A_158 = arith.shrui %squeeze3A_149, %shift_right_logical3A : i32
      %shift_left3A_159 = arith.constant 24 : i32
      %shift_left3A_160 = arith.shli %squeeze3A_151, %shift_left3A_159 : i32
      %or3A = arith.ori %shift_right_logical3A_158, %shift_left3A_160 : i32
      %shift_right_arithmetic3A = arith.constant 8 : i32
      %shift_right_arithmetic3A_161 = arith.shrsi %squeeze3A_151, %shift_right_arithmetic3A : i32
      %min3A = arith.constant 38 : i32
      %min3A_162 = arith.minsi %and3A_157, %min3A : i32
      %mul3A = arith.constant 4 : i32
      %mul3A_163 = arith.muli %min3A_162, %mul3A : i32
      %mul3A_164 = arith.constant 156 : i32
      %mul3A_165 = vector.broadcast %mul3A_164 : i32 to vector<16xi32>
      %mul3A_166 = arith.muli %iota3A, %mul3A_165 : vector<16xi32>
      %add3A_167 = arith.constant 0 : i32
      %add3A_168 = arith.addi %add3A_167, %mul3A_163 : i32
      %add3A_169 = arith.constant 0 : i32
      %add3A_170 = arith.addi %add3A_168, %add3A_169 : i32
      %add3A_171 = vector.broadcast %add3A_170 : i32 to vector<16xi32>
      %add3A_172 = arith.addi %mul3A_166, %add3A_171 : vector<16xi32>
      %dma_start3A_173 = arith.constant 0 : i32
      %dma_start3A_174 = tpu.memref_slice %arg20[%dma_start3A_173] : memref<256xf32, #tpu.memory_space<vmem>> -> memref<16xf32, #tpu.memory_space<vmem>>
      %dma_start3A_175 = arith.constant 0 : i32
      %dma_start3A_176 = tpu.memref_slice %arg5[%dma_start3A_175] : memref<9984xf32, #tpu.memory_space<hbm>> -> memref<9984xf32, #tpu.memory_space<hbm>>
      tpu.enqueue_indirect_dma source(%dma_start3A_176 : memref<9984xf32, #tpu.memory_space<hbm>>) target(%dma_start3A_174 : memref<16xf32, #tpu.memory_space<vmem>>) offsets(%add3A_172 : vector<16xi32>) semaphore(%arg25 : memref<!tpu.dma_semaphore, #tpu.memory_space<semaphore_mem>>)
      %mul3A_177 = arith.constant 156 : i32
      %mul3A_178 = vector.broadcast %mul3A_177 : i32 to vector<16xi32>
      %mul3A_179 = arith.muli %iota3A, %mul3A_178 : vector<16xi32>
      %add3A_180 = arith.constant 2496 : i32
      %add3A_181 = arith.addi %add3A_180, %mul3A_163 : i32
      %add3A_182 = arith.constant 0 : i32
      %add3A_183 = arith.addi %add3A_181, %add3A_182 : i32
      %add3A_184 = vector.broadcast %add3A_183 : i32 to vector<16xi32>
      %add3A_185 = arith.addi %mul3A_179, %add3A_184 : vector<16xi32>
      %dma_start3A_186 = arith.constant 16 : i32
      %dma_start3A_187 = tpu.memref_slice %arg20[%dma_start3A_186] : memref<256xf32, #tpu.memory_space<vmem>> -> memref<16xf32, #tpu.memory_space<vmem>>
      %dma_start3A_188 = arith.constant 0 : i32
      %dma_start3A_189 = tpu.memref_slice %arg5[%dma_start3A_188] : memref<9984xf32, #tpu.memory_space<hbm>> -> memref<9984xf32, #tpu.memory_space<hbm>>
      tpu.enqueue_indirect_dma source(%dma_start3A_189 : memref<9984xf32, #tpu.memory_space<hbm>>) target(%dma_start3A_187 : memref<16xf32, #tpu.memory_space<vmem>>) offsets(%add3A_185 : vector<16xi32>) semaphore(%arg25 : memref<!tpu.dma_semaphore, #tpu.memory_space<semaphore_mem>>)
      %mul3A_190 = arith.constant 156 : i32
      %mul3A_191 = vector.broadcast %mul3A_190 : i32 to vector<16xi32>
      %mul3A_192 = arith.muli %iota3A, %mul3A_191 : vector<16xi32>
      %add3A_193 = arith.constant 4992 : i32
      %add3A_194 = arith.addi %add3A_193, %mul3A_163 : i32
      %add3A_195 = arith.constant 0 : i32
      %add3A_196 = arith.addi %add3A_194, %add3A_195 : i32
      %add3A_197 = vector.broadcast %add3A_196 : i32 to vector<16xi32>
      %add3A_198 = arith.addi %mul3A_192, %add3A_197 : vector<16xi32>
      %dma_start3A_199 = arith.constant 32 : i32
      %dma_start3A_200 = tpu.memref_slice %arg20[%dma_start3A_199] : memref<256xf32, #tpu.memory_space<vmem>> -> memref<16xf32, #tpu.memory_space<vmem>>
      %dma_start3A_201 = arith.constant 0 : i32
      %dma_start3A_202 = tpu.memref_slice %arg5[%dma_start3A_201] : memref<9984xf32, #tpu.memory_space<hbm>> -> memref<9984xf32, #tpu.memory_space<hbm>>
      tpu.enqueue_indirect_dma source(%dma_start3A_202 : memref<9984xf32, #tpu.memory_space<hbm>>) target(%dma_start3A_200 : memref<16xf32, #tpu.memory_space<vmem>>) offsets(%add3A_198 : vector<16xi32>) semaphore(%arg25 : memref<!tpu.dma_semaphore, #tpu.memory_space<semaphore_mem>>)
      %mul3A_203 = arith.constant 156 : i32
      %mul3A_204 = vector.broadcast %mul3A_203 : i32 to vector<16xi32>
      %mul3A_205 = arith.muli %iota3A, %mul3A_204 : vector<16xi32>
      %add3A_206 = arith.constant 7488 : i32
      %add3A_207 = arith.addi %add3A_206, %mul3A_163 : i32
      %add3A_208 = arith.constant 0 : i32
      %add3A_209 = arith.addi %add3A_207, %add3A_208 : i32
      %add3A_210 = vector.broadcast %add3A_209 : i32 to vector<16xi32>
      %add3A_211 = arith.addi %mul3A_205, %add3A_210 : vector<16xi32>
      %dma_start3A_212 = arith.constant 48 : i32
      %dma_start3A_213 = tpu.memref_slice %arg20[%dma_start3A_212] : memref<256xf32, #tpu.memory_space<vmem>> -> memref<16xf32, #tpu.memory_space<vmem>>
      %dma_start3A_214 = arith.constant 0 : i32
      %dma_start3A_215 = tpu.memref_slice %arg5[%dma_start3A_214] : memref<9984xf32, #tpu.memory_space<hbm>> -> memref<9984xf32, #tpu.memory_space<hbm>>
      tpu.enqueue_indirect_dma source(%dma_start3A_215 : memref<9984xf32, #tpu.memory_space<hbm>>) target(%dma_start3A_213 : memref<16xf32, #tpu.memory_space<vmem>>) offsets(%add3A_211 : vector<16xi32>) semaphore(%arg25 : memref<!tpu.dma_semaphore, #tpu.memory_space<semaphore_mem>>)
      %mul3A_216 = arith.constant 156 : i32
      %mul3A_217 = vector.broadcast %mul3A_216 : i32 to vector<16xi32>
      %mul3A_218 = arith.muli %iota3A, %mul3A_217 : vector<16xi32>
      %add3A_219 = arith.constant 0 : i32
      %add3A_220 = arith.addi %add3A_219, %mul3A_163 : i32
      %add3A_221 = arith.constant 1 : i32
      %add3A_222 = arith.addi %add3A_220, %add3A_221 : i32
      %add3A_223 = vector.broadcast %add3A_222 : i32 to vector<16xi32>
      %add3A_224 = arith.addi %mul3A_218, %add3A_223 : vector<16xi32>
      %dma_start3A_225 = arith.constant 64 : i32
      %dma_start3A_226 = tpu.memref_slice %arg20[%dma_start3A_225] : memref<256xf32, #tpu.memory_space<vmem>> -> memref<16xf32, #tpu.memory_space<vmem>>
      %dma_start3A_227 = arith.constant 0 : i32
      %dma_start3A_228 = tpu.memref_slice %arg5[%dma_start3A_227] : memref<9984xf32, #tpu.memory_space<hbm>> -> memref<9984xf32, #tpu.memory_space<hbm>>
      tpu.enqueue_indirect_dma source(%dma_start3A_228 : memref<9984xf32, #tpu.memory_space<hbm>>) target(%dma_start3A_226 : memref<16xf32, #tpu.memory_space<vmem>>) offsets(%add3A_224 : vector<16xi32>) semaphore(%arg25 : memref<!tpu.dma_semaphore, #tpu.memory_space<semaphore_mem>>)
      %mul3A_229 = arith.constant 156 : i32
      %mul3A_230 = vector.broadcast %mul3A_229 : i32 to vector<16xi32>
      %mul3A_231 = arith.muli %iota3A, %mul3A_230 : vector<16xi32>
      %add3A_232 = arith.constant 2496 : i32
      %add3A_233 = arith.addi %add3A_232, %mul3A_163 : i32
      %add3A_234 = arith.constant 1 : i32
      %add3A_235 = arith.addi %add3A_233, %add3A_234 : i32
      %add3A_236 = vector.broadcast %add3A_235 : i32 to vector<16xi32>
      %add3A_237 = arith.addi %mul3A_231, %add3A_236 : vector<16xi32>
      %dma_start3A_238 = arith.constant 80 : i32
      %dma_start3A_239 = tpu.memref_slice %arg20[%dma_start3A_238] : memref<256xf32, #tpu.memory_space<vmem>> -> memref<16xf32, #tpu.memory_space<vmem>>
      %dma_start3A_240 = arith.constant 0 : i32
      %dma_start3A_241 = tpu.memref_slice %arg5[%dma_start3A_240] : memref<9984xf32, #tpu.memory_space<hbm>> -> memref<9984xf32, #tpu.memory_space<hbm>>
      tpu.enqueue_indirect_dma source(%dma_start3A_241 : memref<9984xf32, #tpu.memory_space<hbm>>) target(%dma_start3A_239 : memref<16xf32, #tpu.memory_space<vmem>>) offsets(%add3A_237 : vector<16xi32>) semaphore(%arg25 : memref<!tpu.dma_semaphore, #tpu.memory_space<semaphore_mem>>)
      %mul3A_242 = arith.constant 156 : i32
      %mul3A_243 = vector.broadcast %mul3A_242 : i32 to vector<16xi32>
      %mul3A_244 = arith.muli %iota3A, %mul3A_243 : vector<16xi32>
      %add3A_245 = arith.constant 4992 : i32
      %add3A_246 = arith.addi %add3A_245, %mul3A_163 : i32
      %add3A_247 = arith.constant 1 : i32
      %add3A_248 = arith.addi %add3A_246, %add3A_247 : i32
      %add3A_249 = vector.broadcast %add3A_248 : i32 to vector<16xi32>
      %add3A_250 = arith.addi %mul3A_244, %add3A_249 : vector<16xi32>
      %dma_start3A_251 = arith.constant 96 : i32
      %dma_start3A_252 = tpu.memref_slice %arg20[%dma_start3A_251] : memref<256xf32, #tpu.memory_space<vmem>> -> memref<16xf32, #tpu.memory_space<vmem>>
      %dma_start3A_253 = arith.constant 0 : i32
      %dma_start3A_254 = tpu.memref_slice %arg5[%dma_start3A_253] : memref<9984xf32, #tpu.memory_space<hbm>> -> memref<9984xf32, #tpu.memory_space<hbm>>
      tpu.enqueue_indirect_dma source(%dma_start3A_254 : memref<9984xf32, #tpu.memory_space<hbm>>) target(%dma_start3A_252 : memref<16xf32, #tpu.memory_space<vmem>>) offsets(%add3A_250 : vector<16xi32>) semaphore(%arg25 : memref<!tpu.dma_semaphore, #tpu.memory_space<semaphore_mem>>)
      %mul3A_255 = arith.constant 156 : i32
      %mul3A_256 = vector.broadcast %mul3A_255 : i32 to vector<16xi32>
      %mul3A_257 = arith.muli %iota3A, %mul3A_256 : vector<16xi32>
      %add3A_258 = arith.constant 7488 : i32
      %add3A_259 = arith.addi %add3A_258, %mul3A_163 : i32
      %add3A_260 = arith.constant 1 : i32
      %add3A_261 = arith.addi %add3A_259, %add3A_260 : i32
      %add3A_262 = vector.broadcast %add3A_261 : i32 to vector<16xi32>
      %add3A_263 = arith.addi %mul3A_257, %add3A_262 : vector<16xi32>
      %dma_start3A_264 = arith.constant 112 : i32
      %dma_start3A_265 = tpu.memref_slice %arg20[%dma_start3A_264] : memref<256xf32, #tpu.memory_space<vmem>> -> memref<16xf32, #tpu.memory_space<vmem>>
      %dma_start3A_266 = arith.constant 0 : i32
      %dma_start3A_267 = tpu.memref_slice %arg5[%dma_start3A_266] : memref<9984xf32, #tpu.memory_space<hbm>> -> memref<9984xf32, #tpu.memory_space<hbm>>
      tpu.enqueue_indirect_dma source(%dma_start3A_267 : memref<9984xf32, #tpu.memory_space<hbm>>) target(%dma_start3A_265 : memref<16xf32, #tpu.memory_space<vmem>>) offsets(%add3A_263 : vector<16xi32>) semaphore(%arg25 : memref<!tpu.dma_semaphore, #tpu.memory_space<semaphore_mem>>)
      %mul3A_268 = arith.constant 156 : i32
      %mul3A_269 = vector.broadcast %mul3A_268 : i32 to vector<16xi32>
      %mul3A_270 = arith.muli %iota3A, %mul3A_269 : vector<16xi32>
      %add3A_271 = arith.constant 0 : i32
      %add3A_272 = arith.addi %add3A_271, %mul3A_163 : i32
      %add3A_273 = arith.constant 2 : i32
      %add3A_274 = arith.addi %add3A_272, %add3A_273 : i32
      %add3A_275 = vector.broadcast %add3A_274 : i32 to vector<16xi32>
      %add3A_276 = arith.addi %mul3A_270, %add3A_275 : vector<16xi32>
      %dma_start3A_277 = arith.constant 128 : i32
      %dma_start3A_278 = tpu.memref_slice %arg20[%dma_start3A_277] : memref<256xf32, #tpu.memory_space<vmem>> -> memref<16xf32, #tpu.memory_space<vmem>>
      %dma_start3A_279 = arith.constant 0 : i32
      %dma_start3A_280 = tpu.memref_slice %arg5[%dma_start3A_279] : memref<9984xf32, #tpu.memory_space<hbm>> -> memref<9984xf32, #tpu.memory_space<hbm>>
      tpu.enqueue_indirect_dma source(%dma_start3A_280 : memref<9984xf32, #tpu.memory_space<hbm>>) target(%dma_start3A_278 : memref<16xf32, #tpu.memory_space<vmem>>) offsets(%add3A_276 : vector<16xi32>) semaphore(%arg25 : memref<!tpu.dma_semaphore, #tpu.memory_space<semaphore_mem>>)
      %mul3A_281 = arith.constant 156 : i32
      %mul3A_282 = vector.broadcast %mul3A_281 : i32 to vector<16xi32>
      %mul3A_283 = arith.muli %iota3A, %mul3A_282 : vector<16xi32>
      %add3A_284 = arith.constant 2496 : i32
      %add3A_285 = arith.addi %add3A_284, %mul3A_163 : i32
      %add3A_286 = arith.constant 2 : i32
      %add3A_287 = arith.addi %add3A_285, %add3A_286 : i32
      %add3A_288 = vector.broadcast %add3A_287 : i32 to vector<16xi32>
      %add3A_289 = arith.addi %mul3A_283, %add3A_288 : vector<16xi32>
      %dma_start3A_290 = arith.constant 144 : i32
      %dma_start3A_291 = tpu.memref_slice %arg20[%dma_start3A_290] : memref<256xf32, #tpu.memory_space<vmem>> -> memref<16xf32, #tpu.memory_space<vmem>>
      %dma_start3A_292 = arith.constant 0 : i32
      %dma_start3A_293 = tpu.memref_slice %arg5[%dma_start3A_292] : memref<9984xf32, #tpu.memory_space<hbm>> -> memref<9984xf32, #tpu.memory_space<hbm>>
      tpu.enqueue_indirect_dma source(%dma_start3A_293 : memref<9984xf32, #tpu.memory_space<hbm>>) target(%dma_start3A_291 : memref<16xf32, #tpu.memory_space<vmem>>) offsets(%add3A_289 : vector<16xi32>) semaphore(%arg25 : memref<!tpu.dma_semaphore, #tpu.memory_space<semaphore_mem>>)
      %mul3A_294 = arith.constant 156 : i32
      %mul3A_295 = vector.broadcast %mul3A_294 : i32 to vector<16xi32>
      %mul3A_296 = arith.muli %iota3A, %mul3A_295 : vector<16xi32>
      %add3A_297 = arith.constant 4992 : i32
      %add3A_298 = arith.addi %add3A_297, %mul3A_163 : i32
      %add3A_299 = arith.constant 2 : i32
      %add3A_300 = arith.addi %add3A_298, %add3A_299 : i32
      %add3A_301 = vector.broadcast %add3A_300 : i32 to vector<16xi32>
      %add3A_302 = arith.addi %mul3A_296, %add3A_301 : vector<16xi32>
      %dma_start3A_303 = arith.constant 160 : i32
      %dma_start3A_304 = tpu.memref_slice %arg20[%dma_start3A_303] : memref<256xf32, #tpu.memory_space<vmem>> -> memref<16xf32, #tpu.memory_space<vmem>>
      %dma_start3A_305 = arith.constant 0 : i32
      %dma_start3A_306 = tpu.memref_slice %arg5[%dma_start3A_305] : memref<9984xf32, #tpu.memory_space<hbm>> -> memref<9984xf32, #tpu.memory_space<hbm>>
      tpu.enqueue_indirect_dma source(%dma_start3A_306 : memref<9984xf32, #tpu.memory_space<hbm>>) target(%dma_start3A_304 : memref<16xf32, #tpu.memory_space<vmem>>) offsets(%add3A_302 : vector<16xi32>) semaphore(%arg25 : memref<!tpu.dma_semaphore, #tpu.memory_space<semaphore_mem>>)
      %mul3A_307 = arith.constant 156 : i32
      %mul3A_308 = vector.broadcast %mul3A_307 : i32 to vector<16xi32>
      %mul3A_309 = arith.muli %iota3A, %mul3A_308 : vector<16xi32>
      %add3A_310 = arith.constant 7488 : i32
      %add3A_311 = arith.addi %add3A_310, %mul3A_163 : i32
      %add3A_312 = arith.constant 2 : i32
      %add3A_313 = arith.addi %add3A_311, %add3A_312 : i32
      %add3A_314 = vector.broadcast %add3A_313 : i32 to vector<16xi32>
      %add3A_315 = arith.addi %mul3A_309, %add3A_314 : vector<16xi32>
      %dma_start3A_316 = arith.constant 176 : i32
      %dma_start3A_317 = tpu.memref_slice %arg20[%dma_start3A_316] : memref<256xf32, #tpu.memory_space<vmem>> -> memref<16xf32, #tpu.memory_space<vmem>>
      %dma_start3A_318 = arith.constant 0 : i32
      %dma_start3A_319 = tpu.memref_slice %arg5[%dma_start3A_318] : memref<9984xf32, #tpu.memory_space<hbm>> -> memref<9984xf32, #tpu.memory_space<hbm>>
      tpu.enqueue_indirect_dma source(%dma_start3A_319 : memref<9984xf32, #tpu.memory_space<hbm>>) target(%dma_start3A_317 : memref<16xf32, #tpu.memory_space<vmem>>) offsets(%add3A_315 : vector<16xi32>) semaphore(%arg25 : memref<!tpu.dma_semaphore, #tpu.memory_space<semaphore_mem>>)
      %mul3A_320 = arith.constant 156 : i32
      %mul3A_321 = vector.broadcast %mul3A_320 : i32 to vector<16xi32>
      %mul3A_322 = arith.muli %iota3A, %mul3A_321 : vector<16xi32>
      %add3A_323 = arith.constant 0 : i32
      %add3A_324 = arith.addi %add3A_323, %mul3A_163 : i32
      %add3A_325 = arith.constant 3 : i32
      %add3A_326 = arith.addi %add3A_324, %add3A_325 : i32
      %add3A_327 = vector.broadcast %add3A_326 : i32 to vector<16xi32>
      %add3A_328 = arith.addi %mul3A_322, %add3A_327 : vector<16xi32>
      %dma_start3A_329 = arith.constant 192 : i32
      %dma_start3A_330 = tpu.memref_slice %arg20[%dma_start3A_329] : memref<256xf32, #tpu.memory_space<vmem>> -> memref<16xf32, #tpu.memory_space<vmem>>
      %dma_start3A_331 = arith.constant 0 : i32
      %dma_start3A_332 = tpu.memref_slice %arg5[%dma_start3A_331] : memref<9984xf32, #tpu.memory_space<hbm>> -> memref<9984xf32, #tpu.memory_space<hbm>>
      tpu.enqueue_indirect_dma source(%dma_start3A_332 : memref<9984xf32, #tpu.memory_space<hbm>>) target(%dma_start3A_330 : memref<16xf32, #tpu.memory_space<vmem>>) offsets(%add3A_328 : vector<16xi32>) semaphore(%arg25 : memref<!tpu.dma_semaphore, #tpu.memory_space<semaphore_mem>>)
      %mul3A_333 = arith.constant 156 : i32
      %mul3A_334 = vector.broadcast %mul3A_333 : i32 to vector<16xi32>
      %mul3A_335 = arith.muli %iota3A, %mul3A_334 : vector<16xi32>
      %add3A_336 = arith.constant 2496 : i32
      %add3A_337 = arith.addi %add3A_336, %mul3A_163 : i32
      %add3A_338 = arith.constant 3 : i32
      %add3A_339 = arith.addi %add3A_337, %add3A_338 : i32
      %add3A_340 = vector.broadcast %add3A_339 : i32 to vector<16xi32>
      %add3A_341 = arith.addi %mul3A_335, %add3A_340 : vector<16xi32>
      %dma_start3A_342 = arith.constant 208 : i32
      %dma_start3A_343 = tpu.memref_slice %arg20[%dma_start3A_342] : memref<256xf32, #tpu.memory_space<vmem>> -> memref<16xf32, #tpu.memory_space<vmem>>
      %dma_start3A_344 = arith.constant 0 : i32
      %dma_start3A_345 = tpu.memref_slice %arg5[%dma_start3A_344] : memref<9984xf32, #tpu.memory_space<hbm>> -> memref<9984xf32, #tpu.memory_space<hbm>>
      tpu.enqueue_indirect_dma source(%dma_start3A_345 : memref<9984xf32, #tpu.memory_space<hbm>>) target(%dma_start3A_343 : memref<16xf32, #tpu.memory_space<vmem>>) offsets(%add3A_341 : vector<16xi32>) semaphore(%arg25 : memref<!tpu.dma_semaphore, #tpu.memory_space<semaphore_mem>>)
      %mul3A_346 = arith.constant 156 : i32
      %mul3A_347 = vector.broadcast %mul3A_346 : i32 to vector<16xi32>
      %mul3A_348 = arith.muli %iota3A, %mul3A_347 : vector<16xi32>
      %add3A_349 = arith.constant 4992 : i32
      %add3A_350 = arith.addi %add3A_349, %mul3A_163 : i32
      %add3A_351 = arith.constant 3 : i32
      %add3A_352 = arith.addi %add3A_350, %add3A_351 : i32
      %add3A_353 = vector.broadcast %add3A_352 : i32 to vector<16xi32>
      %add3A_354 = arith.addi %mul3A_348, %add3A_353 : vector<16xi32>
      %dma_start3A_355 = arith.constant 224 : i32
      %dma_start3A_356 = tpu.memref_slice %arg20[%dma_start3A_355] : memref<256xf32, #tpu.memory_space<vmem>> -> memref<16xf32, #tpu.memory_space<vmem>>
      %dma_start3A_357 = arith.constant 0 : i32
      %dma_start3A_358 = tpu.memref_slice %arg5[%dma_start3A_357] : memref<9984xf32, #tpu.memory_space<hbm>> -> memref<9984xf32, #tpu.memory_space<hbm>>
      tpu.enqueue_indirect_dma source(%dma_start3A_358 : memref<9984xf32, #tpu.memory_space<hbm>>) target(%dma_start3A_356 : memref<16xf32, #tpu.memory_space<vmem>>) offsets(%add3A_354 : vector<16xi32>) semaphore(%arg25 : memref<!tpu.dma_semaphore, #tpu.memory_space<semaphore_mem>>)
      %mul3A_359 = arith.constant 156 : i32
      %mul3A_360 = vector.broadcast %mul3A_359 : i32 to vector<16xi32>
      %mul3A_361 = arith.muli %iota3A, %mul3A_360 : vector<16xi32>
      %add3A_362 = arith.constant 7488 : i32
      %add3A_363 = arith.addi %add3A_362, %mul3A_163 : i32
      %add3A_364 = arith.constant 3 : i32
      %add3A_365 = arith.addi %add3A_363, %add3A_364 : i32
      %add3A_366 = vector.broadcast %add3A_365 : i32 to vector<16xi32>
      %add3A_367 = arith.addi %mul3A_361, %add3A_366 : vector<16xi32>
      %dma_start3A_368 = arith.constant 240 : i32
      %dma_start3A_369 = tpu.memref_slice %arg20[%dma_start3A_368] : memref<256xf32, #tpu.memory_space<vmem>> -> memref<16xf32, #tpu.memory_space<vmem>>
      %dma_start3A_370 = arith.constant 0 : i32
      %dma_start3A_371 = tpu.memref_slice %arg5[%dma_start3A_370] : memref<9984xf32, #tpu.memory_space<hbm>> -> memref<9984xf32, #tpu.memory_space<hbm>>
      tpu.enqueue_indirect_dma source(%dma_start3A_371 : memref<9984xf32, #tpu.memory_space<hbm>>) target(%dma_start3A_369 : memref<16xf32, #tpu.memory_space<vmem>>) offsets(%add3A_367 : vector<16xi32>) semaphore(%arg25 : memref<!tpu.dma_semaphore, #tpu.memory_space<semaphore_mem>>)
      %and3A_372 = arith.constant 3 : i32
      %and3A_373 = vector.broadcast %and3A_372 : i32 to vector<16xi32>
      %and3A_374 = arith.andi %iota3A, %and3A_373 : vector<16xi32>
      %add3A_375 = vector.broadcast %mul3A_163 : i32 to vector<16xi32>
      %add3A_376 = arith.addi %add3A_375, %and3A_374 : vector<16xi32>
      %dma_start3A_377 = arith.constant 0 : i32
      %dma_start3A_378 = tpu.memref_slice %arg7[%dma_start3A_377] : memref<156xf32, #tpu.memory_space<hbm>> -> memref<156xf32, #tpu.memory_space<hbm>>
      tpu.enqueue_indirect_dma source(%dma_start3A_378 : memref<156xf32, #tpu.memory_space<hbm>>) target(%arg21 : memref<16xf32, #tpu.memory_space<vmem>>) offsets(%add3A_376 : vector<16xi32>) semaphore(%arg25 : memref<!tpu.dma_semaphore, #tpu.memory_space<semaphore_mem>>)
      %convert_element_type3A_379 = arith.sitofp %squeeze3A : i32 to f32
      %mul3A_380 = arith.constant 6.553700e+04 : f32
      %mul3A_381 = arith.mulf %convert_element_type3A_379, %mul3A_380 : f32
      %sub3A = arith.subf %mul3A_381, %convert_element_type3A_379 : f32
      %sub3A_382 = arith.subf %mul3A_381, %sub3A : f32
      %convert_element_type3A_383 = arith.sitofp %squeeze3A_8 : i32 to f32
      %mul3A_384 = arith.constant 6.553700e+04 : f32
      %mul3A_385 = arith.mulf %convert_element_type3A_383, %mul3A_384 : f32
      %sub3A_386 = arith.subf %mul3A_385, %convert_element_type3A_383 : f32
      %sub3A_387 = arith.subf %mul3A_385, %sub3A_386 : f32
      %convert_element_type3A_388 = arith.sitofp %squeeze3A_10 : i32 to f32
      %mul3A_389 = arith.constant 6.553700e+04 : f32
      %mul3A_390 = arith.mulf %convert_element_type3A_388, %mul3A_389 : f32
      %sub3A_391 = arith.subf %mul3A_390, %convert_element_type3A_388 : f32
      %sub3A_392 = arith.subf %mul3A_390, %sub3A_391 : f32
      %convert_element_type3A_393 = arith.sitofp %squeeze3A_12 : i32 to f32
      %mul3A_394 = arith.constant 6.553700e+04 : f32
      %mul3A_395 = arith.mulf %convert_element_type3A_393, %mul3A_394 : f32
      %sub3A_396 = arith.subf %mul3A_395, %convert_element_type3A_393 : f32
      %sub3A_397 = arith.subf %mul3A_395, %sub3A_396 : f32
      %lt3A = arith.constant 0 : i32
      %lt3A_398 = arith.cmpi slt, %shift_right_arithmetic3A_161, %lt3A : i32
      %neg3A = arith.constant 0 : i32
      %neg3A_399 = arith.subi %neg3A, %or3A : i32
      %select_n3A_400 = arith.select %lt3A_398, %neg3A_399, %or3A : i32
      %not3A = arith.constant -1 : i32
      %not3A_401 = arith.xori %shift_right_arithmetic3A_161, %not3A : i32
      %eq3A_402 = arith.constant 0 : i32
      %eq3A_403 = arith.cmpi eq, %or3A, %eq3A_402 : i32
      %jit3A = arith.constant 1 : i32
      %jit3A_404 = arith.constant 0 : i32
      %select_n3A_405 = arith.select %eq3A_403, %jit3A, %jit3A_404 : i32
      %add3A_406 = arith.addi %not3A_401, %select_n3A_405 : i32
      %select_n3A_407 = arith.select %lt3A_398, %add3A_406, %shift_right_arithmetic3A_161 : i32
      %and3A_408 = arith.constant 2147483647 : i32
      %and3A_409 = arith.andi %select_n3A_407, %and3A_408 : i32
      %convert_element_type3A_410 = arith.sitofp %and3A_409 : i32 to f32
      %lt3A_411 = arith.constant 0 : i32
      %lt3A_412 = arith.cmpi slt, %select_n3A_407, %lt3A_411 : i32
      %jit3A_413 = arith.constant 2.14748365E+9 : f32
      %jit3A_414 = arith.constant 0.000000e+00 : f32
      %select_n3A_415 = arith.select %lt3A_412, %jit3A_413, %jit3A_414 : f32
      %add3A_416 = arith.addf %convert_element_type3A_410, %select_n3A_415 : f32
      %mul3A_417 = arith.constant 4.2949673E+9 : f32
      %mul3A_418 = arith.mulf %add3A_416, %mul3A_417 : f32
      %and3A_419 = arith.constant 2147483647 : i32
      %and3A_420 = arith.andi %select_n3A_400, %and3A_419 : i32
      %convert_element_type3A_421 = arith.sitofp %and3A_420 : i32 to f32
      %lt3A_422 = arith.constant 0 : i32
      %lt3A_423 = arith.cmpi slt, %select_n3A_400, %lt3A_422 : i32
      %jit3A_424 = arith.constant 2.14748365E+9 : f32
      %jit3A_425 = arith.constant 0.000000e+00 : f32
      %select_n3A_426 = arith.select %lt3A_423, %jit3A_424, %jit3A_425 : f32
      %add3A_427 = arith.addf %convert_element_type3A_421, %select_n3A_426 : f32
      %add3A_428 = arith.addf %mul3A_418, %add3A_427 : f32
      %neg3A_429 = arith.constant 0.000000e+00 : f32
      %neg3A_430 = arith.subf %neg3A_429, %add3A_428 : f32
      %select_n3A_431 = arith.select %lt3A_398, %neg3A_430, %add3A_428 : f32
      %mul3A_432 = arith.constant 6.553700e+04 : f32
      %mul3A_433 = arith.mulf %select_n3A_431, %mul3A_432 : f32
      %sub3A_434 = arith.subf %mul3A_433, %select_n3A_431 : f32
      %sub3A_435 = arith.subf %mul3A_433, %sub3A_434 : f32
      %lt3A_436 = arith.constant 0 : i32
      %lt3A_437 = arith.cmpi slt, %squeeze3A_155, %lt3A_436 : i32
      %neg3A_438 = arith.constant 0 : i32
      %neg3A_439 = arith.subi %neg3A_438, %squeeze3A_153 : i32
      %select_n3A_440 = arith.select %lt3A_437, %neg3A_439, %squeeze3A_153 : i32
      %not3A_441 = arith.constant -1 : i32
      %not3A_442 = arith.xori %squeeze3A_155, %not3A_441 : i32
      %eq3A_443 = arith.constant 0 : i32
      %eq3A_444 = arith.cmpi eq, %squeeze3A_153, %eq3A_443 : i32
      %jit3A_445 = arith.constant 1 : i32
      %jit3A_446 = arith.constant 0 : i32
      %select_n3A_447 = arith.select %eq3A_444, %jit3A_445, %jit3A_446 : i32
      %add3A_448 = arith.addi %not3A_442, %select_n3A_447 : i32
      %select_n3A_449 = arith.select %lt3A_437, %add3A_448, %squeeze3A_155 : i32
      %and3A_450 = arith.constant 2147483647 : i32
      %and3A_451 = arith.andi %select_n3A_449, %and3A_450 : i32
      %convert_element_type3A_452 = arith.sitofp %and3A_451 : i32 to f32
      %lt3A_453 = arith.constant 0 : i32
      %lt3A_454 = arith.cmpi slt, %select_n3A_449, %lt3A_453 : i32
      %jit3A_455 = arith.constant 2.14748365E+9 : f32
      %jit3A_456 = arith.constant 0.000000e+00 : f32
      %select_n3A_457 = arith.select %lt3A_454, %jit3A_455, %jit3A_456 : f32
      %add3A_458 = arith.addf %convert_element_type3A_452, %select_n3A_457 : f32
      %mul3A_459 = arith.constant 4.2949673E+9 : f32
      %mul3A_460 = arith.mulf %add3A_458, %mul3A_459 : f32
      %and3A_461 = arith.constant 2147483647 : i32
      %and3A_462 = arith.andi %select_n3A_440, %and3A_461 : i32
      %convert_element_type3A_463 = arith.sitofp %and3A_462 : i32 to f32
      %lt3A_464 = arith.constant 0 : i32
      %lt3A_465 = arith.cmpi slt, %select_n3A_440, %lt3A_464 : i32
      %jit3A_466 = arith.constant 2.14748365E+9 : f32
      %jit3A_467 = arith.constant 0.000000e+00 : f32
      %select_n3A_468 = arith.select %lt3A_465, %jit3A_466, %jit3A_467 : f32
      %add3A_469 = arith.addf %convert_element_type3A_463, %select_n3A_468 : f32
      %add3A_470 = arith.addf %mul3A_460, %add3A_469 : f32
      %neg3A_471 = arith.constant 0.000000e+00 : f32
      %neg3A_472 = arith.subf %neg3A_471, %add3A_470 : f32
      %select_n3A_473 = arith.select %lt3A_437, %neg3A_472, %add3A_470 : f32
      %mul3A_474 = arith.constant 6.553700e+04 : f32
      %mul3A_475 = arith.mulf %select_n3A_473, %mul3A_474 : f32
      %sub3A_476 = arith.subf %mul3A_475, %select_n3A_473 : f32
      %sub3A_477 = arith.subf %mul3A_475, %sub3A_476 : f32
      %slice3A_478 = vector.extract_strided_slice %add3A_135 {offsets = [2], sizes = [1], strides = [1]} : vector<16xi32> to vector<1xi32>
      %squeeze3A_479 = vector.extract %slice3A_478[0] : i32 from vector<1xi32>
      %slice3A_480 = vector.extract_strided_slice %add3A_147 {offsets = [2], sizes = [1], strides = [1]} : vector<16xi32> to vector<1xi32>
      %squeeze3A_481 = vector.extract %slice3A_480[0] : i32 from vector<1xi32>
      %lt3A_482 = arith.constant 0 : i32
      %lt3A_483 = arith.cmpi slt, %squeeze3A_481, %lt3A_482 : i32
      %neg3A_484 = arith.constant 0 : i32
      %neg3A_485 = arith.subi %neg3A_484, %squeeze3A_479 : i32
      %select_n3A_486 = arith.select %lt3A_483, %neg3A_485, %squeeze3A_479 : i32
      %not3A_487 = arith.constant -1 : i32
      %not3A_488 = arith.xori %squeeze3A_481, %not3A_487 : i32
      %eq3A_489 = arith.constant 0 : i32
      %eq3A_490 = arith.cmpi eq, %squeeze3A_479, %eq3A_489 : i32
      %jit3A_491 = arith.constant 1 : i32
      %jit3A_492 = arith.constant 0 : i32
      %select_n3A_493 = arith.select %eq3A_490, %jit3A_491, %jit3A_492 : i32
      %add3A_494 = arith.addi %not3A_488, %select_n3A_493 : i32
      %select_n3A_495 = arith.select %lt3A_483, %add3A_494, %squeeze3A_481 : i32
      %and3A_496 = arith.constant 2147483647 : i32
      %and3A_497 = arith.andi %select_n3A_495, %and3A_496 : i32
      %convert_element_type3A_498 = arith.sitofp %and3A_497 : i32 to f32
      %lt3A_499 = arith.constant 0 : i32
      %lt3A_500 = arith.cmpi slt, %select_n3A_495, %lt3A_499 : i32
      %jit3A_501 = arith.constant 2.14748365E+9 : f32
      %jit3A_502 = arith.constant 0.000000e+00 : f32
      %select_n3A_503 = arith.select %lt3A_500, %jit3A_501, %jit3A_502 : f32
      %add3A_504 = arith.addf %convert_element_type3A_498, %select_n3A_503 : f32
      %mul3A_505 = arith.constant 4.2949673E+9 : f32
      %mul3A_506 = arith.mulf %add3A_504, %mul3A_505 : f32
      %and3A_507 = arith.constant 2147483647 : i32
      %and3A_508 = arith.andi %select_n3A_486, %and3A_507 : i32
      %convert_element_type3A_509 = arith.sitofp %and3A_508 : i32 to f32
      %lt3A_510 = arith.constant 0 : i32
      %lt3A_511 = arith.cmpi slt, %select_n3A_486, %lt3A_510 : i32
      %jit3A_512 = arith.constant 2.14748365E+9 : f32
      %jit3A_513 = arith.constant 0.000000e+00 : f32
      %select_n3A_514 = arith.select %lt3A_511, %jit3A_512, %jit3A_513 : f32
      %add3A_515 = arith.addf %convert_element_type3A_509, %select_n3A_514 : f32
      %add3A_516 = arith.addf %mul3A_506, %add3A_515 : f32
      %neg3A_517 = arith.constant 0.000000e+00 : f32
      %neg3A_518 = arith.subf %neg3A_517, %add3A_516 : f32
      %select_n3A_519 = arith.select %lt3A_483, %neg3A_518, %add3A_516 : f32
      %mul3A_520 = arith.constant 6.553700e+04 : f32
      %mul3A_521 = arith.mulf %select_n3A_519, %mul3A_520 : f32
      %sub3A_522 = arith.subf %mul3A_521, %select_n3A_519 : f32
      %sub3A_523 = arith.subf %mul3A_521, %sub3A_522 : f32
      %slice3A_524 = vector.extract_strided_slice %add3A_135 {offsets = [3], sizes = [1], strides = [1]} : vector<16xi32> to vector<1xi32>
      %squeeze3A_525 = vector.extract %slice3A_524[0] : i32 from vector<1xi32>
      %slice3A_526 = vector.extract_strided_slice %add3A_147 {offsets = [3], sizes = [1], strides = [1]} : vector<16xi32> to vector<1xi32>
      %squeeze3A_527 = vector.extract %slice3A_526[0] : i32 from vector<1xi32>
      %lt3A_528 = arith.constant 0 : i32
      %lt3A_529 = arith.cmpi slt, %squeeze3A_527, %lt3A_528 : i32
      %neg3A_530 = arith.constant 0 : i32
      %neg3A_531 = arith.subi %neg3A_530, %squeeze3A_525 : i32
      %select_n3A_532 = arith.select %lt3A_529, %neg3A_531, %squeeze3A_525 : i32
      %not3A_533 = arith.constant -1 : i32
      %not3A_534 = arith.xori %squeeze3A_527, %not3A_533 : i32
      %eq3A_535 = arith.constant 0 : i32
      %eq3A_536 = arith.cmpi eq, %squeeze3A_525, %eq3A_535 : i32
      %jit3A_537 = arith.constant 1 : i32
      %jit3A_538 = arith.constant 0 : i32
      %select_n3A_539 = arith.select %eq3A_536, %jit3A_537, %jit3A_538 : i32
      %add3A_540 = arith.addi %not3A_534, %select_n3A_539 : i32
      %select_n3A_541 = arith.select %lt3A_529, %add3A_540, %squeeze3A_527 : i32
      %and3A_542 = arith.constant 2147483647 : i32
      %and3A_543 = arith.andi %select_n3A_541, %and3A_542 : i32
      %convert_element_type3A_544 = arith.sitofp %and3A_543 : i32 to f32
      %lt3A_545 = arith.constant 0 : i32
      %lt3A_546 = arith.cmpi slt, %select_n3A_541, %lt3A_545 : i32
      %jit3A_547 = arith.constant 2.14748365E+9 : f32
      %jit3A_548 = arith.constant 0.000000e+00 : f32
      %select_n3A_549 = arith.select %lt3A_546, %jit3A_547, %jit3A_548 : f32
      %add3A_550 = arith.addf %convert_element_type3A_544, %select_n3A_549 : f32
      %mul3A_551 = arith.constant 4.2949673E+9 : f32
      %mul3A_552 = arith.mulf %add3A_550, %mul3A_551 : f32
      %and3A_553 = arith.constant 2147483647 : i32
      %and3A_554 = arith.andi %select_n3A_532, %and3A_553 : i32
      %convert_element_type3A_555 = arith.sitofp %and3A_554 : i32 to f32
      %lt3A_556 = arith.constant 0 : i32
      %lt3A_557 = arith.cmpi slt, %select_n3A_532, %lt3A_556 : i32
      %jit3A_558 = arith.constant 2.14748365E+9 : f32
      %jit3A_559 = arith.constant 0.000000e+00 : f32
      %select_n3A_560 = arith.select %lt3A_557, %jit3A_558, %jit3A_559 : f32
      %add3A_561 = arith.addf %convert_element_type3A_555, %select_n3A_560 : f32
      %add3A_562 = arith.addf %mul3A_552, %add3A_561 : f32
      %neg3A_563 = arith.constant 0.000000e+00 : f32
      %neg3A_564 = arith.subf %neg3A_563, %add3A_562 : f32
      %select_n3A_565 = arith.select %lt3A_529, %neg3A_564, %add3A_562 : f32
      %mul3A_566 = arith.constant 6.553700e+04 : f32
      %mul3A_567 = arith.mulf %select_n3A_565, %mul3A_566 : f32
      %sub3A_568 = arith.subf %mul3A_567, %select_n3A_565 : f32
      %sub3A_569 = arith.subf %mul3A_567, %sub3A_568 : f32
      %slice3A_570 = vector.extract_strided_slice %add3A_135 {offsets = [4], sizes = [1], strides = [1]} : vector<16xi32> to vector<1xi32>
      %squeeze3A_571 = vector.extract %slice3A_570[0] : i32 from vector<1xi32>
      %slice3A_572 = vector.extract_strided_slice %add3A_147 {offsets = [4], sizes = [1], strides = [1]} : vector<16xi32> to vector<1xi32>
      %squeeze3A_573 = vector.extract %slice3A_572[0] : i32 from vector<1xi32>
      %lt3A_574 = arith.constant 0 : i32
      %lt3A_575 = arith.cmpi slt, %squeeze3A_573, %lt3A_574 : i32
      %neg3A_576 = arith.constant 0 : i32
      %neg3A_577 = arith.subi %neg3A_576, %squeeze3A_571 : i32
      %select_n3A_578 = arith.select %lt3A_575, %neg3A_577, %squeeze3A_571 : i32
      %not3A_579 = arith.constant -1 : i32
      %not3A_580 = arith.xori %squeeze3A_573, %not3A_579 : i32
      %eq3A_581 = arith.constant 0 : i32
      %eq3A_582 = arith.cmpi eq, %squeeze3A_571, %eq3A_581 : i32
      %jit3A_583 = arith.constant 1 : i32
      %jit3A_584 = arith.constant 0 : i32
      %select_n3A_585 = arith.select %eq3A_582, %jit3A_583, %jit3A_584 : i32
      %add3A_586 = arith.addi %not3A_580, %select_n3A_585 : i32
      %select_n3A_587 = arith.select %lt3A_575, %add3A_586, %squeeze3A_573 : i32
      %and3A_588 = arith.constant 2147483647 : i32
      %and3A_589 = arith.andi %select_n3A_587, %and3A_588 : i32
      %convert_element_type3A_590 = arith.sitofp %and3A_589 : i32 to f32
      %lt3A_591 = arith.constant 0 : i32
      %lt3A_592 = arith.cmpi slt, %select_n3A_587, %lt3A_591 : i32
      %jit3A_593 = arith.constant 2.14748365E+9 : f32
      %jit3A_594 = arith.constant 0.000000e+00 : f32
      %select_n3A_595 = arith.select %lt3A_592, %jit3A_593, %jit3A_594 : f32
      %add3A_596 = arith.addf %convert_element_type3A_590, %select_n3A_595 : f32
      %mul3A_597 = arith.constant 4.2949673E+9 : f32
      %mul3A_598 = arith.mulf %add3A_596, %mul3A_597 : f32
      %and3A_599 = arith.constant 2147483647 : i32
      %and3A_600 = arith.andi %select_n3A_578, %and3A_599 : i32
      %convert_element_type3A_601 = arith.sitofp %and3A_600 : i32 to f32
      %lt3A_602 = arith.constant 0 : i32
      %lt3A_603 = arith.cmpi slt, %select_n3A_578, %lt3A_602 : i32
      %jit3A_604 = arith.constant 2.14748365E+9 : f32
      %jit3A_605 = arith.constant 0.000000e+00 : f32
      %select_n3A_606 = arith.select %lt3A_603, %jit3A_604, %jit3A_605 : f32
      %add3A_607 = arith.addf %convert_element_type3A_601, %select_n3A_606 : f32
      %add3A_608 = arith.addf %mul3A_598, %add3A_607 : f32
      %neg3A_609 = arith.constant 0.000000e+00 : f32
      %neg3A_610 = arith.subf %neg3A_609, %add3A_608 : f32
      %select_n3A_611 = arith.select %lt3A_575, %neg3A_610, %add3A_608 : f32
      %mul3A_612 = arith.constant 6.553700e+04 : f32
      %mul3A_613 = arith.mulf %select_n3A_611, %mul3A_612 : f32
      %sub3A_614 = arith.subf %mul3A_613, %select_n3A_611 : f32
      %sub3A_615 = arith.subf %mul3A_613, %sub3A_614 : f32
      tpu.wait_dma2 semaphore(%arg23 : memref<!tpu.dma_semaphore, #tpu.memory_space<semaphore_mem>>) src(%arg4 : memref<576xf32, #tpu.memory_space<hbm>>) dst(%arg18 : memref<576xf32, #tpu.memory_space<vmem>>)
      tpu.wait_dma2 semaphore(%arg23 : memref<!tpu.dma_semaphore, #tpu.memory_space<semaphore_mem>>) src(%arg6 : memref<64xf32, #tpu.memory_space<hbm>>) dst(%arg19 : memref<64xf32, #tpu.memory_space<vmem>>)
      %get3A_616 = arith.constant 0 : index
      %get3A_617 = tpu.vector_load %arg18[%get3A_616] {strides = array<i32>} : memref<576xf32, #tpu.memory_space<vmem>>, vector<16xf32>,
      %get3A_618 = vector.shape_cast %get3A_617 : vector<16xf32> to vector<16xf32>
      %mul3A_619 = vector.broadcast %sub3A_382 : f32 to vector<16xf32>
      %mul3A_620 = arith.mulf %mul3A_619, %get3A_618 : vector<16xf32>
      %add3A_621 = arith.addf %broadcast_in_dim3A_4, %mul3A_620 : vector<16xf32>
      %get3A_622 = arith.constant 64 : index
      %get3A_623 = tpu.vector_load %arg18[%get3A_622] {strides = array<i32>} : memref<576xf32, #tpu.memory_space<vmem>>, vector<16xf32>,
      %get3A_624 = vector.shape_cast %get3A_623 : vector<16xf32> to vector<16xf32>
      %mul3A_625 = vector.broadcast %sub3A_387 : f32 to vector<16xf32>
      %mul3A_626 = arith.mulf %mul3A_625, %get3A_624 : vector<16xf32>
      %add3A_627 = arith.addf %add3A_621, %mul3A_626 : vector<16xf32>
      %get3A_628 = arith.constant 128 : index
      %get3A_629 = tpu.vector_load %arg18[%get3A_628] {strides = array<i32>} : memref<576xf32, #tpu.memory_space<vmem>>, vector<16xf32>,
      %get3A_630 = vector.shape_cast %get3A_629 : vector<16xf32> to vector<16xf32>
      %mul3A_631 = vector.broadcast %sub3A_392 : f32 to vector<16xf32>
      %mul3A_632 = arith.mulf %mul3A_631, %get3A_630 : vector<16xf32>
      %add3A_633 = arith.addf %add3A_627, %mul3A_632 : vector<16xf32>
      %get3A_634 = arith.constant 192 : index
      %get3A_635 = tpu.vector_load %arg18[%get3A_634] {strides = array<i32>} : memref<576xf32, #tpu.memory_space<vmem>>, vector<16xf32>,
      %get3A_636 = vector.shape_cast %get3A_635 : vector<16xf32> to vector<16xf32>
      %mul3A_637 = vector.broadcast %sub3A_397 : f32 to vector<16xf32>
      %mul3A_638 = arith.mulf %mul3A_637, %get3A_636 : vector<16xf32>
      %add3A_639 = arith.addf %add3A_633, %mul3A_638 : vector<16xf32>
      %get3A_640 = arith.constant 256 : index
      %get3A_641 = tpu.vector_load %arg18[%get3A_640] {strides = array<i32>} : memref<576xf32, #tpu.memory_space<vmem>>, vector<16xf32>,
      %get3A_642 = vector.shape_cast %get3A_641 : vector<16xf32> to vector<16xf32>
      %mul3A_643 = vector.broadcast %sub3A_435 : f32 to vector<16xf32>
      %mul3A_644 = arith.mulf %mul3A_643, %get3A_642 : vector<16xf32>
      %add3A_645 = arith.addf %add3A_639, %mul3A_644 : vector<16xf32>
      %get3A_646 = arith.constant 320 : index
      %get3A_647 = tpu.vector_load %arg18[%get3A_646] {strides = array<i32>} : memref<576xf32, #tpu.memory_space<vmem>>, vector<16xf32>,
      %get3A_648 = vector.shape_cast %get3A_647 : vector<16xf32> to vector<16xf32>
      %mul3A_649 = vector.broadcast %sub3A_477 : f32 to vector<16xf32>
      %mul3A_650 = arith.mulf %mul3A_649, %get3A_648 : vector<16xf32>
      %add3A_651 = arith.addf %add3A_645, %mul3A_650 : vector<16xf32>
      %get3A_652 = arith.constant 384 : index
      %get3A_653 = tpu.vector_load %arg18[%get3A_652] {strides = array<i32>} : memref<576xf32, #tpu.memory_space<vmem>>, vector<16xf32>,
      %get3A_654 = vector.shape_cast %get3A_653 : vector<16xf32> to vector<16xf32>
      %mul3A_655 = vector.broadcast %sub3A_523 : f32 to vector<16xf32>
      %mul3A_656 = arith.mulf %mul3A_655, %get3A_654 : vector<16xf32>
      %add3A_657 = arith.addf %add3A_651, %mul3A_656 : vector<16xf32>
      %get3A_658 = arith.constant 448 : index
      %get3A_659 = tpu.vector_load %arg18[%get3A_658] {strides = array<i32>} : memref<576xf32, #tpu.memory_space<vmem>>, vector<16xf32>,
      %get3A_660 = vector.shape_cast %get3A_659 : vector<16xf32> to vector<16xf32>
      %mul3A_661 = vector.broadcast %sub3A_569 : f32 to vector<16xf32>
      %mul3A_662 = arith.mulf %mul3A_661, %get3A_660 : vector<16xf32>
      %add3A_663 = arith.addf %add3A_657, %mul3A_662 : vector<16xf32>
      %get3A_664 = arith.constant 512 : index
      %get3A_665 = tpu.vector_load %arg18[%get3A_664] {strides = array<i32>} : memref<576xf32, #tpu.memory_space<vmem>>, vector<16xf32>,
      %get3A_666 = vector.shape_cast %get3A_665 : vector<16xf32> to vector<16xf32>
      %mul3A_667 = vector.broadcast %sub3A_615 : f32 to vector<16xf32>
      %mul3A_668 = arith.mulf %mul3A_667, %get3A_666 : vector<16xf32>
      %add3A_669 = arith.addf %add3A_663, %mul3A_668 : vector<16xf32>
      %get3A_670 = arith.constant 0 : index
      %get3A_671 = tpu.vector_load %arg19[%get3A_670] {strides = array<i32>} : memref<64xf32, #tpu.memory_space<vmem>>, vector<16xf32>,
      %get3A_672 = vector.shape_cast %get3A_671 : vector<16xf32> to vector<16xf32>
      %add3A_673 = arith.addf %add3A_669, %get3A_672 : vector<16xf32>
      %mul3A_674 = arith.constant 6.553700e+04 : f32
      %mul3A_675 = vector.broadcast %mul3A_674 : f32 to vector<16xf32>
      %mul3A_676 = arith.mulf %add3A_673, %mul3A_675 : vector<16xf32>
      %sub3A_677 = arith.subf %mul3A_676, %add3A_673 : vector<16xf32>
      %sub3A_678 = arith.subf %mul3A_676, %sub3A_677 : vector<16xf32>
      %get3A_679 = arith.constant 16 : index
      %get3A_680 = tpu.vector_load %arg18[%get3A_679] {strides = array<i32>} : memref<576xf32, #tpu.memory_space<vmem>>, vector<16xf32>,
      %get3A_681 = vector.shape_cast %get3A_680 : vector<16xf32> to vector<16xf32>
      %mul3A_682 = vector.broadcast %sub3A_382 : f32 to vector<16xf32>
      %mul3A_683 = arith.mulf %mul3A_682, %get3A_681 : vector<16xf32>
      %add3A_684 = arith.addf %broadcast_in_dim3A_4, %mul3A_683 : vector<16xf32>
      %get3A_685 = arith.constant 80 : index
      %get3A_686 = tpu.vector_load %arg18[%get3A_685] {strides = array<i32>} : memref<576xf32, #tpu.memory_space<vmem>>, vector<16xf32>,
      %get3A_687 = vector.shape_cast %get3A_686 : vector<16xf32> to vector<16xf32>
      %mul3A_688 = vector.broadcast %sub3A_387 : f32 to vector<16xf32>
      %mul3A_689 = arith.mulf %mul3A_688, %get3A_687 : vector<16xf32>
      %add3A_690 = arith.addf %add3A_684, %mul3A_689 : vector<16xf32>
      %get3A_691 = arith.constant 144 : index
      %get3A_692 = tpu.vector_load %arg18[%get3A_691] {strides = array<i32>} : memref<576xf32, #tpu.memory_space<vmem>>, vector<16xf32>,
      %get3A_693 = vector.shape_cast %get3A_692 : vector<16xf32> to vector<16xf32>
      %mul3A_694 = vector.broadcast %sub3A_392 : f32 to vector<16xf32>
      %mul3A_695 = arith.mulf %mul3A_694, %get3A_693 : vector<16xf32>
      %add3A_696 = arith.addf %add3A_690, %mul3A_695 : vector<16xf32>
      %get3A_697 = arith.constant 208 : index
      %get3A_698 = tpu.vector_load %arg18[%get3A_697] {strides = array<i32>} : memref<576xf32, #tpu.memory_space<vmem>>, vector<16xf32>,
      %get3A_699 = vector.shape_cast %get3A_698 : vector<16xf32> to vector<16xf32>
      %mul3A_700 = vector.broadcast %sub3A_397 : f32 to vector<16xf32>
      %mul3A_701 = arith.mulf %mul3A_700, %get3A_699 : vector<16xf32>
      %add3A_702 = arith.addf %add3A_696, %mul3A_701 : vector<16xf32>
      %get3A_703 = arith.constant 272 : index
      %get3A_704 = tpu.vector_load %arg18[%get3A_703] {strides = array<i32>} : memref<576xf32, #tpu.memory_space<vmem>>, vector<16xf32>,
      %get3A_705 = vector.shape_cast %get3A_704 : vector<16xf32> to vector<16xf32>
      %mul3A_706 = vector.broadcast %sub3A_435 : f32 to vector<16xf32>
      %mul3A_707 = arith.mulf %mul3A_706, %get3A_705 : vector<16xf32>
      %add3A_708 = arith.addf %add3A_702, %mul3A_707 : vector<16xf32>
      %get3A_709 = arith.constant 336 : index
      %get3A_710 = tpu.vector_load %arg18[%get3A_709] {strides = array<i32>} : memref<576xf32, #tpu.memory_space<vmem>>, vector<16xf32>,
      %get3A_711 = vector.shape_cast %get3A_710 : vector<16xf32> to vector<16xf32>
      %mul3A_712 = vector.broadcast %sub3A_477 : f32 to vector<16xf32>
      %mul3A_713 = arith.mulf %mul3A_712, %get3A_711 : vector<16xf32>
      %add3A_714 = arith.addf %add3A_708, %mul3A_713 : vector<16xf32>
      %get3A_715 = arith.constant 400 : index
      %get3A_716 = tpu.vector_load %arg18[%get3A_715] {strides = array<i32>} : memref<576xf32, #tpu.memory_space<vmem>>, vector<16xf32>,
      %get3A_717 = vector.shape_cast %get3A_716 : vector<16xf32> to vector<16xf32>
      %mul3A_718 = vector.broadcast %sub3A_523 : f32 to vector<16xf32>
      %mul3A_719 = arith.mulf %mul3A_718, %get3A_717 : vector<16xf32>
      %add3A_720 = arith.addf %add3A_714, %mul3A_719 : vector<16xf32>
      %get3A_721 = arith.constant 464 : index
      %get3A_722 = tpu.vector_load %arg18[%get3A_721] {strides = array<i32>} : memref<576xf32, #tpu.memory_space<vmem>>, vector<16xf32>,
      %get3A_723 = vector.shape_cast %get3A_722 : vector<16xf32> to vector<16xf32>
      %mul3A_724 = vector.broadcast %sub3A_569 : f32 to vector<16xf32>
      %mul3A_725 = arith.mulf %mul3A_724, %get3A_723 : vector<16xf32>
      %add3A_726 = arith.addf %add3A_720, %mul3A_725 : vector<16xf32>
      %get3A_727 = arith.constant 528 : index
      %get3A_728 = tpu.vector_load %arg18[%get3A_727] {strides = array<i32>} : memref<576xf32, #tpu.memory_space<vmem>>, vector<16xf32>,
      %get3A_729 = vector.shape_cast %get3A_728 : vector<16xf32> to vector<16xf32>
      %mul3A_730 = vector.broadcast %sub3A_615 : f32 to vector<16xf32>
      %mul3A_731 = arith.mulf %mul3A_730, %get3A_729 : vector<16xf32>
      %add3A_732 = arith.addf %add3A_726, %mul3A_731 : vector<16xf32>
      %get3A_733 = arith.constant 16 : index
      %get3A_734 = tpu.vector_load %arg19[%get3A_733] {strides = array<i32>} : memref<64xf32, #tpu.memory_space<vmem>>, vector<16xf32>,
      %get3A_735 = vector.shape_cast %get3A_734 : vector<16xf32> to vector<16xf32>
      %add3A_736 = arith.addf %add3A_732, %get3A_735 : vector<16xf32>
      %mul3A_737 = arith.constant 6.553700e+04 : f32
      %mul3A_738 = vector.broadcast %mul3A_737 : f32 to vector<16xf32>
      %mul3A_739 = arith.mulf %add3A_736, %mul3A_738 : vector<16xf32>
      %sub3A_740 = arith.subf %mul3A_739, %add3A_736 : vector<16xf32>
      %sub3A_741 = arith.subf %mul3A_739, %sub3A_740 : vector<16xf32>
      %get3A_742 = arith.constant 32 : index
      %get3A_743 = tpu.vector_load %arg18[%get3A_742] {strides = array<i32>} : memref<576xf32, #tpu.memory_space<vmem>>, vector<16xf32>,
      %get3A_744 = vector.shape_cast %get3A_743 : vector<16xf32> to vector<16xf32>
      %mul3A_745 = vector.broadcast %sub3A_382 : f32 to vector<16xf32>
      %mul3A_746 = arith.mulf %mul3A_745, %get3A_744 : vector<16xf32>
      %add3A_747 = arith.addf %broadcast_in_dim3A_4, %mul3A_746 : vector<16xf32>
      %get3A_748 = arith.constant 96 : index
      %get3A_749 = tpu.vector_load %arg18[%get3A_748] {strides = array<i32>} : memref<576xf32, #tpu.memory_space<vmem>>, vector<16xf32>,
      %get3A_750 = vector.shape_cast %get3A_749 : vector<16xf32> to vector<16xf32>
      %mul3A_751 = vector.broadcast %sub3A_387 : f32 to vector<16xf32>
      %mul3A_752 = arith.mulf %mul3A_751, %get3A_750 : vector<16xf32>
      %add3A_753 = arith.addf %add3A_747, %mul3A_752 : vector<16xf32>
      %get3A_754 = arith.constant 160 : index
      %get3A_755 = tpu.vector_load %arg18[%get3A_754] {strides = array<i32>} : memref<576xf32, #tpu.memory_space<vmem>>, vector<16xf32>,
      %get3A_756 = vector.shape_cast %get3A_755 : vector<16xf32> to vector<16xf32>
      %mul3A_757 = vector.broadcast %sub3A_392 : f32 to vector<16xf32>
      %mul3A_758 = arith.mulf %mul3A_757, %get3A_756 : vector<16xf32>
      %add3A_759 = arith.addf %add3A_753, %mul3A_758 : vector<16xf32>
      %get3A_760 = arith.constant 224 : index
      %get3A_761 = tpu.vector_load %arg18[%get3A_760] {strides = array<i32>} : memref<576xf32, #tpu.memory_space<vmem>>, vector<16xf32>,
      %get3A_762 = vector.shape_cast %get3A_761 : vector<16xf32> to vector<16xf32>
      %mul3A_763 = vector.broadcast %sub3A_397 : f32 to vector<16xf32>
      %mul3A_764 = arith.mulf %mul3A_763, %get3A_762 : vector<16xf32>
      %add3A_765 = arith.addf %add3A_759, %mul3A_764 : vector<16xf32>
      %get3A_766 = arith.constant 288 : index
      %get3A_767 = tpu.vector_load %arg18[%get3A_766] {strides = array<i32>} : memref<576xf32, #tpu.memory_space<vmem>>, vector<16xf32>,
      %get3A_768 = vector.shape_cast %get3A_767 : vector<16xf32> to vector<16xf32>
      %mul3A_769 = vector.broadcast %sub3A_435 : f32 to vector<16xf32>
      %mul3A_770 = arith.mulf %mul3A_769, %get3A_768 : vector<16xf32>
      %add3A_771 = arith.addf %add3A_765, %mul3A_770 : vector<16xf32>
      %get3A_772 = arith.constant 352 : index
      %get3A_773 = tpu.vector_load %arg18[%get3A_772] {strides = array<i32>} : memref<576xf32, #tpu.memory_space<vmem>>, vector<16xf32>,
      %get3A_774 = vector.shape_cast %get3A_773 : vector<16xf32> to vector<16xf32>
      %mul3A_775 = vector.broadcast %sub3A_477 : f32 to vector<16xf32>
      %mul3A_776 = arith.mulf %mul3A_775, %get3A_774 : vector<16xf32>
      %add3A_777 = arith.addf %add3A_771, %mul3A_776 : vector<16xf32>
      %get3A_778 = arith.constant 416 : index
      %get3A_779 = tpu.vector_load %arg18[%get3A_778] {strides = array<i32>} : memref<576xf32, #tpu.memory_space<vmem>>, vector<16xf32>,
      %get3A_780 = vector.shape_cast %get3A_779 : vector<16xf32> to vector<16xf32>
      %mul3A_781 = vector.broadcast %sub3A_523 : f32 to vector<16xf32>
      %mul3A_782 = arith.mulf %mul3A_781, %get3A_780 : vector<16xf32>
      %add3A_783 = arith.addf %add3A_777, %mul3A_782 : vector<16xf32>
      %get3A_784 = arith.constant 480 : index
      %get3A_785 = tpu.vector_load %arg18[%get3A_784] {strides = array<i32>} : memref<576xf32, #tpu.memory_space<vmem>>, vector<16xf32>,
      %get3A_786 = vector.shape_cast %get3A_785 : vector<16xf32> to vector<16xf32>
      %mul3A_787 = vector.broadcast %sub3A_569 : f32 to vector<16xf32>
      %mul3A_788 = arith.mulf %mul3A_787, %get3A_786 : vector<16xf32>
      %add3A_789 = arith.addf %add3A_783, %mul3A_788 : vector<16xf32>
      %get3A_790 = arith.constant 544 : index
      %get3A_791 = tpu.vector_load %arg18[%get3A_790] {strides = array<i32>} : memref<576xf32, #tpu.memory_space<vmem>>, vector<16xf32>,
      %get3A_792 = vector.shape_cast %get3A_791 : vector<16xf32> to vector<16xf32>
      %mul3A_793 = vector.broadcast %sub3A_615 : f32 to vector<16xf32>
      %mul3A_794 = arith.mulf %mul3A_793, %get3A_792 : vector<16xf32>
      %add3A_795 = arith.addf %add3A_789, %mul3A_794 : vector<16xf32>
      %get3A_796 = arith.constant 32 : index
      %get3A_797 = tpu.vector_load %arg19[%get3A_796] {strides = array<i32>} : memref<64xf32, #tpu.memory_space<vmem>>, vector<16xf32>,
      %get3A_798 = vector.shape_cast %get3A_797 : vector<16xf32> to vector<16xf32>
      %add3A_799 = arith.addf %add3A_795, %get3A_798 : vector<16xf32>
      %mul3A_800 = arith.constant 6.553700e+04 : f32
      %mul3A_801 = vector.broadcast %mul3A_800 : f32 to vector<16xf32>
      %mul3A_802 = arith.mulf %add3A_799, %mul3A_801 : vector<16xf32>
      %sub3A_803 = arith.subf %mul3A_802, %add3A_799 : vector<16xf32>
      %sub3A_804 = arith.subf %mul3A_802, %sub3A_803 : vector<16xf32>
      %get3A_805 = arith.constant 48 : index
      %get3A_806 = tpu.vector_load %arg18[%get3A_805] {strides = array<i32>} : memref<576xf32, #tpu.memory_space<vmem>>, vector<16xf32>,
      %get3A_807 = vector.shape_cast %get3A_806 : vector<16xf32> to vector<16xf32>
      %mul3A_808 = vector.broadcast %sub3A_382 : f32 to vector<16xf32>
      %mul3A_809 = arith.mulf %mul3A_808, %get3A_807 : vector<16xf32>
      %add3A_810 = arith.addf %broadcast_in_dim3A_4, %mul3A_809 : vector<16xf32>
      %get3A_811 = arith.constant 112 : index
      %get3A_812 = tpu.vector_load %arg18[%get3A_811] {strides = array<i32>} : memref<576xf32, #tpu.memory_space<vmem>>, vector<16xf32>,
      %get3A_813 = vector.shape_cast %get3A_812 : vector<16xf32> to vector<16xf32>
      %mul3A_814 = vector.broadcast %sub3A_387 : f32 to vector<16xf32>
      %mul3A_815 = arith.mulf %mul3A_814, %get3A_813 : vector<16xf32>
      %add3A_816 = arith.addf %add3A_810, %mul3A_815 : vector<16xf32>
      %get3A_817 = arith.constant 176 : index
      %get3A_818 = tpu.vector_load %arg18[%get3A_817] {strides = array<i32>} : memref<576xf32, #tpu.memory_space<vmem>>, vector<16xf32>,
      %get3A_819 = vector.shape_cast %get3A_818 : vector<16xf32> to vector<16xf32>
      %mul3A_820 = vector.broadcast %sub3A_392 : f32 to vector<16xf32>
      %mul3A_821 = arith.mulf %mul3A_820, %get3A_819 : vector<16xf32>
      %add3A_822 = arith.addf %add3A_816, %mul3A_821 : vector<16xf32>
      %get3A_823 = arith.constant 240 : index
      %get3A_824 = tpu.vector_load %arg18[%get3A_823] {strides = array<i32>} : memref<576xf32, #tpu.memory_space<vmem>>, vector<16xf32>,
      %get3A_825 = vector.shape_cast %get3A_824 : vector<16xf32> to vector<16xf32>
      %mul3A_826 = vector.broadcast %sub3A_397 : f32 to vector<16xf32>
      %mul3A_827 = arith.mulf %mul3A_826, %get3A_825 : vector<16xf32>
      %add3A_828 = arith.addf %add3A_822, %mul3A_827 : vector<16xf32>
      %get3A_829 = arith.constant 304 : index
      %get3A_830 = tpu.vector_load %arg18[%get3A_829] {strides = array<i32>} : memref<576xf32, #tpu.memory_space<vmem>>, vector<16xf32>,
      %get3A_831 = vector.shape_cast %get3A_830 : vector<16xf32> to vector<16xf32>
      %mul3A_832 = vector.broadcast %sub3A_435 : f32 to vector<16xf32>
      %mul3A_833 = arith.mulf %mul3A_832, %get3A_831 : vector<16xf32>
      %add3A_834 = arith.addf %add3A_828, %mul3A_833 : vector<16xf32>
      %get3A_835 = arith.constant 368 : index
      %get3A_836 = tpu.vector_load %arg18[%get3A_835] {strides = array<i32>} : memref<576xf32, #tpu.memory_space<vmem>>, vector<16xf32>,
      %get3A_837 = vector.shape_cast %get3A_836 : vector<16xf32> to vector<16xf32>
      %mul3A_838 = vector.broadcast %sub3A_477 : f32 to vector<16xf32>
      %mul3A_839 = arith.mulf %mul3A_838, %get3A_837 : vector<16xf32>
      %add3A_840 = arith.addf %add3A_834, %mul3A_839 : vector<16xf32>
      %get3A_841 = arith.constant 432 : index
      %get3A_842 = tpu.vector_load %arg18[%get3A_841] {strides = array<i32>} : memref<576xf32, #tpu.memory_space<vmem>>, vector<16xf32>,
      %get3A_843 = vector.shape_cast %get3A_842 : vector<16xf32> to vector<16xf32>
      %mul3A_844 = vector.broadcast %sub3A_523 : f32 to vector<16xf32>
      %mul3A_845 = arith.mulf %mul3A_844, %get3A_843 : vector<16xf32>
      %add3A_846 = arith.addf %add3A_840, %mul3A_845 : vector<16xf32>
      %get3A_847 = arith.constant 496 : index
      %get3A_848 = tpu.vector_load %arg18[%get3A_847] {strides = array<i32>} : memref<576xf32, #tpu.memory_space<vmem>>, vector<16xf32>,
      %get3A_849 = vector.shape_cast %get3A_848 : vector<16xf32> to vector<16xf32>
      %mul3A_850 = vector.broadcast %sub3A_569 : f32 to vector<16xf32>
      %mul3A_851 = arith.mulf %mul3A_850, %get3A_849 : vector<16xf32>
      %add3A_852 = arith.addf %add3A_846, %mul3A_851 : vector<16xf32>
      %get3A_853 = arith.constant 560 : index
      %get3A_854 = tpu.vector_load %arg18[%get3A_853] {strides = array<i32>} : memref<576xf32, #tpu.memory_space<vmem>>, vector<16xf32>,
      %get3A_855 = vector.shape_cast %get3A_854 : vector<16xf32> to vector<16xf32>
      %mul3A_856 = vector.broadcast %sub3A_615 : f32 to vector<16xf32>
      %mul3A_857 = arith.mulf %mul3A_856, %get3A_855 : vector<16xf32>
      %add3A_858 = arith.addf %add3A_852, %mul3A_857 : vector<16xf32>
      %get3A_859 = arith.constant 48 : index
      %get3A_860 = tpu.vector_load %arg19[%get3A_859] {strides = array<i32>} : memref<64xf32, #tpu.memory_space<vmem>>, vector<16xf32>,
      %get3A_861 = vector.shape_cast %get3A_860 : vector<16xf32> to vector<16xf32>
      %add3A_862 = arith.addf %add3A_858, %get3A_861 : vector<16xf32>
      %mul3A_863 = arith.constant 6.553700e+04 : f32
      %mul3A_864 = vector.broadcast %mul3A_863 : f32 to vector<16xf32>
      %mul3A_865 = arith.mulf %add3A_862, %mul3A_864 : vector<16xf32>
      %sub3A_866 = arith.subf %mul3A_865, %add3A_862 : vector<16xf32>
      %sub3A_867 = arith.subf %mul3A_865, %sub3A_866 : vector<16xf32>
      %dma_wait3A_868 = arith.constant 0 : i32
      %dma_wait3A_869 = tpu.memref_slice %arg20[%dma_wait3A_868] : memref<256xf32, #tpu.memory_space<vmem>> -> memref<16xf32, #tpu.memory_space<vmem>>
      %dma_wait3A_870 = arith.constant 0 : i32
      %dma_wait3A_871 = tpu.memref_slice %arg5[%dma_wait3A_870] : memref<9984xf32, #tpu.memory_space<hbm>> -> memref<9984xf32, #tpu.memory_space<hbm>>
      tpu.wait_indirect_dma semaphore(%arg25 : memref<!tpu.dma_semaphore, #tpu.memory_space<semaphore_mem>>) src(%dma_wait3A_871 : memref<9984xf32, #tpu.memory_space<hbm>>) dst(%dma_wait3A_869 : memref<16xf32, #tpu.memory_space<vmem>>)
      %dma_wait3A_872 = arith.constant 16 : i32
      %dma_wait3A_873 = tpu.memref_slice %arg20[%dma_wait3A_872] : memref<256xf32, #tpu.memory_space<vmem>> -> memref<16xf32, #tpu.memory_space<vmem>>
      %dma_wait3A_874 = arith.constant 0 : i32
      %dma_wait3A_875 = tpu.memref_slice %arg5[%dma_wait3A_874] : memref<9984xf32, #tpu.memory_space<hbm>> -> memref<9984xf32, #tpu.memory_space<hbm>>
      tpu.wait_indirect_dma semaphore(%arg25 : memref<!tpu.dma_semaphore, #tpu.memory_space<semaphore_mem>>) src(%dma_wait3A_875 : memref<9984xf32, #tpu.memory_space<hbm>>) dst(%dma_wait3A_873 : memref<16xf32, #tpu.memory_space<vmem>>)
      %dma_wait3A_876 = arith.constant 32 : i32
      %dma_wait3A_877 = tpu.memref_slice %arg20[%dma_wait3A_876] : memref<256xf32, #tpu.memory_space<vmem>> -> memref<16xf32, #tpu.memory_space<vmem>>
      %dma_wait3A_878 = arith.constant 0 : i32
      %dma_wait3A_879 = tpu.memref_slice %arg5[%dma_wait3A_878] : memref<9984xf32, #tpu.memory_space<hbm>> -> memref<9984xf32, #tpu.memory_space<hbm>>
      tpu.wait_indirect_dma semaphore(%arg25 : memref<!tpu.dma_semaphore, #tpu.memory_space<semaphore_mem>>) src(%dma_wait3A_879 : memref<9984xf32, #tpu.memory_space<hbm>>) dst(%dma_wait3A_877 : memref<16xf32, #tpu.memory_space<vmem>>)
      %dma_wait3A_880 = arith.constant 48 : i32
      %dma_wait3A_881 = tpu.memref_slice %arg20[%dma_wait3A_880] : memref<256xf32, #tpu.memory_space<vmem>> -> memref<16xf32, #tpu.memory_space<vmem>>
      %dma_wait3A_882 = arith.constant 0 : i32
      %dma_wait3A_883 = tpu.memref_slice %arg5[%dma_wait3A_882] : memref<9984xf32, #tpu.memory_space<hbm>> -> memref<9984xf32, #tpu.memory_space<hbm>>
      tpu.wait_indirect_dma semaphore(%arg25 : memref<!tpu.dma_semaphore, #tpu.memory_space<semaphore_mem>>) src(%dma_wait3A_883 : memref<9984xf32, #tpu.memory_space<hbm>>) dst(%dma_wait3A_881 : memref<16xf32, #tpu.memory_space<vmem>>)
      %dma_wait3A_884 = arith.constant 64 : i32
      %dma_wait3A_885 = tpu.memref_slice %arg20[%dma_wait3A_884] : memref<256xf32, #tpu.memory_space<vmem>> -> memref<16xf32, #tpu.memory_space<vmem>>
      %dma_wait3A_886 = arith.constant 0 : i32
      %dma_wait3A_887 = tpu.memref_slice %arg5[%dma_wait3A_886] : memref<9984xf32, #tpu.memory_space<hbm>> -> memref<9984xf32, #tpu.memory_space<hbm>>
      tpu.wait_indirect_dma semaphore(%arg25 : memref<!tpu.dma_semaphore, #tpu.memory_space<semaphore_mem>>) src(%dma_wait3A_887 : memref<9984xf32, #tpu.memory_space<hbm>>) dst(%dma_wait3A_885 : memref<16xf32, #tpu.memory_space<vmem>>)
      %dma_wait3A_888 = arith.constant 80 : i32
      %dma_wait3A_889 = tpu.memref_slice %arg20[%dma_wait3A_888] : memref<256xf32, #tpu.memory_space<vmem>> -> memref<16xf32, #tpu.memory_space<vmem>>
      %dma_wait3A_890 = arith.constant 0 : i32
      %dma_wait3A_891 = tpu.memref_slice %arg5[%dma_wait3A_890] : memref<9984xf32, #tpu.memory_space<hbm>> -> memref<9984xf32, #tpu.memory_space<hbm>>
      tpu.wait_indirect_dma semaphore(%arg25 : memref<!tpu.dma_semaphore, #tpu.memory_space<semaphore_mem>>) src(%dma_wait3A_891 : memref<9984xf32, #tpu.memory_space<hbm>>) dst(%dma_wait3A_889 : memref<16xf32, #tpu.memory_space<vmem>>)
      %dma_wait3A_892 = arith.constant 96 : i32
      %dma_wait3A_893 = tpu.memref_slice %arg20[%dma_wait3A_892] : memref<256xf32, #tpu.memory_space<vmem>> -> memref<16xf32, #tpu.memory_space<vmem>>
      %dma_wait3A_894 = arith.constant 0 : i32
      %dma_wait3A_895 = tpu.memref_slice %arg5[%dma_wait3A_894] : memref<9984xf32, #tpu.memory_space<hbm>> -> memref<9984xf32, #tpu.memory_space<hbm>>
      tpu.wait_indirect_dma semaphore(%arg25 : memref<!tpu.dma_semaphore, #tpu.memory_space<semaphore_mem>>) src(%dma_wait3A_895 : memref<9984xf32, #tpu.memory_space<hbm>>) dst(%dma_wait3A_893 : memref<16xf32, #tpu.memory_space<vmem>>)
      %dma_wait3A_896 = arith.constant 112 : i32
      %dma_wait3A_897 = tpu.memref_slice %arg20[%dma_wait3A_896] : memref<256xf32, #tpu.memory_space<vmem>> -> memref<16xf32, #tpu.memory_space<vmem>>
      %dma_wait3A_898 = arith.constant 0 : i32
      %dma_wait3A_899 = tpu.memref_slice %arg5[%dma_wait3A_898] : memref<9984xf32, #tpu.memory_space<hbm>> -> memref<9984xf32, #tpu.memory_space<hbm>>
      tpu.wait_indirect_dma semaphore(%arg25 : memref<!tpu.dma_semaphore, #tpu.memory_space<semaphore_mem>>) src(%dma_wait3A_899 : memref<9984xf32, #tpu.memory_space<hbm>>) dst(%dma_wait3A_897 : memref<16xf32, #tpu.memory_space<vmem>>)
      %dma_wait3A_900 = arith.constant 128 : i32
      %dma_wait3A_901 = tpu.memref_slice %arg20[%dma_wait3A_900] : memref<256xf32, #tpu.memory_space<vmem>> -> memref<16xf32, #tpu.memory_space<vmem>>
      %dma_wait3A_902 = arith.constant 0 : i32
      %dma_wait3A_903 = tpu.memref_slice %arg5[%dma_wait3A_902] : memref<9984xf32, #tpu.memory_space<hbm>> -> memref<9984xf32, #tpu.memory_space<hbm>>
      tpu.wait_indirect_dma semaphore(%arg25 : memref<!tpu.dma_semaphore, #tpu.memory_space<semaphore_mem>>) src(%dma_wait3A_903 : memref<9984xf32, #tpu.memory_space<hbm>>) dst(%dma_wait3A_901 : memref<16xf32, #tpu.memory_space<vmem>>)
      %dma_wait3A_904 = arith.constant 144 : i32
      %dma_wait3A_905 = tpu.memref_slice %arg20[%dma_wait3A_904] : memref<256xf32, #tpu.memory_space<vmem>> -> memref<16xf32, #tpu.memory_space<vmem>>
      %dma_wait3A_906 = arith.constant 0 : i32
      %dma_wait3A_907 = tpu.memref_slice %arg5[%dma_wait3A_906] : memref<9984xf32, #tpu.memory_space<hbm>> -> memref<9984xf32, #tpu.memory_space<hbm>>
      tpu.wait_indirect_dma semaphore(%arg25 : memref<!tpu.dma_semaphore, #tpu.memory_space<semaphore_mem>>) src(%dma_wait3A_907 : memref<9984xf32, #tpu.memory_space<hbm>>) dst(%dma_wait3A_905 : memref<16xf32, #tpu.memory_space<vmem>>)
      %dma_wait3A_908 = arith.constant 160 : i32
      %dma_wait3A_909 = tpu.memref_slice %arg20[%dma_wait3A_908] : memref<256xf32, #tpu.memory_space<vmem>> -> memref<16xf32, #tpu.memory_space<vmem>>
      %dma_wait3A_910 = arith.constant 0 : i32
      %dma_wait3A_911 = tpu.memref_slice %arg5[%dma_wait3A_910] : memref<9984xf32, #tpu.memory_space<hbm>> -> memref<9984xf32, #tpu.memory_space<hbm>>
      tpu.wait_indirect_dma semaphore(%arg25 : memref<!tpu.dma_semaphore, #tpu.memory_space<semaphore_mem>>) src(%dma_wait3A_911 : memref<9984xf32, #tpu.memory_space<hbm>>) dst(%dma_wait3A_909 : memref<16xf32, #tpu.memory_space<vmem>>)
      %dma_wait3A_912 = arith.constant 176 : i32
      %dma_wait3A_913 = tpu.memref_slice %arg20[%dma_wait3A_912] : memref<256xf32, #tpu.memory_space<vmem>> -> memref<16xf32, #tpu.memory_space<vmem>>
      %dma_wait3A_914 = arith.constant 0 : i32
      %dma_wait3A_915 = tpu.memref_slice %arg5[%dma_wait3A_914] : memref<9984xf32, #tpu.memory_space<hbm>> -> memref<9984xf32, #tpu.memory_space<hbm>>
      tpu.wait_indirect_dma semaphore(%arg25 : memref<!tpu.dma_semaphore, #tpu.memory_space<semaphore_mem>>) src(%dma_wait3A_915 : memref<9984xf32, #tpu.memory_space<hbm>>) dst(%dma_wait3A_913 : memref<16xf32, #tpu.memory_space<vmem>>)
      %dma_wait3A_916 = arith.constant 192 : i32
      %dma_wait3A_917 = tpu.memref_slice %arg20[%dma_wait3A_916] : memref<256xf32, #tpu.memory_space<vmem>> -> memref<16xf32, #tpu.memory_space<vmem>>
      %dma_wait3A_918 = arith.constant 0 : i32
      %dma_wait3A_919 = tpu.memref_slice %arg5[%dma_wait3A_918] : memref<9984xf32, #tpu.memory_space<hbm>> -> memref<9984xf32, #tpu.memory_space<hbm>>
      tpu.wait_indirect_dma semaphore(%arg25 : memref<!tpu.dma_semaphore, #tpu.memory_space<semaphore_mem>>) src(%dma_wait3A_919 : memref<9984xf32, #tpu.memory_space<hbm>>) dst(%dma_wait3A_917 : memref<16xf32, #tpu.memory_space<vmem>>)
      %dma_wait3A_920 = arith.constant 208 : i32
      %dma_wait3A_921 = tpu.memref_slice %arg20[%dma_wait3A_920] : memref<256xf32, #tpu.memory_space<vmem>> -> memref<16xf32, #tpu.memory_space<vmem>>
      %dma_wait3A_922 = arith.constant 0 : i32
      %dma_wait3A_923 = tpu.memref_slice %arg5[%dma_wait3A_922] : memref<9984xf32, #tpu.memory_space<hbm>> -> memref<9984xf32, #tpu.memory_space<hbm>>
      tpu.wait_indirect_dma semaphore(%arg25 : memref<!tpu.dma_semaphore, #tpu.memory_space<semaphore_mem>>) src(%dma_wait3A_923 : memref<9984xf32, #tpu.memory_space<hbm>>) dst(%dma_wait3A_921 : memref<16xf32, #tpu.memory_space<vmem>>)
      %dma_wait3A_924 = arith.constant 224 : i32
      %dma_wait3A_925 = tpu.memref_slice %arg20[%dma_wait3A_924] : memref<256xf32, #tpu.memory_space<vmem>> -> memref<16xf32, #tpu.memory_space<vmem>>
      %dma_wait3A_926 = arith.constant 0 : i32
      %dma_wait3A_927 = tpu.memref_slice %arg5[%dma_wait3A_926] : memref<9984xf32, #tpu.memory_space<hbm>> -> memref<9984xf32, #tpu.memory_space<hbm>>
      tpu.wait_indirect_dma semaphore(%arg25 : memref<!tpu.dma_semaphore, #tpu.memory_space<semaphore_mem>>) src(%dma_wait3A_927 : memref<9984xf32, #tpu.memory_space<hbm>>) dst(%dma_wait3A_925 : memref<16xf32, #tpu.memory_space<vmem>>)
      %dma_wait3A_928 = arith.constant 240 : i32
      %dma_wait3A_929 = tpu.memref_slice %arg20[%dma_wait3A_928] : memref<256xf32, #tpu.memory_space<vmem>> -> memref<16xf32, #tpu.memory_space<vmem>>
      %dma_wait3A_930 = arith.constant 0 : i32
      %dma_wait3A_931 = tpu.memref_slice %arg5[%dma_wait3A_930] : memref<9984xf32, #tpu.memory_space<hbm>> -> memref<9984xf32, #tpu.memory_space<hbm>>
      tpu.wait_indirect_dma semaphore(%arg25 : memref<!tpu.dma_semaphore, #tpu.memory_space<semaphore_mem>>) src(%dma_wait3A_931 : memref<9984xf32, #tpu.memory_space<hbm>>) dst(%dma_wait3A_929 : memref<16xf32, #tpu.memory_space<vmem>>)
      %dma_wait3A_932 = arith.constant 0 : i32
      %dma_wait3A_933 = tpu.memref_slice %arg7[%dma_wait3A_932] : memref<156xf32, #tpu.memory_space<hbm>> -> memref<156xf32, #tpu.memory_space<hbm>>
      tpu.wait_indirect_dma semaphore(%arg25 : memref<!tpu.dma_semaphore, #tpu.memory_space<semaphore_mem>>) src(%dma_wait3A_933 : memref<156xf32, #tpu.memory_space<hbm>>) dst(%arg21 : memref<16xf32, #tpu.memory_space<vmem>>)
      %get3A_934 = arith.constant 0 : index
      %get3A_935 = tpu.vector_load %arg21[%get3A_934] {strides = array<i32>} : memref<16xf32, #tpu.memory_space<vmem>>, vector<16xf32>,
      %get3A_936 = vector.shape_cast %get3A_935 : vector<16xf32> to vector<16xf32>
      %get3A_937 = arith.constant 0 : index
      %get3A_938 = tpu.vector_load %arg20[%get3A_937] {strides = array<i32>} : memref<256xf32, #tpu.memory_space<vmem>>, vector<16xf32>,
      %get3A_939 = vector.shape_cast %get3A_938 : vector<16xf32> to vector<16xf32>
      %mul3A_940 = arith.mulf %sub3A_678, %get3A_939 : vector<16xf32>
      %add3A_941 = arith.addf %broadcast_in_dim3A_4, %mul3A_940 : vector<16xf32>
      %get3A_942 = arith.constant 16 : index
      %get3A_943 = tpu.vector_load %arg20[%get3A_942] {strides = array<i32>} : memref<256xf32, #tpu.memory_space<vmem>>, vector<16xf32>,
      %get3A_944 = vector.shape_cast %get3A_943 : vector<16xf32> to vector<16xf32>
      %mul3A_945 = arith.mulf %sub3A_741, %get3A_944 : vector<16xf32>
      %add3A_946 = arith.addf %add3A_941, %mul3A_945 : vector<16xf32>
      %get3A_947 = arith.constant 32 : index
      %get3A_948 = tpu.vector_load %arg20[%get3A_947] {strides = array<i32>} : memref<256xf32, #tpu.memory_space<vmem>>, vector<16xf32>,
      %get3A_949 = vector.shape_cast %get3A_948 : vector<16xf32> to vector<16xf32>
      %mul3A_950 = arith.mulf %sub3A_804, %get3A_949 : vector<16xf32>
      %add3A_951 = arith.addf %add3A_946, %mul3A_950 : vector<16xf32>
      %get3A_952 = arith.constant 48 : index
      %get3A_953 = tpu.vector_load %arg20[%get3A_952] {strides = array<i32>} : memref<256xf32, #tpu.memory_space<vmem>>, vector<16xf32>,
      %get3A_954 = vector.shape_cast %get3A_953 : vector<16xf32> to vector<16xf32>
      %mul3A_955 = arith.mulf %sub3A_867, %get3A_954 : vector<16xf32>
      %add3A_956 = arith.addf %add3A_951, %mul3A_955 : vector<16xf32>
      %slice3A_957 = vector.extract_strided_slice %add3A_956 {offsets = [0], sizes = [1], strides = [1]} : vector<16xf32> to vector<1xf32>
      %squeeze3A_958 = vector.extract %slice3A_957[0] : f32 from vector<1xf32>
      %add3A_959 = arith.constant 0.000000e+00 : f32
      %add3A_960 = arith.addf %add3A_959, %squeeze3A_958 : f32
      %slice3A_961 = vector.extract_strided_slice %add3A_956 {offsets = [1], sizes = [1], strides = [1]} : vector<16xf32> to vector<1xf32>
      %squeeze3A_962 = vector.extract %slice3A_961[0] : f32 from vector<1xf32>
      %add3A_963 = arith.addf %add3A_960, %squeeze3A_962 : f32
      %slice3A_964 = vector.extract_strided_slice %add3A_956 {offsets = [2], sizes = [1], strides = [1]} : vector<16xf32> to vector<1xf32>
      %squeeze3A_965 = vector.extract %slice3A_964[0] : f32 from vector<1xf32>
      %add3A_966 = arith.addf %add3A_963, %squeeze3A_965 : f32
      %slice3A_967 = vector.extract_strided_slice %add3A_956 {offsets = [3], sizes = [1], strides = [1]} : vector<16xf32> to vector<1xf32>
      %squeeze3A_968 = vector.extract %slice3A_967[0] : f32 from vector<1xf32>
      %add3A_969 = arith.addf %add3A_966, %squeeze3A_968 : f32
      %slice3A_970 = vector.extract_strided_slice %add3A_956 {offsets = [4], sizes = [1], strides = [1]} : vector<16xf32> to vector<1xf32>
      %squeeze3A_971 = vector.extract %slice3A_970[0] : f32 from vector<1xf32>
      %add3A_972 = arith.addf %add3A_969, %squeeze3A_971 : f32
      %slice3A_973 = vector.extract_strided_slice %add3A_956 {offsets = [5], sizes = [1], strides = [1]} : vector<16xf32> to vector<1xf32>
      %squeeze3A_974 = vector.extract %slice3A_973[0] : f32 from vector<1xf32>
      %add3A_975 = arith.addf %add3A_972, %squeeze3A_974 : f32
      %slice3A_976 = vector.extract_strided_slice %add3A_956 {offsets = [6], sizes = [1], strides = [1]} : vector<16xf32> to vector<1xf32>
      %squeeze3A_977 = vector.extract %slice3A_976[0] : f32 from vector<1xf32>
      %add3A_978 = arith.addf %add3A_975, %squeeze3A_977 : f32
      %slice3A_979 = vector.extract_strided_slice %add3A_956 {offsets = [7], sizes = [1], strides = [1]} : vector<16xf32> to vector<1xf32>
      %squeeze3A_980 = vector.extract %slice3A_979[0] : f32 from vector<1xf32>
      %add3A_981 = arith.addf %add3A_978, %squeeze3A_980 : f32
      %slice3A_982 = vector.extract_strided_slice %add3A_956 {offsets = [8], sizes = [1], strides = [1]} : vector<16xf32> to vector<1xf32>
      %squeeze3A_983 = vector.extract %slice3A_982[0] : f32 from vector<1xf32>
      %add3A_984 = arith.addf %add3A_981, %squeeze3A_983 : f32
      %slice3A_985 = vector.extract_strided_slice %add3A_956 {offsets = [9], sizes = [1], strides = [1]} : vector<16xf32> to vector<1xf32>
      %squeeze3A_986 = vector.extract %slice3A_985[0] : f32 from vector<1xf32>
      %add3A_987 = arith.addf %add3A_984, %squeeze3A_986 : f32
      %slice3A_988 = vector.extract_strided_slice %add3A_956 {offsets = [10], sizes = [1], strides = [1]} : vector<16xf32> to vector<1xf32>
      %squeeze3A_989 = vector.extract %slice3A_988[0] : f32 from vector<1xf32>
      %add3A_990 = arith.addf %add3A_987, %squeeze3A_989 : f32
      %slice3A_991 = vector.extract_strided_slice %add3A_956 {offsets = [11], sizes = [1], strides = [1]} : vector<16xf32> to vector<1xf32>
      %squeeze3A_992 = vector.extract %slice3A_991[0] : f32 from vector<1xf32>
      %add3A_993 = arith.addf %add3A_990, %squeeze3A_992 : f32
      %slice3A_994 = vector.extract_strided_slice %add3A_956 {offsets = [12], sizes = [1], strides = [1]} : vector<16xf32> to vector<1xf32>
      %squeeze3A_995 = vector.extract %slice3A_994[0] : f32 from vector<1xf32>
      %add3A_996 = arith.addf %add3A_993, %squeeze3A_995 : f32
      %slice3A_997 = vector.extract_strided_slice %add3A_956 {offsets = [13], sizes = [1], strides = [1]} : vector<16xf32> to vector<1xf32>
      %squeeze3A_998 = vector.extract %slice3A_997[0] : f32 from vector<1xf32>
      %add3A_999 = arith.addf %add3A_996, %squeeze3A_998 : f32
      %slice3A_1000 = vector.extract_strided_slice %add3A_956 {offsets = [14], sizes = [1], strides = [1]} : vector<16xf32> to vector<1xf32>
      %squeeze3A_1001 = vector.extract %slice3A_1000[0] : f32 from vector<1xf32>
      %add3A_1002 = arith.addf %add3A_999, %squeeze3A_1001 : f32
      %slice3A_1003 = vector.extract_strided_slice %add3A_956 {offsets = [15], sizes = [1], strides = [1]} : vector<16xf32> to vector<1xf32>
      %squeeze3A_1004 = vector.extract %slice3A_1003[0] : f32 from vector<1xf32>
      %add3A_1005 = arith.addf %add3A_1002, %squeeze3A_1004 : f32
      %slice3A_1006 = vector.extract_strided_slice %get3A_936 {offsets = [0], sizes = [1], strides = [1]} : vector<16xf32> to vector<1xf32>
      %squeeze3A_1007 = vector.extract %slice3A_1006[0] : f32 from vector<1xf32>
      %add3A_1008 = arith.addf %add3A_1005, %squeeze3A_1007 : f32
      %mul3A_1009 = arith.constant 6.553700e+04 : f32
      %mul3A_1010 = arith.mulf %add3A_1008, %mul3A_1009 : f32
      %sub3A_1011 = arith.subf %mul3A_1010, %add3A_1008 : f32
      %sub3A_1012 = arith.subf %mul3A_1010, %sub3A_1011 : f32
      %abs3A = math.absf %sub3A_1012 : f32
      %lt3A_1013 = arith.constant 0x4B000000 : f32
      %lt3A_1014 = arith.cmpf olt, %abs3A, %lt3A_1013 : f32
      %convert_element_type3A_1015 = arith.fptosi %sub3A_1012 : f32 to i32
      %convert_element_type3A_1016 = arith.sitofp %convert_element_type3A_1015 : i32 to f32
      %select_n3A_1017 = arith.select %lt3A_1014, %convert_element_type3A_1016, %sub3A_1012 : f32
      %get3A_1018 = arith.constant 64 : index
      %get3A_1019 = tpu.vector_load %arg20[%get3A_1018] {strides = array<i32>} : memref<256xf32, #tpu.memory_space<vmem>>, vector<16xf32>,
      %get3A_1020 = vector.shape_cast %get3A_1019 : vector<16xf32> to vector<16xf32>
      %mul3A_1021 = arith.mulf %sub3A_678, %get3A_1020 : vector<16xf32>
      %add3A_1022 = arith.addf %broadcast_in_dim3A_4, %mul3A_1021 : vector<16xf32>
      %get3A_1023 = arith.constant 80 : index
      %get3A_1024 = tpu.vector_load %arg20[%get3A_1023] {strides = array<i32>} : memref<256xf32, #tpu.memory_space<vmem>>, vector<16xf32>,
      %get3A_1025 = vector.shape_cast %get3A_1024 : vector<16xf32> to vector<16xf32>
      %mul3A_1026 = arith.mulf %sub3A_741, %get3A_1025 : vector<16xf32>
      %add3A_1027 = arith.addf %add3A_1022, %mul3A_1026 : vector<16xf32>
      %get3A_1028 = arith.constant 96 : index
      %get3A_1029 = tpu.vector_load %arg20[%get3A_1028] {strides = array<i32>} : memref<256xf32, #tpu.memory_space<vmem>>, vector<16xf32>,
      %get3A_1030 = vector.shape_cast %get3A_1029 : vector<16xf32> to vector<16xf32>
      %mul3A_1031 = arith.mulf %sub3A_804, %get3A_1030 : vector<16xf32>
      %add3A_1032 = arith.addf %add3A_1027, %mul3A_1031 : vector<16xf32>
      %get3A_1033 = arith.constant 112 : index
      %get3A_1034 = tpu.vector_load %arg20[%get3A_1033] {strides = array<i32>} : memref<256xf32, #tpu.memory_space<vmem>>, vector<16xf32>,
      %get3A_1035 = vector.shape_cast %get3A_1034 : vector<16xf32> to vector<16xf32>
      %mul3A_1036 = arith.mulf %sub3A_867, %get3A_1035 : vector<16xf32>
      %add3A_1037 = arith.addf %add3A_1032, %mul3A_1036 : vector<16xf32>
      %slice3A_1038 = vector.extract_strided_slice %add3A_1037 {offsets = [0], sizes = [1], strides = [1]} : vector<16xf32> to vector<1xf32>
      %squeeze3A_1039 = vector.extract %slice3A_1038[0] : f32 from vector<1xf32>
      %add3A_1040 = arith.constant 0.000000e+00 : f32
      %add3A_1041 = arith.addf %add3A_1040, %squeeze3A_1039 : f32
      %slice3A_1042 = vector.extract_strided_slice %add3A_1037 {offsets = [1], sizes = [1], strides = [1]} : vector<16xf32> to vector<1xf32>
      %squeeze3A_1043 = vector.extract %slice3A_1042[0] : f32 from vector<1xf32>
      %add3A_1044 = arith.addf %add3A_1041, %squeeze3A_1043 : f32
      %slice3A_1045 = vector.extract_strided_slice %add3A_1037 {offsets = [2], sizes = [1], strides = [1]} : vector<16xf32> to vector<1xf32>
      %squeeze3A_1046 = vector.extract %slice3A_1045[0] : f32 from vector<1xf32>
      %add3A_1047 = arith.addf %add3A_1044, %squeeze3A_1046 : f32
      %slice3A_1048 = vector.extract_strided_slice %add3A_1037 {offsets = [3], sizes = [1], strides = [1]} : vector<16xf32> to vector<1xf32>
      %squeeze3A_1049 = vector.extract %slice3A_1048[0] : f32 from vector<1xf32>
      %add3A_1050 = arith.addf %add3A_1047, %squeeze3A_1049 : f32
      %slice3A_1051 = vector.extract_strided_slice %add3A_1037 {offsets = [4], sizes = [1], strides = [1]} : vector<16xf32> to vector<1xf32>
      %squeeze3A_1052 = vector.extract %slice3A_1051[0] : f32 from vector<1xf32>
      %add3A_1053 = arith.addf %add3A_1050, %squeeze3A_1052 : f32
      %slice3A_1054 = vector.extract_strided_slice %add3A_1037 {offsets = [5], sizes = [1], strides = [1]} : vector<16xf32> to vector<1xf32>
      %squeeze3A_1055 = vector.extract %slice3A_1054[0] : f32 from vector<1xf32>
      %add3A_1056 = arith.addf %add3A_1053, %squeeze3A_1055 : f32
      %slice3A_1057 = vector.extract_strided_slice %add3A_1037 {offsets = [6], sizes = [1], strides = [1]} : vector<16xf32> to vector<1xf32>
      %squeeze3A_1058 = vector.extract %slice3A_1057[0] : f32 from vector<1xf32>
      %add3A_1059 = arith.addf %add3A_1056, %squeeze3A_1058 : f32
      %slice3A_1060 = vector.extract_strided_slice %add3A_1037 {offsets = [7], sizes = [1], strides = [1]} : vector<16xf32> to vector<1xf32>
      %squeeze3A_1061 = vector.extract %slice3A_1060[0] : f32 from vector<1xf32>
      %add3A_1062 = arith.addf %add3A_1059, %squeeze3A_1061 : f32
      %slice3A_1063 = vector.extract_strided_slice %add3A_1037 {offsets = [8], sizes = [1], strides = [1]} : vector<16xf32> to vector<1xf32>
      %squeeze3A_1064 = vector.extract %slice3A_1063[0] : f32 from vector<1xf32>
      %add3A_1065 = arith.addf %add3A_1062, %squeeze3A_1064 : f32
      %slice3A_1066 = vector.extract_strided_slice %add3A_1037 {offsets = [9], sizes = [1], strides = [1]} : vector<16xf32> to vector<1xf32>
      %squeeze3A_1067 = vector.extract %slice3A_1066[0] : f32 from vector<1xf32>
      %add3A_1068 = arith.addf %add3A_1065, %squeeze3A_1067 : f32
      %slice3A_1069 = vector.extract_strided_slice %add3A_1037 {offsets = [10], sizes = [1], strides = [1]} : vector<16xf32> to vector<1xf32>
      %squeeze3A_1070 = vector.extract %slice3A_1069[0] : f32 from vector<1xf32>
      %add3A_1071 = arith.addf %add3A_1068, %squeeze3A_1070 : f32
      %slice3A_1072 = vector.extract_strided_slice %add3A_1037 {offsets = [11], sizes = [1], strides = [1]} : vector<16xf32> to vector<1xf32>
      %squeeze3A_1073 = vector.extract %slice3A_1072[0] : f32 from vector<1xf32>
      %add3A_1074 = arith.addf %add3A_1071, %squeeze3A_1073 : f32
      %slice3A_1075 = vector.extract_strided_slice %add3A_1037 {offsets = [12], sizes = [1], strides = [1]} : vector<16xf32> to vector<1xf32>
      %squeeze3A_1076 = vector.extract %slice3A_1075[0] : f32 from vector<1xf32>
      %add3A_1077 = arith.addf %add3A_1074, %squeeze3A_1076 : f32
      %slice3A_1078 = vector.extract_strided_slice %add3A_1037 {offsets = [13], sizes = [1], strides = [1]} : vector<16xf32> to vector<1xf32>
      %squeeze3A_1079 = vector.extract %slice3A_1078[0] : f32 from vector<1xf32>
      %add3A_1080 = arith.addf %add3A_1077, %squeeze3A_1079 : f32
      %slice3A_1081 = vector.extract_strided_slice %add3A_1037 {offsets = [14], sizes = [1], strides = [1]} : vector<16xf32> to vector<1xf32>
      %squeeze3A_1082 = vector.extract %slice3A_1081[0] : f32 from vector<1xf32>
      %add3A_1083 = arith.addf %add3A_1080, %squeeze3A_1082 : f32
      %slice3A_1084 = vector.extract_strided_slice %add3A_1037 {offsets = [15], sizes = [1], strides = [1]} : vector<16xf32> to vector<1xf32>
      %squeeze3A_1085 = vector.extract %slice3A_1084[0] : f32 from vector<1xf32>
      %add3A_1086 = arith.addf %add3A_1083, %squeeze3A_1085 : f32
      %slice3A_1087 = vector.extract_strided_slice %get3A_936 {offsets = [1], sizes = [1], strides = [1]} : vector<16xf32> to vector<1xf32>
      %squeeze3A_1088 = vector.extract %slice3A_1087[0] : f32 from vector<1xf32>
      %add3A_1089 = arith.addf %add3A_1086, %squeeze3A_1088 : f32
      %mul3A_1090 = arith.constant 6.553700e+04 : f32
      %mul3A_1091 = arith.mulf %add3A_1089, %mul3A_1090 : f32
      %sub3A_1092 = arith.subf %mul3A_1091, %add3A_1089 : f32
      %sub3A_1093 = arith.subf %mul3A_1091, %sub3A_1092 : f32
      %abs3A_1094 = math.absf %sub3A_1093 : f32
      %lt3A_1095 = arith.constant 0x4B000000 : f32
      %lt3A_1096 = arith.cmpf olt, %abs3A_1094, %lt3A_1095 : f32
      %convert_element_type3A_1097 = arith.fptosi %sub3A_1093 : f32 to i32
      %convert_element_type3A_1098 = arith.sitofp %convert_element_type3A_1097 : i32 to f32
      %select_n3A_1099 = arith.select %lt3A_1096, %convert_element_type3A_1098, %sub3A_1093 : f32
      %get3A_1100 = arith.constant 128 : index
      %get3A_1101 = tpu.vector_load %arg20[%get3A_1100] {strides = array<i32>} : memref<256xf32, #tpu.memory_space<vmem>>, vector<16xf32>,
      %get3A_1102 = vector.shape_cast %get3A_1101 : vector<16xf32> to vector<16xf32>
      %mul3A_1103 = arith.mulf %sub3A_678, %get3A_1102 : vector<16xf32>
      %add3A_1104 = arith.addf %broadcast_in_dim3A_4, %mul3A_1103 : vector<16xf32>
      %get3A_1105 = arith.constant 144 : index
      %get3A_1106 = tpu.vector_load %arg20[%get3A_1105] {strides = array<i32>} : memref<256xf32, #tpu.memory_space<vmem>>, vector<16xf32>,
      %get3A_1107 = vector.shape_cast %get3A_1106 : vector<16xf32> to vector<16xf32>
      %mul3A_1108 = arith.mulf %sub3A_741, %get3A_1107 : vector<16xf32>
      %add3A_1109 = arith.addf %add3A_1104, %mul3A_1108 : vector<16xf32>
      %get3A_1110 = arith.constant 160 : index
      %get3A_1111 = tpu.vector_load %arg20[%get3A_1110] {strides = array<i32>} : memref<256xf32, #tpu.memory_space<vmem>>, vector<16xf32>,
      %get3A_1112 = vector.shape_cast %get3A_1111 : vector<16xf32> to vector<16xf32>
      %mul3A_1113 = arith.mulf %sub3A_804, %get3A_1112 : vector<16xf32>
      %add3A_1114 = arith.addf %add3A_1109, %mul3A_1113 : vector<16xf32>
      %get3A_1115 = arith.constant 176 : index
      %get3A_1116 = tpu.vector_load %arg20[%get3A_1115] {strides = array<i32>} : memref<256xf32, #tpu.memory_space<vmem>>, vector<16xf32>,
      %get3A_1117 = vector.shape_cast %get3A_1116 : vector<16xf32> to vector<16xf32>
      %mul3A_1118 = arith.mulf %sub3A_867, %get3A_1117 : vector<16xf32>
      %add3A_1119 = arith.addf %add3A_1114, %mul3A_1118 : vector<16xf32>
      %slice3A_1120 = vector.extract_strided_slice %add3A_1119 {offsets = [0], sizes = [1], strides = [1]} : vector<16xf32> to vector<1xf32>
      %squeeze3A_1121 = vector.extract %slice3A_1120[0] : f32 from vector<1xf32>
      %add3A_1122 = arith.constant 0.000000e+00 : f32
      %add3A_1123 = arith.addf %add3A_1122, %squeeze3A_1121 : f32
      %slice3A_1124 = vector.extract_strided_slice %add3A_1119 {offsets = [1], sizes = [1], strides = [1]} : vector<16xf32> to vector<1xf32>
      %squeeze3A_1125 = vector.extract %slice3A_1124[0] : f32 from vector<1xf32>
      %add3A_1126 = arith.addf %add3A_1123, %squeeze3A_1125 : f32
      %slice3A_1127 = vector.extract_strided_slice %add3A_1119 {offsets = [2], sizes = [1], strides = [1]} : vector<16xf32> to vector<1xf32>
      %squeeze3A_1128 = vector.extract %slice3A_1127[0] : f32 from vector<1xf32>
      %add3A_1129 = arith.addf %add3A_1126, %squeeze3A_1128 : f32
      %slice3A_1130 = vector.extract_strided_slice %add3A_1119 {offsets = [3], sizes = [1], strides = [1]} : vector<16xf32> to vector<1xf32>
      %squeeze3A_1131 = vector.extract %slice3A_1130[0] : f32 from vector<1xf32>
      %add3A_1132 = arith.addf %add3A_1129, %squeeze3A_1131 : f32
      %slice3A_1133 = vector.extract_strided_slice %add3A_1119 {offsets = [4], sizes = [1], strides = [1]} : vector<16xf32> to vector<1xf32>
      %squeeze3A_1134 = vector.extract %slice3A_1133[0] : f32 from vector<1xf32>
      %add3A_1135 = arith.addf %add3A_1132, %squeeze3A_1134 : f32
      %slice3A_1136 = vector.extract_strided_slice %add3A_1119 {offsets = [5], sizes = [1], strides = [1]} : vector<16xf32> to vector<1xf32>
      %squeeze3A_1137 = vector.extract %slice3A_1136[0] : f32 from vector<1xf32>
      %add3A_1138 = arith.addf %add3A_1135, %squeeze3A_1137 : f32
      %slice3A_1139 = vector.extract_strided_slice %add3A_1119 {offsets = [6], sizes = [1], strides = [1]} : vector<16xf32> to vector<1xf32>
      %squeeze3A_1140 = vector.extract %slice3A_1139[0] : f32 from vector<1xf32>
      %add3A_1141 = arith.addf %add3A_1138, %squeeze3A_1140 : f32
      %slice3A_1142 = vector.extract_strided_slice %add3A_1119 {offsets = [7], sizes = [1], strides = [1]} : vector<16xf32> to vector<1xf32>
      %squeeze3A_1143 = vector.extract %slice3A_1142[0] : f32 from vector<1xf32>
      %add3A_1144 = arith.addf %add3A_1141, %squeeze3A_1143 : f32
      %slice3A_1145 = vector.extract_strided_slice %add3A_1119 {offsets = [8], sizes = [1], strides = [1]} : vector<16xf32> to vector<1xf32>
      %squeeze3A_1146 = vector.extract %slice3A_1145[0] : f32 from vector<1xf32>
      %add3A_1147 = arith.addf %add3A_1144, %squeeze3A_1146 : f32
      %slice3A_1148 = vector.extract_strided_slice %add3A_1119 {offsets = [9], sizes = [1], strides = [1]} : vector<16xf32> to vector<1xf32>
      %squeeze3A_1149 = vector.extract %slice3A_1148[0] : f32 from vector<1xf32>
      %add3A_1150 = arith.addf %add3A_1147, %squeeze3A_1149 : f32
      %slice3A_1151 = vector.extract_strided_slice %add3A_1119 {offsets = [10], sizes = [1], strides = [1]} : vector<16xf32> to vector<1xf32>
      %squeeze3A_1152 = vector.extract %slice3A_1151[0] : f32 from vector<1xf32>
      %add3A_1153 = arith.addf %add3A_1150, %squeeze3A_1152 : f32
      %slice3A_1154 = vector.extract_strided_slice %add3A_1119 {offsets = [11], sizes = [1], strides = [1]} : vector<16xf32> to vector<1xf32>
      %squeeze3A_1155 = vector.extract %slice3A_1154[0] : f32 from vector<1xf32>
      %add3A_1156 = arith.addf %add3A_1153, %squeeze3A_1155 : f32
      %slice3A_1157 = vector.extract_strided_slice %add3A_1119 {offsets = [12], sizes = [1], strides = [1]} : vector<16xf32> to vector<1xf32>
      %squeeze3A_1158 = vector.extract %slice3A_1157[0] : f32 from vector<1xf32>
      %add3A_1159 = arith.addf %add3A_1156, %squeeze3A_1158 : f32
      %slice3A_1160 = vector.extract_strided_slice %add3A_1119 {offsets = [13], sizes = [1], strides = [1]} : vector<16xf32> to vector<1xf32>
      %squeeze3A_1161 = vector.extract %slice3A_1160[0] : f32 from vector<1xf32>
      %add3A_1162 = arith.addf %add3A_1159, %squeeze3A_1161 : f32
      %slice3A_1163 = vector.extract_strided_slice %add3A_1119 {offsets = [14], sizes = [1], strides = [1]} : vector<16xf32> to vector<1xf32>
      %squeeze3A_1164 = vector.extract %slice3A_1163[0] : f32 from vector<1xf32>
      %add3A_1165 = arith.addf %add3A_1162, %squeeze3A_1164 : f32
      %slice3A_1166 = vector.extract_strided_slice %add3A_1119 {offsets = [15], sizes = [1], strides = [1]} : vector<16xf32> to vector<1xf32>
      %squeeze3A_1167 = vector.extract %slice3A_1166[0] : f32 from vector<1xf32>
      %add3A_1168 = arith.addf %add3A_1165, %squeeze3A_1167 : f32
      %slice3A_1169 = vector.extract_strided_slice %get3A_936 {offsets = [2], sizes = [1], strides = [1]} : vector<16xf32> to vector<1xf32>
      %squeeze3A_1170 = vector.extract %slice3A_1169[0] : f32 from vector<1xf32>
      %add3A_1171 = arith.addf %add3A_1168, %squeeze3A_1170 : f32
      %mul3A_1172 = arith.constant 6.553700e+04 : f32
      %mul3A_1173 = arith.mulf %add3A_1171, %mul3A_1172 : f32
      %sub3A_1174 = arith.subf %mul3A_1173, %add3A_1171 : f32
      %sub3A_1175 = arith.subf %mul3A_1173, %sub3A_1174 : f32
      %abs3A_1176 = math.absf %sub3A_1175 : f32
      %lt3A_1177 = arith.constant 0x4B000000 : f32
      %lt3A_1178 = arith.cmpf olt, %abs3A_1176, %lt3A_1177 : f32
      %convert_element_type3A_1179 = arith.fptosi %sub3A_1175 : f32 to i32
      %convert_element_type3A_1180 = arith.sitofp %convert_element_type3A_1179 : i32 to f32
      %select_n3A_1181 = arith.select %lt3A_1178, %convert_element_type3A_1180, %sub3A_1175 : f32
      %get3A_1182 = arith.constant 192 : index
      %get3A_1183 = tpu.vector_load %arg20[%get3A_1182] {strides = array<i32>} : memref<256xf32, #tpu.memory_space<vmem>>, vector<16xf32>,
      %get3A_1184 = vector.shape_cast %get3A_1183 : vector<16xf32> to vector<16xf32>
      %mul3A_1185 = arith.mulf %sub3A_678, %get3A_1184 : vector<16xf32>
      %add3A_1186 = arith.addf %broadcast_in_dim3A_4, %mul3A_1185 : vector<16xf32>
      %get3A_1187 = arith.constant 208 : index
      %get3A_1188 = tpu.vector_load %arg20[%get3A_1187] {strides = array<i32>} : memref<256xf32, #tpu.memory_space<vmem>>, vector<16xf32>,
      %get3A_1189 = vector.shape_cast %get3A_1188 : vector<16xf32> to vector<16xf32>
      %mul3A_1190 = arith.mulf %sub3A_741, %get3A_1189 : vector<16xf32>
      %add3A_1191 = arith.addf %add3A_1186, %mul3A_1190 : vector<16xf32>
      %get3A_1192 = arith.constant 224 : index
      %get3A_1193 = tpu.vector_load %arg20[%get3A_1192] {strides = array<i32>} : memref<256xf32, #tpu.memory_space<vmem>>, vector<16xf32>,
      %get3A_1194 = vector.shape_cast %get3A_1193 : vector<16xf32> to vector<16xf32>
      %mul3A_1195 = arith.mulf %sub3A_804, %get3A_1194 : vector<16xf32>
      %add3A_1196 = arith.addf %add3A_1191, %mul3A_1195 : vector<16xf32>
      %get3A_1197 = arith.constant 240 : index
      %get3A_1198 = tpu.vector_load %arg20[%get3A_1197] {strides = array<i32>} : memref<256xf32, #tpu.memory_space<vmem>>, vector<16xf32>,
      %get3A_1199 = vector.shape_cast %get3A_1198 : vector<16xf32> to vector<16xf32>
      %mul3A_1200 = arith.mulf %sub3A_867, %get3A_1199 : vector<16xf32>
      %add3A_1201 = arith.addf %add3A_1196, %mul3A_1200 : vector<16xf32>
      %slice3A_1202 = vector.extract_strided_slice %add3A_1201 {offsets = [0], sizes = [1], strides = [1]} : vector<16xf32> to vector<1xf32>
      %squeeze3A_1203 = vector.extract %slice3A_1202[0] : f32 from vector<1xf32>
      %add3A_1204 = arith.constant 0.000000e+00 : f32
      %add3A_1205 = arith.addf %add3A_1204, %squeeze3A_1203 : f32
      %slice3A_1206 = vector.extract_strided_slice %add3A_1201 {offsets = [1], sizes = [1], strides = [1]} : vector<16xf32> to vector<1xf32>
      %squeeze3A_1207 = vector.extract %slice3A_1206[0] : f32 from vector<1xf32>
      %add3A_1208 = arith.addf %add3A_1205, %squeeze3A_1207 : f32
      %slice3A_1209 = vector.extract_strided_slice %add3A_1201 {offsets = [2], sizes = [1], strides = [1]} : vector<16xf32> to vector<1xf32>
      %squeeze3A_1210 = vector.extract %slice3A_1209[0] : f32 from vector<1xf32>
      %add3A_1211 = arith.addf %add3A_1208, %squeeze3A_1210 : f32
      %slice3A_1212 = vector.extract_strided_slice %add3A_1201 {offsets = [3], sizes = [1], strides = [1]} : vector<16xf32> to vector<1xf32>
      %squeeze3A_1213 = vector.extract %slice3A_1212[0] : f32 from vector<1xf32>
      %add3A_1214 = arith.addf %add3A_1211, %squeeze3A_1213 : f32
      %slice3A_1215 = vector.extract_strided_slice %add3A_1201 {offsets = [4], sizes = [1], strides = [1]} : vector<16xf32> to vector<1xf32>
      %squeeze3A_1216 = vector.extract %slice3A_1215[0] : f32 from vector<1xf32>
      %add3A_1217 = arith.addf %add3A_1214, %squeeze3A_1216 : f32
      %slice3A_1218 = vector.extract_strided_slice %add3A_1201 {offsets = [5], sizes = [1], strides = [1]} : vector<16xf32> to vector<1xf32>
      %squeeze3A_1219 = vector.extract %slice3A_1218[0] : f32 from vector<1xf32>
      %add3A_1220 = arith.addf %add3A_1217, %squeeze3A_1219 : f32
      %slice3A_1221 = vector.extract_strided_slice %add3A_1201 {offsets = [6], sizes = [1], strides = [1]} : vector<16xf32> to vector<1xf32>
      %squeeze3A_1222 = vector.extract %slice3A_1221[0] : f32 from vector<1xf32>
      %add3A_1223 = arith.addf %add3A_1220, %squeeze3A_1222 : f32
      %slice3A_1224 = vector.extract_strided_slice %add3A_1201 {offsets = [7], sizes = [1], strides = [1]} : vector<16xf32> to vector<1xf32>
      %squeeze3A_1225 = vector.extract %slice3A_1224[0] : f32 from vector<1xf32>
      %add3A_1226 = arith.addf %add3A_1223, %squeeze3A_1225 : f32
      %slice3A_1227 = vector.extract_strided_slice %add3A_1201 {offsets = [8], sizes = [1], strides = [1]} : vector<16xf32> to vector<1xf32>
      %squeeze3A_1228 = vector.extract %slice3A_1227[0] : f32 from vector<1xf32>
      %add3A_1229 = arith.addf %add3A_1226, %squeeze3A_1228 : f32
      %slice3A_1230 = vector.extract_strided_slice %add3A_1201 {offsets = [9], sizes = [1], strides = [1]} : vector<16xf32> to vector<1xf32>
      %squeeze3A_1231 = vector.extract %slice3A_1230[0] : f32 from vector<1xf32>
      %add3A_1232 = arith.addf %add3A_1229, %squeeze3A_1231 : f32
      %slice3A_1233 = vector.extract_strided_slice %add3A_1201 {offsets = [10], sizes = [1], strides = [1]} : vector<16xf32> to vector<1xf32>
      %squeeze3A_1234 = vector.extract %slice3A_1233[0] : f32 from vector<1xf32>
      %add3A_1235 = arith.addf %add3A_1232, %squeeze3A_1234 : f32
      %slice3A_1236 = vector.extract_strided_slice %add3A_1201 {offsets = [11], sizes = [1], strides = [1]} : vector<16xf32> to vector<1xf32>
      %squeeze3A_1237 = vector.extract %slice3A_1236[0] : f32 from vector<1xf32>
      %add3A_1238 = arith.addf %add3A_1235, %squeeze3A_1237 : f32
      %slice3A_1239 = vector.extract_strided_slice %add3A_1201 {offsets = [12], sizes = [1], strides = [1]} : vector<16xf32> to vector<1xf32>
      %squeeze3A_1240 = vector.extract %slice3A_1239[0] : f32 from vector<1xf32>
      %add3A_1241 = arith.addf %add3A_1238, %squeeze3A_1240 : f32
      %slice3A_1242 = vector.extract_strided_slice %add3A_1201 {offsets = [13], sizes = [1], strides = [1]} : vector<16xf32> to vector<1xf32>
      %squeeze3A_1243 = vector.extract %slice3A_1242[0] : f32 from vector<1xf32>
      %add3A_1244 = arith.addf %add3A_1241, %squeeze3A_1243 : f32
      %slice3A_1245 = vector.extract_strided_slice %add3A_1201 {offsets = [14], sizes = [1], strides = [1]} : vector<16xf32> to vector<1xf32>
      %squeeze3A_1246 = vector.extract %slice3A_1245[0] : f32 from vector<1xf32>
      %add3A_1247 = arith.addf %add3A_1244, %squeeze3A_1246 : f32
      %slice3A_1248 = vector.extract_strided_slice %add3A_1201 {offsets = [15], sizes = [1], strides = [1]} : vector<16xf32> to vector<1xf32>
      %squeeze3A_1249 = vector.extract %slice3A_1248[0] : f32 from vector<1xf32>
      %add3A_1250 = arith.addf %add3A_1247, %squeeze3A_1249 : f32
      %slice3A_1251 = vector.extract_strided_slice %get3A_936 {offsets = [3], sizes = [1], strides = [1]} : vector<16xf32> to vector<1xf32>
      %squeeze3A_1252 = vector.extract %slice3A_1251[0] : f32 from vector<1xf32>
      %add3A_1253 = arith.addf %add3A_1250, %squeeze3A_1252 : f32
      %mul3A_1254 = arith.constant 6.553700e+04 : f32
      %mul3A_1255 = arith.mulf %add3A_1253, %mul3A_1254 : f32
      %sub3A_1256 = arith.subf %mul3A_1255, %add3A_1253 : f32
      %sub3A_1257 = arith.subf %mul3A_1255, %sub3A_1256 : f32
      %abs3A_1258 = math.absf %sub3A_1257 : f32
      %lt3A_1259 = arith.constant 0x4B000000 : f32
      %lt3A_1260 = arith.cmpf olt, %abs3A_1258, %lt3A_1259 : f32
      %convert_element_type3A_1261 = arith.fptosi %sub3A_1257 : f32 to i32
      %convert_element_type3A_1262 = arith.sitofp %convert_element_type3A_1261 : i32 to f32
      %select_n3A_1263 = arith.select %lt3A_1260, %convert_element_type3A_1262, %sub3A_1257 : f32
      %eq3A_1264 = arith.constant 16 : i32
      %eq3A_1265 = arith.cmpi eq, %and3A_157, %eq3A_1264 : i32
      %jit3A_1266 = arith.constant 1.000000e+00 : f32
      %jit3A_1267 = arith.constant 0.000000e+00 : f32
      %select_n3A_1268 = arith.select %eq3A_1265, %jit3A_1266, %jit3A_1267 : f32
      %eq3A_1269 = arith.constant 17 : i32
      %eq3A_1270 = arith.cmpi eq, %and3A_157, %eq3A_1269 : i32
      %jit3A_1271 = arith.constant 1.000000e+00 : f32
      %jit3A_1272 = arith.constant 0.000000e+00 : f32
      %select_n3A_1273 = arith.select %eq3A_1270, %jit3A_1271, %jit3A_1272 : f32
      %eq3A_1274 = arith.constant 18 : i32
      %eq3A_1275 = arith.cmpi eq, %and3A_157, %eq3A_1274 : i32
      %jit3A_1276 = arith.constant 1.000000e+00 : f32
      %jit3A_1277 = arith.constant 0.000000e+00 : f32
      %select_n3A_1278 = arith.select %eq3A_1275, %jit3A_1276, %jit3A_1277 : f32
      %and3A_1279 = arith.constant 65535 : i32
      %and3A_1280 = arith.andi %squeeze3A_153, %and3A_1279 : i32
      %shift_right_logical3A_1281 = arith.constant 16 : i32
      %shift_right_logical3A_1282 = arith.shrui %squeeze3A_153, %shift_right_logical3A_1281 : i32
      %and3A_1283 = arith.constant 65535 : i32
      %and3A_1284 = arith.andi %squeeze3A_155, %and3A_1283 : i32
      %shift_right_logical3A_1285 = arith.constant 16 : i32
      %shift_right_logical3A_1286 = arith.shrui %squeeze3A_155, %shift_right_logical3A_1285 : i32
      %and3A_1287 = arith.constant 65535 : i32
      %and3A_1288 = arith.andi %squeeze3A_12, %and3A_1287 : i32
      %shift_right_logical3A_1289 = arith.constant 16 : i32
      %shift_right_logical3A_1290 = arith.shrui %squeeze3A_12, %shift_right_logical3A_1289 : i32
      %mul3A_1291 = arith.muli %and3A_1280, %and3A_1288 : i32
      %and3A_1292 = arith.constant 65535 : i32
      %and3A_1293 = arith.andi %mul3A_1291, %and3A_1292 : i32
      %shift_right_logical3A_1294 = arith.constant 16 : i32
      %shift_right_logical3A_1295 = arith.shrui %mul3A_1291, %shift_right_logical3A_1294 : i32
      %mul3A_1296 = arith.muli %shift_right_logical3A_1282, %and3A_1288 : i32
      %mul3A_1297 = arith.muli %and3A_1280, %shift_right_logical3A_1290 : i32
      %and3A_1298 = arith.constant 65535 : i32
      %and3A_1299 = arith.andi %mul3A_1296, %and3A_1298 : i32
      %and3A_1300 = arith.constant 65535 : i32
      %and3A_1301 = arith.andi %mul3A_1297, %and3A_1300 : i32
      %add3A_1302 = arith.addi %and3A_1299, %and3A_1301 : i32
      %add3A_1303 = arith.addi %add3A_1302, %shift_right_logical3A_1295 : i32
      %and3A_1304 = arith.constant 65535 : i32
      %and3A_1305 = arith.andi %add3A_1303, %and3A_1304 : i32
      %shift_right_logical3A_1306 = arith.constant 16 : i32
      %shift_right_logical3A_1307 = arith.shrui %add3A_1303, %shift_right_logical3A_1306 : i32
      %shift_right_logical3A_1308 = arith.constant 16 : i32
      %shift_right_logical3A_1309 = arith.shrui %mul3A_1296, %shift_right_logical3A_1308 : i32
      %add3A_1310 = arith.addi %shift_right_logical3A_1307, %shift_right_logical3A_1309 : i32
      %shift_right_logical3A_1311 = arith.constant 16 : i32
      %shift_right_logical3A_1312 = arith.shrui %mul3A_1297, %shift_right_logical3A_1311 : i32
      %add3A_1313 = arith.addi %add3A_1310, %shift_right_logical3A_1312 : i32
      %mul3A_1314 = arith.muli %and3A_1284, %and3A_1288 : i32
      %mul3A_1315 = arith.muli %shift_right_logical3A_1282, %shift_right_logical3A_1290 : i32
      %and3A_1316 = arith.constant 65535 : i32
      %and3A_1317 = arith.andi %mul3A_1314, %and3A_1316 : i32
      %and3A_1318 = arith.constant 65535 : i32
      %and3A_1319 = arith.andi %mul3A_1315, %and3A_1318 : i32
      %add3A_1320 = arith.addi %and3A_1317, %and3A_1319 : i32
      %add3A_1321 = arith.addi %add3A_1320, %add3A_1313 : i32
      %and3A_1322 = arith.constant 65535 : i32
      %and3A_1323 = arith.andi %add3A_1321, %and3A_1322 : i32
      %shift_right_logical3A_1324 = arith.constant 16 : i32
      %shift_right_logical3A_1325 = arith.shrui %add3A_1321, %shift_right_logical3A_1324 : i32
      %shift_right_logical3A_1326 = arith.constant 16 : i32
      %shift_right_logical3A_1327 = arith.shrui %mul3A_1314, %shift_right_logical3A_1326 : i32
      %add3A_1328 = arith.addi %shift_right_logical3A_1325, %shift_right_logical3A_1327 : i32
      %shift_right_logical3A_1329 = arith.constant 16 : i32
      %shift_right_logical3A_1330 = arith.shrui %mul3A_1315, %shift_right_logical3A_1329 : i32
      %add3A_1331 = arith.addi %add3A_1328, %shift_right_logical3A_1330 : i32
      %mul3A_1332 = arith.muli %shift_right_logical3A_1286, %and3A_1288 : i32
      %mul3A_1333 = arith.muli %and3A_1284, %shift_right_logical3A_1290 : i32
      %and3A_1334 = arith.constant 65535 : i32
      %and3A_1335 = arith.andi %mul3A_1332, %and3A_1334 : i32
      %and3A_1336 = arith.constant 65535 : i32
      %and3A_1337 = arith.andi %mul3A_1333, %and3A_1336 : i32
      %add3A_1338 = arith.addi %and3A_1335, %and3A_1337 : i32
      %add3A_1339 = arith.addi %add3A_1338, %add3A_1331 : i32
      %and3A_1340 = arith.constant 65535 : i32
      %and3A_1341 = arith.andi %add3A_1339, %and3A_1340 : i32
      %shift_left3A_1342 = arith.constant 16 : i32
      %shift_left3A_1343 = arith.shli %and3A_1305, %shift_left3A_1342 : i32
      %or3A_1344 = arith.ori %and3A_1293, %shift_left3A_1343 : i32
      %shift_left3A_1345 = arith.constant 16 : i32
      %shift_left3A_1346 = arith.shli %and3A_1341, %shift_left3A_1345 : i32
      %or3A_1347 = arith.ori %and3A_1323, %shift_left3A_1346 : i32
      %lt3A_1348 = arith.constant 0 : i32
      %lt3A_1349 = arith.cmpi slt, %or3A_1347, %lt3A_1348 : i32
      %neg3A_1350 = arith.constant 0 : i32
      %neg3A_1351 = arith.subi %neg3A_1350, %or3A_1344 : i32
      %select_n3A_1352 = arith.select %lt3A_1349, %neg3A_1351, %or3A_1344 : i32
      %not3A_1353 = arith.constant -1 : i32
      %not3A_1354 = arith.xori %or3A_1347, %not3A_1353 : i32
      %eq3A_1355 = arith.constant 0 : i32
      %eq3A_1356 = arith.cmpi eq, %or3A_1344, %eq3A_1355 : i32
      %jit3A_1357 = arith.constant 1 : i32
      %jit3A_1358 = arith.constant 0 : i32
      %select_n3A_1359 = arith.select %eq3A_1356, %jit3A_1357, %jit3A_1358 : i32
      %add3A_1360 = arith.addi %not3A_1354, %select_n3A_1359 : i32
      %select_n3A_1361 = arith.select %lt3A_1349, %add3A_1360, %or3A_1347 : i32
      %and3A_1362 = arith.constant 2147483647 : i32
      %and3A_1363 = arith.andi %select_n3A_1361, %and3A_1362 : i32
      %convert_element_type3A_1364 = arith.sitofp %and3A_1363 : i32 to f32
      %lt3A_1365 = arith.constant 0 : i32
      %lt3A_1366 = arith.cmpi slt, %select_n3A_1361, %lt3A_1365 : i32
      %jit3A_1367 = arith.constant 2.14748365E+9 : f32
      %jit3A_1368 = arith.constant 0.000000e+00 : f32
      %select_n3A_1369 = arith.select %lt3A_1366, %jit3A_1367, %jit3A_1368 : f32
      %add3A_1370 = arith.addf %convert_element_type3A_1364, %select_n3A_1369 : f32
      %mul3A_1371 = arith.constant 4.2949673E+9 : f32
      %mul3A_1372 = arith.mulf %add3A_1370, %mul3A_1371 : f32
      %and3A_1373 = arith.constant 2147483647 : i32
      %and3A_1374 = arith.andi %select_n3A_1352, %and3A_1373 : i32
      %convert_element_type3A_1375 = arith.sitofp %and3A_1374 : i32 to f32
      %lt3A_1376 = arith.constant 0 : i32
      %lt3A_1377 = arith.cmpi slt, %select_n3A_1352, %lt3A_1376 : i32
      %jit3A_1378 = arith.constant 2.14748365E+9 : f32
      %jit3A_1379 = arith.constant 0.000000e+00 : f32
      %select_n3A_1380 = arith.select %lt3A_1377, %jit3A_1378, %jit3A_1379 : f32
      %add3A_1381 = arith.addf %convert_element_type3A_1375, %select_n3A_1380 : f32
      %add3A_1382 = arith.addf %mul3A_1372, %add3A_1381 : f32
      %neg3A_1383 = arith.constant 0.000000e+00 : f32
      %neg3A_1384 = arith.subf %neg3A_1383, %add3A_1382 : f32
      %select_n3A_1385 = arith.select %lt3A_1349, %neg3A_1384, %add3A_1382 : f32
      %broadcast_in_dim3A_1386 = vector.broadcast %squeeze3A_12 : i32 to vector<16xi32>
      %eq3A_1387 = arith.constant 0 : i32
      %eq3A_1388 = vector.broadcast %eq3A_1387 : i32 to vector<16xi32>
      %eq3A_1389 = arith.cmpi eq, %broadcast_in_dim3A_1386, %eq3A_1388 : vector<16xi32>
      %broadcast_in_dim3A_1390 = arith.constant 1 : i32
      %broadcast_in_dim3A_1391 = vector.broadcast %broadcast_in_dim3A_1390 : i32 to vector<16xi32>
      %select_n3A_1392 = arith.select %eq3A_1389, %broadcast_in_dim3A_1391, %broadcast_in_dim3A_1386 : vector<16xi1>, vector<16xi32>
      %broadcast_in_dim3A_1393 = vector.broadcast %squeeze3A_153 : i32 to vector<16xi32>
      %broadcast_in_dim3A_1394 = vector.broadcast %squeeze3A_155 : i32 to vector<16xi32>
      %lt3A_1395 = arith.constant 0 : i32
      %lt3A_1396 = vector.broadcast %lt3A_1395 : i32 to vector<16xi32>
      %lt3A_1397 = arith.cmpi slt, %broadcast_in_dim3A_1394, %lt3A_1396 : vector<16xi32>
      %neg3A_1398 = arith.constant 0 : i32
      %neg3A_1399 = vector.broadcast %neg3A_1398 : i32 to vector<16xi32>
      %neg3A_1400 = arith.subi %neg3A_1399, %broadcast_in_dim3A_1393 : vector<16xi32>
      %select_n3A_1401 = arith.select %lt3A_1397, %neg3A_1400, %broadcast_in_dim3A_1393 : vector<16xi1>, vector<16xi32>
      %not3A_1402 = arith.constant dense<-1> : vector<16xi32>
      %not3A_1403 = arith.xori %broadcast_in_dim3A_1394, %not3A_1402 : vector<16xi32>
      %eq3A_1404 = arith.constant 0 : i32
      %eq3A_1405 = vector.broadcast %eq3A_1404 : i32 to vector<16xi32>
      %eq3A_1406 = arith.cmpi eq, %broadcast_in_dim3A_1393, %eq3A_1405 : vector<16xi32>
      %jit3A_1407 = arith.constant 1 : i32
      %jit3A_1408 = arith.constant 0 : i32
      %broadcast_in_dim3A_1409 = vector.broadcast %jit3A_1407 : i32 to vector<16xi32>
      %broadcast_in_dim3A_1410 = vector.broadcast %jit3A_1408 : i32 to vector<16xi32>
      %select_n3A_1411 = arith.select %eq3A_1406, %broadcast_in_dim3A_1409, %broadcast_in_dim3A_1410 : vector<16xi1>, vector<16xi32>
      %add3A_1412 = arith.addi %not3A_1403, %select_n3A_1411 : vector<16xi32>
      %select_n3A_1413 = arith.select %lt3A_1397, %add3A_1412, %broadcast_in_dim3A_1394 : vector<16xi1>, vector<16xi32>
      %convert_element_type3A_1414 = arith.sitofp %select_n3A_1392 : vector<16xi32> to vector<16xf32>
      %div3A = arith.constant 1.000000e+00 : f32
      %div3A_1415 = vector.broadcast %div3A : f32 to vector<16xf32>
      %div3A_1416 = arith.divf %div3A_1415, %convert_element_type3A_1414 : vector<16xf32>
      %sub3A_1417 = arith.subi %broadcast_in_dim3A_1393, %broadcast_in_dim3A_1393 : vector<16xi32>
      %broadcast_in_dim3A_1418 = arith.constant 24 : i32
      %broadcast_in_dim3A_1419 = vector.broadcast %broadcast_in_dim3A_1418 : i32 to vector<16xi32>
      %shift_right_logical3A_1420 = arith.shrui %select_n3A_1413, %broadcast_in_dim3A_1419 : vector<16xi32>
      %and3A_1421 = arith.constant 255 : i32
      %and3A_1422 = vector.broadcast %and3A_1421 : i32 to vector<16xi32>
      %and3A_1423 = arith.andi %shift_right_logical3A_1420, %and3A_1422 : vector<16xi32>
      %broadcast_in_dim3A_1424 = arith.constant 16 : i32
      %broadcast_in_dim3A_1425 = vector.broadcast %broadcast_in_dim3A_1424 : i32 to vector<16xi32>
      %shift_right_logical3A_1426 = arith.shrui %select_n3A_1413, %broadcast_in_dim3A_1425 : vector<16xi32>
      %and3A_1427 = arith.constant 255 : i32
      %and3A_1428 = vector.broadcast %and3A_1427 : i32 to vector<16xi32>
      %and3A_1429 = arith.andi %shift_right_logical3A_1426, %and3A_1428 : vector<16xi32>
      %broadcast_in_dim3A_1430 = arith.constant 8 : i32
      %broadcast_in_dim3A_1431 = vector.broadcast %broadcast_in_dim3A_1430 : i32 to vector<16xi32>
      %shift_right_logical3A_1432 = arith.shrui %select_n3A_1413, %broadcast_in_dim3A_1431 : vector<16xi32>
      %and3A_1433 = arith.constant 255 : i32
      %and3A_1434 = vector.broadcast %and3A_1433 : i32 to vector<16xi32>
      %and3A_1435 = arith.andi %shift_right_logical3A_1432, %and3A_1434 : vector<16xi32>
      %and3A_1436 = arith.constant 255 : i32
      %and3A_1437 = vector.broadcast %and3A_1436 : i32 to vector<16xi32>
      %and3A_1438 = arith.andi %select_n3A_1413, %and3A_1437 : vector<16xi32>
      %broadcast_in_dim3A_1439 = arith.constant 24 : i32
      %broadcast_in_dim3A_1440 = vector.broadcast %broadcast_in_dim3A_1439 : i32 to vector<16xi32>
      %shift_right_logical3A_1441 = arith.shrui %select_n3A_1401, %broadcast_in_dim3A_1440 : vector<16xi32>
      %and3A_1442 = arith.constant 255 : i32
      %and3A_1443 = vector.broadcast %and3A_1442 : i32 to vector<16xi32>
      %and3A_1444 = arith.andi %shift_right_logical3A_1441, %and3A_1443 : vector<16xi32>
      %broadcast_in_dim3A_1445 = arith.constant 16 : i32
      %broadcast_in_dim3A_1446 = vector.broadcast %broadcast_in_dim3A_1445 : i32 to vector<16xi32>
      %shift_right_logical3A_1447 = arith.shrui %select_n3A_1401, %broadcast_in_dim3A_1446 : vector<16xi32>
      %and3A_1448 = arith.constant 255 : i32
      %and3A_1449 = vector.broadcast %and3A_1448 : i32 to vector<16xi32>
      %and3A_1450 = arith.andi %shift_right_logical3A_1447, %and3A_1449 : vector<16xi32>
      %broadcast_in_dim3A_1451 = arith.constant 8 : i32
      %broadcast_in_dim3A_1452 = vector.broadcast %broadcast_in_dim3A_1451 : i32 to vector<16xi32>
      %shift_right_logical3A_1453 = arith.shrui %select_n3A_1401, %broadcast_in_dim3A_1452 : vector<16xi32>
      %and3A_1454 = arith.constant 255 : i32
      %and3A_1455 = vector.broadcast %and3A_1454 : i32 to vector<16xi32>
      %and3A_1456 = arith.andi %shift_right_logical3A_1453, %and3A_1455 : vector<16xi32>
      %and3A_1457 = arith.constant 255 : i32
      %and3A_1458 = vector.broadcast %and3A_1457 : i32 to vector<16xi32>
      %and3A_1459 = arith.andi %select_n3A_1401, %and3A_1458 : vector<16xi32>
      %shift_left3A_1460 = arith.constant 8 : i32
      %shift_left3A_1461 = vector.broadcast %shift_left3A_1460 : i32 to vector<16xi32>
      %shift_left3A_1462 = arith.shli %sub3A_1417, %shift_left3A_1461 : vector<16xi32>
      %or3A_1463 = arith.ori %shift_left3A_1462, %and3A_1423 : vector<16xi32>
      %and3A_1464 = arith.constant 2147483647 : i32
      %and3A_1465 = vector.broadcast %and3A_1464 : i32 to vector<16xi32>
      %and3A_1466 = arith.andi %or3A_1463, %and3A_1465 : vector<16xi32>
      %convert_element_type3A_1467 = arith.sitofp %and3A_1466 : vector<16xi32> to vector<16xf32>
      %lt3A_1468 = arith.constant 0 : i32
      %lt3A_1469 = vector.broadcast %lt3A_1468 : i32 to vector<16xi32>
      %lt3A_1470 = arith.cmpi slt, %or3A_1463, %lt3A_1469 : vector<16xi32>
      %jit3A_1471 = arith.constant 2.14748365E+9 : f32
      %jit3A_1472 = arith.constant 0.000000e+00 : f32
      %broadcast_in_dim3A_1473 = vector.broadcast %jit3A_1471 : f32 to vector<16xf32>
      %broadcast_in_dim3A_1474 = vector.broadcast %jit3A_1472 : f32 to vector<16xf32>
      %select_n3A_1475 = arith.select %lt3A_1470, %broadcast_in_dim3A_1473, %broadcast_in_dim3A_1474 : vector<16xi1>, vector<16xf32>
      %add3A_1476 = arith.addf %convert_element_type3A_1467, %select_n3A_1475 : vector<16xf32>
      %mul3A_1477 = arith.mulf %add3A_1476, %div3A_1416 : vector<16xf32>
      %convert_element_type3A_1478 = arith.fptosi %mul3A_1477 : vector<16xf32> to vector<16xi32>
      %mul3A_1479 = arith.muli %convert_element_type3A_1478, %select_n3A_1392 : vector<16xi32>
      %sub3A_1480 = arith.subi %or3A_1463, %mul3A_1479 : vector<16xi32>
      %lt3A_1481 = arith.constant 0 : i32
      %lt3A_1482 = vector.broadcast %lt3A_1481 : i32 to vector<16xi32>
      %lt3A_1483 = arith.cmpi slt, %sub3A_1480, %lt3A_1482 : vector<16xi32>
      %sub3A_1484 = arith.constant 1 : i32
      %sub3A_1485 = vector.broadcast %sub3A_1484 : i32 to vector<16xi32>
      %sub3A_1486 = arith.subi %convert_element_type3A_1478, %sub3A_1485 : vector<16xi32>
      %select_n3A_1487 = arith.select %lt3A_1483, %sub3A_1486, %convert_element_type3A_1478 : vector<16xi1>, vector<16xi32>
      %lt3A_1488 = arith.constant 0 : i32
      %lt3A_1489 = vector.broadcast %lt3A_1488 : i32 to vector<16xi32>
      %lt3A_1490 = arith.cmpi slt, %sub3A_1480, %lt3A_1489 : vector<16xi32>
      %add3A_1491 = arith.addi %sub3A_1480, %select_n3A_1392 : vector<16xi32>
      %select_n3A_1492 = arith.select %lt3A_1490, %add3A_1491, %sub3A_1480 : vector<16xi1>, vector<16xi32>
      %lt3A_1493 = arith.constant 0 : i32
      %lt3A_1494 = vector.broadcast %lt3A_1493 : i32 to vector<16xi32>
      %lt3A_1495 = arith.cmpi slt, %select_n3A_1492, %lt3A_1494 : vector<16xi32>
      %sub3A_1496 = arith.constant 1 : i32
      %sub3A_1497 = vector.broadcast %sub3A_1496 : i32 to vector<16xi32>
      %sub3A_1498 = arith.subi %select_n3A_1487, %sub3A_1497 : vector<16xi32>
      %select_n3A_1499 = arith.select %lt3A_1495, %sub3A_1498, %select_n3A_1487 : vector<16xi1>, vector<16xi32>
      %lt3A_1500 = arith.constant 0 : i32
      %lt3A_1501 = vector.broadcast %lt3A_1500 : i32 to vector<16xi32>
      %lt3A_1502 = arith.cmpi slt, %select_n3A_1492, %lt3A_1501 : vector<16xi32>
      %add3A_1503 = arith.addi %select_n3A_1492, %select_n3A_1392 : vector<16xi32>
      %select_n3A_1504 = arith.select %lt3A_1502, %add3A_1503, %select_n3A_1492 : vector<16xi1>, vector<16xi32>
      %ge3A = arith.cmpi sge, %select_n3A_1504, %select_n3A_1392 : vector<16xi32>
      %add3A_1505 = arith.constant 1 : i32
      %add3A_1506 = vector.broadcast %add3A_1505 : i32 to vector<16xi32>
      %add3A_1507 = arith.addi %select_n3A_1499, %add3A_1506 : vector<16xi32>
      %select_n3A_1508 = arith.select %ge3A, %add3A_1507, %select_n3A_1499 : vector<16xi1>, vector<16xi32>
      %ge3A_1509 = arith.cmpi sge, %select_n3A_1504, %select_n3A_1392 : vector<16xi32>
      %sub3A_1510 = arith.subi %select_n3A_1504, %select_n3A_1392 : vector<16xi32>
      %select_n3A_1511 = arith.select %ge3A_1509, %sub3A_1510, %select_n3A_1504 : vector<16xi1>, vector<16xi32>
      %ge3A_1512 = arith.cmpi sge, %select_n3A_1511, %select_n3A_1392 : vector<16xi32>
      %add3A_1513 = arith.constant 1 : i32
      %add3A_1514 = vector.broadcast %add3A_1513 : i32 to vector<16xi32>
      %add3A_1515 = arith.addi %select_n3A_1508, %add3A_1514 : vector<16xi32>
      %select_n3A_1516 = arith.select %ge3A_1512, %add3A_1515, %select_n3A_1508 : vector<16xi1>, vector<16xi32>
      %ge3A_1517 = arith.cmpi sge, %select_n3A_1511, %select_n3A_1392 : vector<16xi32>
      %sub3A_1518 = arith.subi %select_n3A_1511, %select_n3A_1392 : vector<16xi32>
      %select_n3A_1519 = arith.select %ge3A_1517, %sub3A_1518, %select_n3A_1511 : vector<16xi1>, vector<16xi32>
      %shift_left3A_1520 = arith.constant 8 : i32
      %shift_left3A_1521 = vector.broadcast %shift_left3A_1520 : i32 to vector<16xi32>
      %shift_left3A_1522 = arith.shli %sub3A_1417, %shift_left3A_1521 : vector<16xi32>
      %broadcast_in_dim3A_1523 = arith.constant 24 : i32
      %broadcast_in_dim3A_1524 = vector.broadcast %broadcast_in_dim3A_1523 : i32 to vector<16xi32>
      %shift_right_logical3A_1525 = arith.shrui %sub3A_1417, %broadcast_in_dim3A_1524 : vector<16xi32>
      %or3A_1526 = arith.ori %shift_left3A_1522, %shift_right_logical3A_1525 : vector<16xi32>
      %shift_left3A_1527 = arith.constant 8 : i32
      %shift_left3A_1528 = vector.broadcast %shift_left3A_1527 : i32 to vector<16xi32>
      %shift_left3A_1529 = arith.shli %sub3A_1417, %shift_left3A_1528 : vector<16xi32>
      %or3A_1530 = arith.ori %shift_left3A_1529, %select_n3A_1516 : vector<16xi32>
      %shift_left3A_1531 = arith.constant 8 : i32
      %shift_left3A_1532 = vector.broadcast %shift_left3A_1531 : i32 to vector<16xi32>
      %shift_left3A_1533 = arith.shli %select_n3A_1519, %shift_left3A_1532 : vector<16xi32>
      %or3A_1534 = arith.ori %shift_left3A_1533, %and3A_1429 : vector<16xi32>
      %and3A_1535 = arith.constant 2147483647 : i32
      %and3A_1536 = vector.broadcast %and3A_1535 : i32 to vector<16xi32>
      %and3A_1537 = arith.andi %or3A_1534, %and3A_1536 : vector<16xi32>
      %convert_element_type3A_1538 = arith.sitofp %and3A_1537 : vector<16xi32> to vector<16xf32>
      %lt3A_1539 = arith.constant 0 : i32
      %lt3A_1540 = vector.broadcast %lt3A_1539 : i32 to vector<16xi32>
      %lt3A_1541 = arith.cmpi slt, %or3A_1534, %lt3A_1540 : vector<16xi32>
      %jit3A_1542 = arith.constant 2.14748365E+9 : f32
      %jit3A_1543 = arith.constant 0.000000e+00 : f32
      %broadcast_in_dim3A_1544 = vector.broadcast %jit3A_1542 : f32 to vector<16xf32>
      %broadcast_in_dim3A_1545 = vector.broadcast %jit3A_1543 : f32 to vector<16xf32>
      %select_n3A_1546 = arith.select %lt3A_1541, %broadcast_in_dim3A_1544, %broadcast_in_dim3A_1545 : vector<16xi1>, vector<16xf32>
      %add3A_1547 = arith.addf %convert_element_type3A_1538, %select_n3A_1546 : vector<16xf32>
      %mul3A_1548 = arith.mulf %add3A_1547, %div3A_1416 : vector<16xf32>
      %convert_element_type3A_1549 = arith.fptosi %mul3A_1548 : vector<16xf32> to vector<16xi32>
      %mul3A_1550 = arith.muli %convert_element_type3A_1549, %select_n3A_1392 : vector<16xi32>
      %sub3A_1551 = arith.subi %or3A_1534, %mul3A_1550 : vector<16xi32>
      %lt3A_1552 = arith.constant 0 : i32
      %lt3A_1553 = vector.broadcast %lt3A_1552 : i32 to vector<16xi32>
      %lt3A_1554 = arith.cmpi slt, %sub3A_1551, %lt3A_1553 : vector<16xi32>
      %sub3A_1555 = arith.constant 1 : i32
      %sub3A_1556 = vector.broadcast %sub3A_1555 : i32 to vector<16xi32>
      %sub3A_1557 = arith.subi %convert_element_type3A_1549, %sub3A_1556 : vector<16xi32>
      %select_n3A_1558 = arith.select %lt3A_1554, %sub3A_1557, %convert_element_type3A_1549 : vector<16xi1>, vector<16xi32>
      %lt3A_1559 = arith.constant 0 : i32
      %lt3A_1560 = vector.broadcast %lt3A_1559 : i32 to vector<16xi32>
      %lt3A_1561 = arith.cmpi slt, %sub3A_1551, %lt3A_1560 : vector<16xi32>
      %add3A_1562 = arith.addi %sub3A_1551, %select_n3A_1392 : vector<16xi32>
      %select_n3A_1563 = arith.select %lt3A_1561, %add3A_1562, %sub3A_1551 : vector<16xi1>, vector<16xi32>
      %lt3A_1564 = arith.constant 0 : i32
      %lt3A_1565 = vector.broadcast %lt3A_1564 : i32 to vector<16xi32>
      %lt3A_1566 = arith.cmpi slt, %select_n3A_1563, %lt3A_1565 : vector<16xi32>
      %sub3A_1567 = arith.constant 1 : i32
      %sub3A_1568 = vector.broadcast %sub3A_1567 : i32 to vector<16xi32>
      %sub3A_1569 = arith.subi %select_n3A_1558, %sub3A_1568 : vector<16xi32>
      %select_n3A_1570 = arith.select %lt3A_1566, %sub3A_1569, %select_n3A_1558 : vector<16xi1>, vector<16xi32>
      %lt3A_1571 = arith.constant 0 : i32
      %lt3A_1572 = vector.broadcast %lt3A_1571 : i32 to vector<16xi32>
      %lt3A_1573 = arith.cmpi slt, %select_n3A_1563, %lt3A_1572 : vector<16xi32>
      %add3A_1574 = arith.addi %select_n3A_1563, %select_n3A_1392 : vector<16xi32>
      %select_n3A_1575 = arith.select %lt3A_1573, %add3A_1574, %select_n3A_1563 : vector<16xi1>, vector<16xi32>
      %ge3A_1576 = arith.cmpi sge, %select_n3A_1575, %select_n3A_1392 : vector<16xi32>
      %add3A_1577 = arith.constant 1 : i32
      %add3A_1578 = vector.broadcast %add3A_1577 : i32 to vector<16xi32>
      %add3A_1579 = arith.addi %select_n3A_1570, %add3A_1578 : vector<16xi32>
      %select_n3A_1580 = arith.select %ge3A_1576, %add3A_1579, %select_n3A_1570 : vector<16xi1>, vector<16xi32>
      %ge3A_1581 = arith.cmpi sge, %select_n3A_1575, %select_n3A_1392 : vector<16xi32>
      %sub3A_1582 = arith.subi %select_n3A_1575, %select_n3A_1392 : vector<16xi32>
      %select_n3A_1583 = arith.select %ge3A_1581, %sub3A_1582, %select_n3A_1575 : vector<16xi1>, vector<16xi32>
      %ge3A_1584 = arith.cmpi sge, %select_n3A_1583, %select_n3A_1392 : vector<16xi32>
      %add3A_1585 = arith.constant 1 : i32
      %add3A_1586 = vector.broadcast %add3A_1585 : i32 to vector<16xi32>
      %add3A_1587 = arith.addi %select_n3A_1580, %add3A_1586 : vector<16xi32>
      %select_n3A_1588 = arith.select %ge3A_1584, %add3A_1587, %select_n3A_1580 : vector<16xi1>, vector<16xi32>
      %ge3A_1589 = arith.cmpi sge, %select_n3A_1583, %select_n3A_1392 : vector<16xi32>
      %sub3A_1590 = arith.subi %select_n3A_1583, %select_n3A_1392 : vector<16xi32>
      %select_n3A_1591 = arith.select %ge3A_1589, %sub3A_1590, %select_n3A_1583 : vector<16xi1>, vector<16xi32>
      %shift_left3A_1592 = arith.constant 8 : i32
      %shift_left3A_1593 = vector.broadcast %shift_left3A_1592 : i32 to vector<16xi32>
      %shift_left3A_1594 = arith.shli %or3A_1526, %shift_left3A_1593 : vector<16xi32>
      %broadcast_in_dim3A_1595 = arith.constant 24 : i32
      %broadcast_in_dim3A_1596 = vector.broadcast %broadcast_in_dim3A_1595 : i32 to vector<16xi32>
      %shift_right_logical3A_1597 = arith.shrui %or3A_1530, %broadcast_in_dim3A_1596 : vector<16xi32>
      %or3A_1598 = arith.ori %shift_left3A_1594, %shift_right_logical3A_1597 : vector<16xi32>
      %shift_left3A_1599 = arith.constant 8 : i32
      %shift_left3A_1600 = vector.broadcast %shift_left3A_1599 : i32 to vector<16xi32>
      %shift_left3A_1601 = arith.shli %or3A_1530, %shift_left3A_1600 : vector<16xi32>
      %or3A_1602 = arith.ori %shift_left3A_1601, %select_n3A_1588 : vector<16xi32>
      %shift_left3A_1603 = arith.constant 8 : i32
      %shift_left3A_1604 = vector.broadcast %shift_left3A_1603 : i32 to vector<16xi32>
      %shift_left3A_1605 = arith.shli %select_n3A_1591, %shift_left3A_1604 : vector<16xi32>
      %or3A_1606 = arith.ori %shift_left3A_1605, %and3A_1435 : vector<16xi32>
      %and3A_1607 = arith.constant 2147483647 : i32
      %and3A_1608 = vector.broadcast %and3A_1607 : i32 to vector<16xi32>
      %and3A_1609 = arith.andi %or3A_1606, %and3A_1608 : vector<16xi32>
      %convert_element_type3A_1610 = arith.sitofp %and3A_1609 : vector<16xi32> to vector<16xf32>
      %lt3A_1611 = arith.constant 0 : i32
      %lt3A_1612 = vector.broadcast %lt3A_1611 : i32 to vector<16xi32>
      %lt3A_1613 = arith.cmpi slt, %or3A_1606, %lt3A_1612 : vector<16xi32>
      %jit3A_1614 = arith.constant 2.14748365E+9 : f32
      %jit3A_1615 = arith.constant 0.000000e+00 : f32
      %broadcast_in_dim3A_1616 = vector.broadcast %jit3A_1614 : f32 to vector<16xf32>
      %broadcast_in_dim3A_1617 = vector.broadcast %jit3A_1615 : f32 to vector<16xf32>
      %select_n3A_1618 = arith.select %lt3A_1613, %broadcast_in_dim3A_1616, %broadcast_in_dim3A_1617 : vector<16xi1>, vector<16xf32>
      %add3A_1619 = arith.addf %convert_element_type3A_1610, %select_n3A_1618 : vector<16xf32>
      %mul3A_1620 = arith.mulf %add3A_1619, %div3A_1416 : vector<16xf32>
      %convert_element_type3A_1621 = arith.fptosi %mul3A_1620 : vector<16xf32> to vector<16xi32>
      %mul3A_1622 = arith.muli %convert_element_type3A_1621, %select_n3A_1392 : vector<16xi32>
      %sub3A_1623 = arith.subi %or3A_1606, %mul3A_1622 : vector<16xi32>
      %lt3A_1624 = arith.constant 0 : i32
      %lt3A_1625 = vector.broadcast %lt3A_1624 : i32 to vector<16xi32>
      %lt3A_1626 = arith.cmpi slt, %sub3A_1623, %lt3A_1625 : vector<16xi32>
      %sub3A_1627 = arith.constant 1 : i32
      %sub3A_1628 = vector.broadcast %sub3A_1627 : i32 to vector<16xi32>
      %sub3A_1629 = arith.subi %convert_element_type3A_1621, %sub3A_1628 : vector<16xi32>
      %select_n3A_1630 = arith.select %lt3A_1626, %sub3A_1629, %convert_element_type3A_1621 : vector<16xi1>, vector<16xi32>
      %lt3A_1631 = arith.constant 0 : i32
      %lt3A_1632 = vector.broadcast %lt3A_1631 : i32 to vector<16xi32>
      %lt3A_1633 = arith.cmpi slt, %sub3A_1623, %lt3A_1632 : vector<16xi32>
      %add3A_1634 = arith.addi %sub3A_1623, %select_n3A_1392 : vector<16xi32>
      %select_n3A_1635 = arith.select %lt3A_1633, %add3A_1634, %sub3A_1623 : vector<16xi1>, vector<16xi32>
      %lt3A_1636 = arith.constant 0 : i32
      %lt3A_1637 = vector.broadcast %lt3A_1636 : i32 to vector<16xi32>
      %lt3A_1638 = arith.cmpi slt, %select_n3A_1635, %lt3A_1637 : vector<16xi32>
      %sub3A_1639 = arith.constant 1 : i32
      %sub3A_1640 = vector.broadcast %sub3A_1639 : i32 to vector<16xi32>
      %sub3A_1641 = arith.subi %select_n3A_1630, %sub3A_1640 : vector<16xi32>
      %select_n3A_1642 = arith.select %lt3A_1638, %sub3A_1641, %select_n3A_1630 : vector<16xi1>, vector<16xi32>
      %lt3A_1643 = arith.constant 0 : i32
      %lt3A_1644 = vector.broadcast %lt3A_1643 : i32 to vector<16xi32>
      %lt3A_1645 = arith.cmpi slt, %select_n3A_1635, %lt3A_1644 : vector<16xi32>
      %add3A_1646 = arith.addi %select_n3A_1635, %select_n3A_1392 : vector<16xi32>
      %select_n3A_1647 = arith.select %lt3A_1645, %add3A_1646, %select_n3A_1635 : vector<16xi1>, vector<16xi32>
      %ge3A_1648 = arith.cmpi sge, %select_n3A_1647, %select_n3A_1392 : vector<16xi32>
      %add3A_1649 = arith.constant 1 : i32
      %add3A_1650 = vector.broadcast %add3A_1649 : i32 to vector<16xi32>
      %add3A_1651 = arith.addi %select_n3A_1642, %add3A_1650 : vector<16xi32>
      %select_n3A_1652 = arith.select %ge3A_1648, %add3A_1651, %select_n3A_1642 : vector<16xi1>, vector<16xi32>
      %ge3A_1653 = arith.cmpi sge, %select_n3A_1647, %select_n3A_1392 : vector<16xi32>
      %sub3A_1654 = arith.subi %select_n3A_1647, %select_n3A_1392 : vector<16xi32>
      %select_n3A_1655 = arith.select %ge3A_1653, %sub3A_1654, %select_n3A_1647 : vector<16xi1>, vector<16xi32>
      %ge3A_1656 = arith.cmpi sge, %select_n3A_1655, %select_n3A_1392 : vector<16xi32>
      %add3A_1657 = arith.constant 1 : i32
      %add3A_1658 = vector.broadcast %add3A_1657 : i32 to vector<16xi32>
      %add3A_1659 = arith.addi %select_n3A_1652, %add3A_1658 : vector<16xi32>
      %select_n3A_1660 = arith.select %ge3A_1656, %add3A_1659, %select_n3A_1652 : vector<16xi1>, vector<16xi32>
      %ge3A_1661 = arith.cmpi sge, %select_n3A_1655, %select_n3A_1392 : vector<16xi32>
      %sub3A_1662 = arith.subi %select_n3A_1655, %select_n3A_1392 : vector<16xi32>
      %select_n3A_1663 = arith.select %ge3A_1661, %sub3A_1662, %select_n3A_1655 : vector<16xi1>, vector<16xi32>
      %shift_left3A_1664 = arith.constant 8 : i32
      %shift_left3A_1665 = vector.broadcast %shift_left3A_1664 : i32 to vector<16xi32>
      %shift_left3A_1666 = arith.shli %or3A_1598, %shift_left3A_1665 : vector<16xi32>
      %broadcast_in_dim3A_1667 = arith.constant 24 : i32
      %broadcast_in_dim3A_1668 = vector.broadcast %broadcast_in_dim3A_1667 : i32 to vector<16xi32>
      %shift_right_logical3A_1669 = arith.shrui %or3A_1602, %broadcast_in_dim3A_1668 : vector<16xi32>
      %or3A_1670 = arith.ori %shift_left3A_1666, %shift_right_logical3A_1669 : vector<16xi32>
      %shift_left3A_1671 = arith.constant 8 : i32
      %shift_left3A_1672 = vector.broadcast %shift_left3A_1671 : i32 to vector<16xi32>
      %shift_left3A_1673 = arith.shli %or3A_1602, %shift_left3A_1672 : vector<16xi32>
      %or3A_1674 = arith.ori %shift_left3A_1673, %select_n3A_1660 : vector<16xi32>
      %shift_left3A_1675 = arith.constant 8 : i32
      %shift_left3A_1676 = vector.broadcast %shift_left3A_1675 : i32 to vector<16xi32>
      %shift_left3A_1677 = arith.shli %select_n3A_1663, %shift_left3A_1676 : vector<16xi32>
      %or3A_1678 = arith.ori %shift_left3A_1677, %and3A_1438 : vector<16xi32>
      %and3A_1679 = arith.constant 2147483647 : i32
      %and3A_1680 = vector.broadcast %and3A_1679 : i32 to vector<16xi32>
      %and3A_1681 = arith.andi %or3A_1678, %and3A_1680 : vector<16xi32>
      %convert_element_type3A_1682 = arith.sitofp %and3A_1681 : vector<16xi32> to vector<16xf32>
      %lt3A_1683 = arith.constant 0 : i32
      %lt3A_1684 = vector.broadcast %lt3A_1683 : i32 to vector<16xi32>
      %lt3A_1685 = arith.cmpi slt, %or3A_1678, %lt3A_1684 : vector<16xi32>
      %jit3A_1686 = arith.constant 2.14748365E+9 : f32
      %jit3A_1687 = arith.constant 0.000000e+00 : f32
      %broadcast_in_dim3A_1688 = vector.broadcast %jit3A_1686 : f32 to vector<16xf32>
      %broadcast_in_dim3A_1689 = vector.broadcast %jit3A_1687 : f32 to vector<16xf32>
      %select_n3A_1690 = arith.select %lt3A_1685, %broadcast_in_dim3A_1688, %broadcast_in_dim3A_1689 : vector<16xi1>, vector<16xf32>
      %add3A_1691 = arith.addf %convert_element_type3A_1682, %select_n3A_1690 : vector<16xf32>
      %mul3A_1692 = arith.mulf %add3A_1691, %div3A_1416 : vector<16xf32>
      %convert_element_type3A_1693 = arith.fptosi %mul3A_1692 : vector<16xf32> to vector<16xi32>
      %mul3A_1694 = arith.muli %convert_element_type3A_1693, %select_n3A_1392 : vector<16xi32>
      %sub3A_1695 = arith.subi %or3A_1678, %mul3A_1694 : vector<16xi32>
      %lt3A_1696 = arith.constant 0 : i32
      %lt3A_1697 = vector.broadcast %lt3A_1696 : i32 to vector<16xi32>
      %lt3A_1698 = arith.cmpi slt, %sub3A_1695, %lt3A_1697 : vector<16xi32>
      %sub3A_1699 = arith.constant 1 : i32
      %sub3A_1700 = vector.broadcast %sub3A_1699 : i32 to vector<16xi32>
      %sub3A_1701 = arith.subi %convert_element_type3A_1693, %sub3A_1700 : vector<16xi32>
      %select_n3A_1702 = arith.select %lt3A_1698, %sub3A_1701, %convert_element_type3A_1693 : vector<16xi1>, vector<16xi32>
      %lt3A_1703 = arith.constant 0 : i32
      %lt3A_1704 = vector.broadcast %lt3A_1703 : i32 to vector<16xi32>
      %lt3A_1705 = arith.cmpi slt, %sub3A_1695, %lt3A_1704 : vector<16xi32>
      %add3A_1706 = arith.addi %sub3A_1695, %select_n3A_1392 : vector<16xi32>
      %select_n3A_1707 = arith.select %lt3A_1705, %add3A_1706, %sub3A_1695 : vector<16xi1>, vector<16xi32>
      %lt3A_1708 = arith.constant 0 : i32
      %lt3A_1709 = vector.broadcast %lt3A_1708 : i32 to vector<16xi32>
      %lt3A_1710 = arith.cmpi slt, %select_n3A_1707, %lt3A_1709 : vector<16xi32>
      %sub3A_1711 = arith.constant 1 : i32
      %sub3A_1712 = vector.broadcast %sub3A_1711 : i32 to vector<16xi32>
      %sub3A_1713 = arith.subi %select_n3A_1702, %sub3A_1712 : vector<16xi32>
      %select_n3A_1714 = arith.select %lt3A_1710, %sub3A_1713, %select_n3A_1702 : vector<16xi1>, vector<16xi32>
      %lt3A_1715 = arith.constant 0 : i32
      %lt3A_1716 = vector.broadcast %lt3A_1715 : i32 to vector<16xi32>
      %lt3A_1717 = arith.cmpi slt, %select_n3A_1707, %lt3A_1716 : vector<16xi32>
      %add3A_1718 = arith.addi %select_n3A_1707, %select_n3A_1392 : vector<16xi32>
      %select_n3A_1719 = arith.select %lt3A_1717, %add3A_1718, %select_n3A_1707 : vector<16xi1>, vector<16xi32>
      %ge3A_1720 = arith.cmpi sge, %select_n3A_1719, %select_n3A_1392 : vector<16xi32>
      %add3A_1721 = arith.constant 1 : i32
      %add3A_1722 = vector.broadcast %add3A_1721 : i32 to vector<16xi32>
      %add3A_1723 = arith.addi %select_n3A_1714, %add3A_1722 : vector<16xi32>
      %select_n3A_1724 = arith.select %ge3A_1720, %add3A_1723, %select_n3A_1714 : vector<16xi1>, vector<16xi32>
      %ge3A_1725 = arith.cmpi sge, %select_n3A_1719, %select_n3A_1392 : vector<16xi32>
      %sub3A_1726 = arith.subi %select_n3A_1719, %select_n3A_1392 : vector<16xi32>
      %select_n3A_1727 = arith.select %ge3A_1725, %sub3A_1726, %select_n3A_1719 : vector<16xi1>, vector<16xi32>
      %ge3A_1728 = arith.cmpi sge, %select_n3A_1727, %select_n3A_1392 : vector<16xi32>
      %add3A_1729 = arith.constant 1 : i32
      %add3A_1730 = vector.broadcast %add3A_1729 : i32 to vector<16xi32>
      %add3A_1731 = arith.addi %select_n3A_1724, %add3A_1730 : vector<16xi32>
      %select_n3A_1732 = arith.select %ge3A_1728, %add3A_1731, %select_n3A_1724 : vector<16xi1>, vector<16xi32>
      %ge3A_1733 = arith.cmpi sge, %select_n3A_1727, %select_n3A_1392 : vector<16xi32>
      %sub3A_1734 = arith.subi %select_n3A_1727, %select_n3A_1392 : vector<16xi32>
      %select_n3A_1735 = arith.select %ge3A_1733, %sub3A_1734, %select_n3A_1727 : vector<16xi1>, vector<16xi32>
      %shift_left3A_1736 = arith.constant 8 : i32
      %shift_left3A_1737 = vector.broadcast %shift_left3A_1736 : i32 to vector<16xi32>
      %shift_left3A_1738 = arith.shli %or3A_1670, %shift_left3A_1737 : vector<16xi32>
      %broadcast_in_dim3A_1739 = arith.constant 24 : i32
      %broadcast_in_dim3A_1740 = vector.broadcast %broadcast_in_dim3A_1739 : i32 to vector<16xi32>
      %shift_right_logical3A_1741 = arith.shrui %or3A_1674, %broadcast_in_dim3A_1740 : vector<16xi32>
      %or3A_1742 = arith.ori %shift_left3A_1738, %shift_right_logical3A_1741 : vector<16xi32>
      %shift_left3A_1743 = arith.constant 8 : i32
      %shift_left3A_1744 = vector.broadcast %shift_left3A_1743 : i32 to vector<16xi32>
      %shift_left3A_1745 = arith.shli %or3A_1674, %shift_left3A_1744 : vector<16xi32>
      %or3A_1746 = arith.ori %shift_left3A_1745, %select_n3A_1732 : vector<16xi32>
      %shift_left3A_1747 = arith.constant 8 : i32
      %shift_left3A_1748 = vector.broadcast %shift_left3A_1747 : i32 to vector<16xi32>
      %shift_left3A_1749 = arith.shli %select_n3A_1735, %shift_left3A_1748 : vector<16xi32>
      %or3A_1750 = arith.ori %shift_left3A_1749, %and3A_1444 : vector<16xi32>
      %and3A_1751 = arith.constant 2147483647 : i32
      %and3A_1752 = vector.broadcast %and3A_1751 : i32 to vector<16xi32>
      %and3A_1753 = arith.andi %or3A_1750, %and3A_1752 : vector<16xi32>
      %convert_element_type3A_1754 = arith.sitofp %and3A_1753 : vector<16xi32> to vector<16xf32>
      %lt3A_1755 = arith.constant 0 : i32
      %lt3A_1756 = vector.broadcast %lt3A_1755 : i32 to vector<16xi32>
      %lt3A_1757 = arith.cmpi slt, %or3A_1750, %lt3A_1756 : vector<16xi32>
      %jit3A_1758 = arith.constant 2.14748365E+9 : f32
      %jit3A_1759 = arith.constant 0.000000e+00 : f32
      %broadcast_in_dim3A_1760 = vector.broadcast %jit3A_1758 : f32 to vector<16xf32>
      %broadcast_in_dim3A_1761 = vector.broadcast %jit3A_1759 : f32 to vector<16xf32>
      %select_n3A_1762 = arith.select %lt3A_1757, %broadcast_in_dim3A_1760, %broadcast_in_dim3A_1761 : vector<16xi1>, vector<16xf32>
      %add3A_1763 = arith.addf %convert_element_type3A_1754, %select_n3A_1762 : vector<16xf32>
      %mul3A_1764 = arith.mulf %add3A_1763, %div3A_1416 : vector<16xf32>
      %convert_element_type3A_1765 = arith.fptosi %mul3A_1764 : vector<16xf32> to vector<16xi32>
      %mul3A_1766 = arith.muli %convert_element_type3A_1765, %select_n3A_1392 : vector<16xi32>
      %sub3A_1767 = arith.subi %or3A_1750, %mul3A_1766 : vector<16xi32>
      %lt3A_1768 = arith.constant 0 : i32
      %lt3A_1769 = vector.broadcast %lt3A_1768 : i32 to vector<16xi32>
      %lt3A_1770 = arith.cmpi slt, %sub3A_1767, %lt3A_1769 : vector<16xi32>
      %sub3A_1771 = arith.constant 1 : i32
      %sub3A_1772 = vector.broadcast %sub3A_1771 : i32 to vector<16xi32>
      %sub3A_1773 = arith.subi %convert_element_type3A_1765, %sub3A_1772 : vector<16xi32>
      %select_n3A_1774 = arith.select %lt3A_1770, %sub3A_1773, %convert_element_type3A_1765 : vector<16xi1>, vector<16xi32>
      %lt3A_1775 = arith.constant 0 : i32
      %lt3A_1776 = vector.broadcast %lt3A_1775 : i32 to vector<16xi32>
      %lt3A_1777 = arith.cmpi slt, %sub3A_1767, %lt3A_1776 : vector<16xi32>
      %add3A_1778 = arith.addi %sub3A_1767, %select_n3A_1392 : vector<16xi32>
      %select_n3A_1779 = arith.select %lt3A_1777, %add3A_1778, %sub3A_1767 : vector<16xi1>, vector<16xi32>
      %lt3A_1780 = arith.constant 0 : i32
      %lt3A_1781 = vector.broadcast %lt3A_1780 : i32 to vector<16xi32>
      %lt3A_1782 = arith.cmpi slt, %select_n3A_1779, %lt3A_1781 : vector<16xi32>
      %sub3A_1783 = arith.constant 1 : i32
      %sub3A_1784 = vector.broadcast %sub3A_1783 : i32 to vector<16xi32>
      %sub3A_1785 = arith.subi %select_n3A_1774, %sub3A_1784 : vector<16xi32>
      %select_n3A_1786 = arith.select %lt3A_1782, %sub3A_1785, %select_n3A_1774 : vector<16xi1>, vector<16xi32>
      %lt3A_1787 = arith.constant 0 : i32
      %lt3A_1788 = vector.broadcast %lt3A_1787 : i32 to vector<16xi32>
      %lt3A_1789 = arith.cmpi slt, %select_n3A_1779, %lt3A_1788 : vector<16xi32>
      %add3A_1790 = arith.addi %select_n3A_1779, %select_n3A_1392 : vector<16xi32>
      %select_n3A_1791 = arith.select %lt3A_1789, %add3A_1790, %select_n3A_1779 : vector<16xi1>, vector<16xi32>
      %ge3A_1792 = arith.cmpi sge, %select_n3A_1791, %select_n3A_1392 : vector<16xi32>
      %add3A_1793 = arith.constant 1 : i32
      %add3A_1794 = vector.broadcast %add3A_1793 : i32 to vector<16xi32>
      %add3A_1795 = arith.addi %select_n3A_1786, %add3A_1794 : vector<16xi32>
      %select_n3A_1796 = arith.select %ge3A_1792, %add3A_1795, %select_n3A_1786 : vector<16xi1>, vector<16xi32>
      %ge3A_1797 = arith.cmpi sge, %select_n3A_1791, %select_n3A_1392 : vector<16xi32>
      %sub3A_1798 = arith.subi %select_n3A_1791, %select_n3A_1392 : vector<16xi32>
      %select_n3A_1799 = arith.select %ge3A_1797, %sub3A_1798, %select_n3A_1791 : vector<16xi1>, vector<16xi32>
      %ge3A_1800 = arith.cmpi sge, %select_n3A_1799, %select_n3A_1392 : vector<16xi32>
      %add3A_1801 = arith.constant 1 : i32
      %add3A_1802 = vector.broadcast %add3A_1801 : i32 to vector<16xi32>
      %add3A_1803 = arith.addi %select_n3A_1796, %add3A_1802 : vector<16xi32>
      %select_n3A_1804 = arith.select %ge3A_1800, %add3A_1803, %select_n3A_1796 : vector<16xi1>, vector<16xi32>
      %ge3A_1805 = arith.cmpi sge, %select_n3A_1799, %select_n3A_1392 : vector<16xi32>
      %sub3A_1806 = arith.subi %select_n3A_1799, %select_n3A_1392 : vector<16xi32>
      %select_n3A_1807 = arith.select %ge3A_1805, %sub3A_1806, %select_n3A_1799 : vector<16xi1>, vector<16xi32>
      %shift_left3A_1808 = arith.constant 8 : i32
      %shift_left3A_1809 = vector.broadcast %shift_left3A_1808 : i32 to vector<16xi32>
      %shift_left3A_1810 = arith.shli %or3A_1742, %shift_left3A_1809 : vector<16xi32>
      %broadcast_in_dim3A_1811 = arith.constant 24 : i32
      %broadcast_in_dim3A_1812 = vector.broadcast %broadcast_in_dim3A_1811 : i32 to vector<16xi32>
      %shift_right_logical3A_1813 = arith.shrui %or3A_1746, %broadcast_in_dim3A_1812 : vector<16xi32>
      %or3A_1814 = arith.ori %shift_left3A_1810, %shift_right_logical3A_1813 : vector<16xi32>
      %shift_left3A_1815 = arith.constant 8 : i32
      %shift_left3A_1816 = vector.broadcast %shift_left3A_1815 : i32 to vector<16xi32>
      %shift_left3A_1817 = arith.shli %or3A_1746, %shift_left3A_1816 : vector<16xi32>
      %or3A_1818 = arith.ori %shift_left3A_1817, %select_n3A_1804 : vector<16xi32>
      %shift_left3A_1819 = arith.constant 8 : i32
      %shift_left3A_1820 = vector.broadcast %shift_left3A_1819 : i32 to vector<16xi32>
      %shift_left3A_1821 = arith.shli %select_n3A_1807, %shift_left3A_1820 : vector<16xi32>
      %or3A_1822 = arith.ori %shift_left3A_1821, %and3A_1450 : vector<16xi32>
      %and3A_1823 = arith.constant 2147483647 : i32
      %and3A_1824 = vector.broadcast %and3A_1823 : i32 to vector<16xi32>
      %and3A_1825 = arith.andi %or3A_1822, %and3A_1824 : vector<16xi32>
      %convert_element_type3A_1826 = arith.sitofp %and3A_1825 : vector<16xi32> to vector<16xf32>
      %lt3A_1827 = arith.constant 0 : i32
      %lt3A_1828 = vector.broadcast %lt3A_1827 : i32 to vector<16xi32>
      %lt3A_1829 = arith.cmpi slt, %or3A_1822, %lt3A_1828 : vector<16xi32>
      %jit3A_1830 = arith.constant 2.14748365E+9 : f32
      %jit3A_1831 = arith.constant 0.000000e+00 : f32
      %broadcast_in_dim3A_1832 = vector.broadcast %jit3A_1830 : f32 to vector<16xf32>
      %broadcast_in_dim3A_1833 = vector.broadcast %jit3A_1831 : f32 to vector<16xf32>
      %select_n3A_1834 = arith.select %lt3A_1829, %broadcast_in_dim3A_1832, %broadcast_in_dim3A_1833 : vector<16xi1>, vector<16xf32>
      %add3A_1835 = arith.addf %convert_element_type3A_1826, %select_n3A_1834 : vector<16xf32>
      %mul3A_1836 = arith.mulf %add3A_1835, %div3A_1416 : vector<16xf32>
      %convert_element_type3A_1837 = arith.fptosi %mul3A_1836 : vector<16xf32> to vector<16xi32>
      %mul3A_1838 = arith.muli %convert_element_type3A_1837, %select_n3A_1392 : vector<16xi32>
      %sub3A_1839 = arith.subi %or3A_1822, %mul3A_1838 : vector<16xi32>
      %lt3A_1840 = arith.constant 0 : i32
      %lt3A_1841 = vector.broadcast %lt3A_1840 : i32 to vector<16xi32>
      %lt3A_1842 = arith.cmpi slt, %sub3A_1839, %lt3A_1841 : vector<16xi32>
      %sub3A_1843 = arith.constant 1 : i32
      %sub3A_1844 = vector.broadcast %sub3A_1843 : i32 to vector<16xi32>
      %sub3A_1845 = arith.subi %convert_element_type3A_1837, %sub3A_1844 : vector<16xi32>
      %select_n3A_1846 = arith.select %lt3A_1842, %sub3A_1845, %convert_element_type3A_1837 : vector<16xi1>, vector<16xi32>
      %lt3A_1847 = arith.constant 0 : i32
      %lt3A_1848 = vector.broadcast %lt3A_1847 : i32 to vector<16xi32>
      %lt3A_1849 = arith.cmpi slt, %sub3A_1839, %lt3A_1848 : vector<16xi32>
      %add3A_1850 = arith.addi %sub3A_1839, %select_n3A_1392 : vector<16xi32>
      %select_n3A_1851 = arith.select %lt3A_1849, %add3A_1850, %sub3A_1839 : vector<16xi1>, vector<16xi32>
      %lt3A_1852 = arith.constant 0 : i32
      %lt3A_1853 = vector.broadcast %lt3A_1852 : i32 to vector<16xi32>
      %lt3A_1854 = arith.cmpi slt, %select_n3A_1851, %lt3A_1853 : vector<16xi32>
      %sub3A_1855 = arith.constant 1 : i32
      %sub3A_1856 = vector.broadcast %sub3A_1855 : i32 to vector<16xi32>
      %sub3A_1857 = arith.subi %select_n3A_1846, %sub3A_1856 : vector<16xi32>
      %select_n3A_1858 = arith.select %lt3A_1854, %sub3A_1857, %select_n3A_1846 : vector<16xi1>, vector<16xi32>
      %lt3A_1859 = arith.constant 0 : i32
      %lt3A_1860 = vector.broadcast %lt3A_1859 : i32 to vector<16xi32>
      %lt3A_1861 = arith.cmpi slt, %select_n3A_1851, %lt3A_1860 : vector<16xi32>
      %add3A_1862 = arith.addi %select_n3A_1851, %select_n3A_1392 : vector<16xi32>
      %select_n3A_1863 = arith.select %lt3A_1861, %add3A_1862, %select_n3A_1851 : vector<16xi1>, vector<16xi32>
      %ge3A_1864 = arith.cmpi sge, %select_n3A_1863, %select_n3A_1392 : vector<16xi32>
      %add3A_1865 = arith.constant 1 : i32
      %add3A_1866 = vector.broadcast %add3A_1865 : i32 to vector<16xi32>
      %add3A_1867 = arith.addi %select_n3A_1858, %add3A_1866 : vector<16xi32>
      %select_n3A_1868 = arith.select %ge3A_1864, %add3A_1867, %select_n3A_1858 : vector<16xi1>, vector<16xi32>
      %ge3A_1869 = arith.cmpi sge, %select_n3A_1863, %select_n3A_1392 : vector<16xi32>
      %sub3A_1870 = arith.subi %select_n3A_1863, %select_n3A_1392 : vector<16xi32>
      %select_n3A_1871 = arith.select %ge3A_1869, %sub3A_1870, %select_n3A_1863 : vector<16xi1>, vector<16xi32>
      %ge3A_1872 = arith.cmpi sge, %select_n3A_1871, %select_n3A_1392 : vector<16xi32>
      %add3A_1873 = arith.constant 1 : i32
      %add3A_1874 = vector.broadcast %add3A_1873 : i32 to vector<16xi32>
      %add3A_1875 = arith.addi %select_n3A_1868, %add3A_1874 : vector<16xi32>
      %select_n3A_1876 = arith.select %ge3A_1872, %add3A_1875, %select_n3A_1868 : vector<16xi1>, vector<16xi32>
      %ge3A_1877 = arith.cmpi sge, %select_n3A_1871, %select_n3A_1392 : vector<16xi32>
      %sub3A_1878 = arith.subi %select_n3A_1871, %select_n3A_1392 : vector<16xi32>
      %select_n3A_1879 = arith.select %ge3A_1877, %sub3A_1878, %select_n3A_1871 : vector<16xi1>, vector<16xi32>
      %shift_left3A_1880 = arith.constant 8 : i32
      %shift_left3A_1881 = vector.broadcast %shift_left3A_1880 : i32 to vector<16xi32>
      %shift_left3A_1882 = arith.shli %or3A_1814, %shift_left3A_1881 : vector<16xi32>
      %broadcast_in_dim3A_1883 = arith.constant 24 : i32
      %broadcast_in_dim3A_1884 = vector.broadcast %broadcast_in_dim3A_1883 : i32 to vector<16xi32>
      %shift_right_logical3A_1885 = arith.shrui %or3A_1818, %broadcast_in_dim3A_1884 : vector<16xi32>
      %or3A_1886 = arith.ori %shift_left3A_1882, %shift_right_logical3A_1885 : vector<16xi32>
      %shift_left3A_1887 = arith.constant 8 : i32
      %shift_left3A_1888 = vector.broadcast %shift_left3A_1887 : i32 to vector<16xi32>
      %shift_left3A_1889 = arith.shli %or3A_1818, %shift_left3A_1888 : vector<16xi32>
      %or3A_1890 = arith.ori %shift_left3A_1889, %select_n3A_1876 : vector<16xi32>
      %shift_left3A_1891 = arith.constant 8 : i32
      %shift_left3A_1892 = vector.broadcast %shift_left3A_1891 : i32 to vector<16xi32>
      %shift_left3A_1893 = arith.shli %select_n3A_1879, %shift_left3A_1892 : vector<16xi32>
      %or3A_1894 = arith.ori %shift_left3A_1893, %and3A_1456 : vector<16xi32>
      %and3A_1895 = arith.constant 2147483647 : i32
      %and3A_1896 = vector.broadcast %and3A_1895 : i32 to vector<16xi32>
      %and3A_1897 = arith.andi %or3A_1894, %and3A_1896 : vector<16xi32>
      %convert_element_type3A_1898 = arith.sitofp %and3A_1897 : vector<16xi32> to vector<16xf32>
      %lt3A_1899 = arith.constant 0 : i32
      %lt3A_1900 = vector.broadcast %lt3A_1899 : i32 to vector<16xi32>
      %lt3A_1901 = arith.cmpi slt, %or3A_1894, %lt3A_1900 : vector<16xi32>
      %jit3A_1902 = arith.constant 2.14748365E+9 : f32
      %jit3A_1903 = arith.constant 0.000000e+00 : f32
      %broadcast_in_dim3A_1904 = vector.broadcast %jit3A_1902 : f32 to vector<16xf32>
      %broadcast_in_dim3A_1905 = vector.broadcast %jit3A_1903 : f32 to vector<16xf32>
      %select_n3A_1906 = arith.select %lt3A_1901, %broadcast_in_dim3A_1904, %broadcast_in_dim3A_1905 : vector<16xi1>, vector<16xf32>
      %add3A_1907 = arith.addf %convert_element_type3A_1898, %select_n3A_1906 : vector<16xf32>
      %mul3A_1908 = arith.mulf %add3A_1907, %div3A_1416 : vector<16xf32>
      %convert_element_type3A_1909 = arith.fptosi %mul3A_1908 : vector<16xf32> to vector<16xi32>
      %mul3A_1910 = arith.muli %convert_element_type3A_1909, %select_n3A_1392 : vector<16xi32>
      %sub3A_1911 = arith.subi %or3A_1894, %mul3A_1910 : vector<16xi32>
      %lt3A_1912 = arith.constant 0 : i32
      %lt3A_1913 = vector.broadcast %lt3A_1912 : i32 to vector<16xi32>
      %lt3A_1914 = arith.cmpi slt, %sub3A_1911, %lt3A_1913 : vector<16xi32>
      %sub3A_1915 = arith.constant 1 : i32
      %sub3A_1916 = vector.broadcast %sub3A_1915 : i32 to vector<16xi32>
      %sub3A_1917 = arith.subi %convert_element_type3A_1909, %sub3A_1916 : vector<16xi32>
      %select_n3A_1918 = arith.select %lt3A_1914, %sub3A_1917, %convert_element_type3A_1909 : vector<16xi1>, vector<16xi32>
      %lt3A_1919 = arith.constant 0 : i32
      %lt3A_1920 = vector.broadcast %lt3A_1919 : i32 to vector<16xi32>
      %lt3A_1921 = arith.cmpi slt, %sub3A_1911, %lt3A_1920 : vector<16xi32>
      %add3A_1922 = arith.addi %sub3A_1911, %select_n3A_1392 : vector<16xi32>
      %select_n3A_1923 = arith.select %lt3A_1921, %add3A_1922, %sub3A_1911 : vector<16xi1>, vector<16xi32>
      %lt3A_1924 = arith.constant 0 : i32
      %lt3A_1925 = vector.broadcast %lt3A_1924 : i32 to vector<16xi32>
      %lt3A_1926 = arith.cmpi slt, %select_n3A_1923, %lt3A_1925 : vector<16xi32>
      %sub3A_1927 = arith.constant 1 : i32
      %sub3A_1928 = vector.broadcast %sub3A_1927 : i32 to vector<16xi32>
      %sub3A_1929 = arith.subi %select_n3A_1918, %sub3A_1928 : vector<16xi32>
      %select_n3A_1930 = arith.select %lt3A_1926, %sub3A_1929, %select_n3A_1918 : vector<16xi1>, vector<16xi32>
      %lt3A_1931 = arith.constant 0 : i32
      %lt3A_1932 = vector.broadcast %lt3A_1931 : i32 to vector<16xi32>
      %lt3A_1933 = arith.cmpi slt, %select_n3A_1923, %lt3A_1932 : vector<16xi32>
      %add3A_1934 = arith.addi %select_n3A_1923, %select_n3A_1392 : vector<16xi32>
      %select_n3A_1935 = arith.select %lt3A_1933, %add3A_1934, %select_n3A_1923 : vector<16xi1>, vector<16xi32>
      %ge3A_1936 = arith.cmpi sge, %select_n3A_1935, %select_n3A_1392 : vector<16xi32>
      %add3A_1937 = arith.constant 1 : i32
      %add3A_1938 = vector.broadcast %add3A_1937 : i32 to vector<16xi32>
      %add3A_1939 = arith.addi %select_n3A_1930, %add3A_1938 : vector<16xi32>
      %select_n3A_1940 = arith.select %ge3A_1936, %add3A_1939, %select_n3A_1930 : vector<16xi1>, vector<16xi32>
      %ge3A_1941 = arith.cmpi sge, %select_n3A_1935, %select_n3A_1392 : vector<16xi32>
      %sub3A_1942 = arith.subi %select_n3A_1935, %select_n3A_1392 : vector<16xi32>
      %select_n3A_1943 = arith.select %ge3A_1941, %sub3A_1942, %select_n3A_1935 : vector<16xi1>, vector<16xi32>
      %ge3A_1944 = arith.cmpi sge, %select_n3A_1943, %select_n3A_1392 : vector<16xi32>
      %add3A_1945 = arith.constant 1 : i32
      %add3A_1946 = vector.broadcast %add3A_1945 : i32 to vector<16xi32>
      %add3A_1947 = arith.addi %select_n3A_1940, %add3A_1946 : vector<16xi32>
      %select_n3A_1948 = arith.select %ge3A_1944, %add3A_1947, %select_n3A_1940 : vector<16xi1>, vector<16xi32>
      %ge3A_1949 = arith.cmpi sge, %select_n3A_1943, %select_n3A_1392 : vector<16xi32>
      %sub3A_1950 = arith.subi %select_n3A_1943, %select_n3A_1392 : vector<16xi32>
      %select_n3A_1951 = arith.select %ge3A_1949, %sub3A_1950, %select_n3A_1943 : vector<16xi1>, vector<16xi32>
      %shift_left3A_1952 = arith.constant 8 : i32
      %shift_left3A_1953 = vector.broadcast %shift_left3A_1952 : i32 to vector<16xi32>
      %shift_left3A_1954 = arith.shli %or3A_1886, %shift_left3A_1953 : vector<16xi32>
      %broadcast_in_dim3A_1955 = arith.constant 24 : i32
      %broadcast_in_dim3A_1956 = vector.broadcast %broadcast_in_dim3A_1955 : i32 to vector<16xi32>
      %shift_right_logical3A_1957 = arith.shrui %or3A_1890, %broadcast_in_dim3A_1956 : vector<16xi32>
      %or3A_1958 = arith.ori %shift_left3A_1954, %shift_right_logical3A_1957 : vector<16xi32>
      %shift_left3A_1959 = arith.constant 8 : i32
      %shift_left3A_1960 = vector.broadcast %shift_left3A_1959 : i32 to vector<16xi32>
      %shift_left3A_1961 = arith.shli %or3A_1890, %shift_left3A_1960 : vector<16xi32>
      %or3A_1962 = arith.ori %shift_left3A_1961, %select_n3A_1948 : vector<16xi32>
      %shift_left3A_1963 = arith.constant 8 : i32
      %shift_left3A_1964 = vector.broadcast %shift_left3A_1963 : i32 to vector<16xi32>
      %shift_left3A_1965 = arith.shli %select_n3A_1951, %shift_left3A_1964 : vector<16xi32>
      %or3A_1966 = arith.ori %shift_left3A_1965, %and3A_1459 : vector<16xi32>
      %and3A_1967 = arith.constant 2147483647 : i32
      %and3A_1968 = vector.broadcast %and3A_1967 : i32 to vector<16xi32>
      %and3A_1969 = arith.andi %or3A_1966, %and3A_1968 : vector<16xi32>
      %convert_element_type3A_1970 = arith.sitofp %and3A_1969 : vector<16xi32> to vector<16xf32>
      %lt3A_1971 = arith.constant 0 : i32
      %lt3A_1972 = vector.broadcast %lt3A_1971 : i32 to vector<16xi32>
      %lt3A_1973 = arith.cmpi slt, %or3A_1966, %lt3A_1972 : vector<16xi32>
      %jit3A_1974 = arith.constant 2.14748365E+9 : f32
      %jit3A_1975 = arith.constant 0.000000e+00 : f32
      %broadcast_in_dim3A_1976 = vector.broadcast %jit3A_1974 : f32 to vector<16xf32>
      %broadcast_in_dim3A_1977 = vector.broadcast %jit3A_1975 : f32 to vector<16xf32>
      %select_n3A_1978 = arith.select %lt3A_1973, %broadcast_in_dim3A_1976, %broadcast_in_dim3A_1977 : vector<16xi1>, vector<16xf32>
      %add3A_1979 = arith.addf %convert_element_type3A_1970, %select_n3A_1978 : vector<16xf32>
      %mul3A_1980 = arith.mulf %add3A_1979, %div3A_1416 : vector<16xf32>
      %convert_element_type3A_1981 = arith.fptosi %mul3A_1980 : vector<16xf32> to vector<16xi32>
      %mul3A_1982 = arith.muli %convert_element_type3A_1981, %select_n3A_1392 : vector<16xi32>
      %sub3A_1983 = arith.subi %or3A_1966, %mul3A_1982 : vector<16xi32>
      %lt3A_1984 = arith.constant 0 : i32
      %lt3A_1985 = vector.broadcast %lt3A_1984 : i32 to vector<16xi32>
      %lt3A_1986 = arith.cmpi slt, %sub3A_1983, %lt3A_1985 : vector<16xi32>
      %sub3A_1987 = arith.constant 1 : i32
      %sub3A_1988 = vector.broadcast %sub3A_1987 : i32 to vector<16xi32>
      %sub3A_1989 = arith.subi %convert_element_type3A_1981, %sub3A_1988 : vector<16xi32>
      %select_n3A_1990 = arith.select %lt3A_1986, %sub3A_1989, %convert_element_type3A_1981 : vector<16xi1>, vector<16xi32>
      %lt3A_1991 = arith.constant 0 : i32
      %lt3A_1992 = vector.broadcast %lt3A_1991 : i32 to vector<16xi32>
      %lt3A_1993 = arith.cmpi slt, %sub3A_1983, %lt3A_1992 : vector<16xi32>
      %add3A_1994 = arith.addi %sub3A_1983, %select_n3A_1392 : vector<16xi32>
      %select_n3A_1995 = arith.select %lt3A_1993, %add3A_1994, %sub3A_1983 : vector<16xi1>, vector<16xi32>
      %lt3A_1996 = arith.constant 0 : i32
      %lt3A_1997 = vector.broadcast %lt3A_1996 : i32 to vector<16xi32>
      %lt3A_1998 = arith.cmpi slt, %select_n3A_1995, %lt3A_1997 : vector<16xi32>
      %sub3A_1999 = arith.constant 1 : i32
      %sub3A_2000 = vector.broadcast %sub3A_1999 : i32 to vector<16xi32>
      %sub3A_2001 = arith.subi %select_n3A_1990, %sub3A_2000 : vector<16xi32>
      %select_n3A_2002 = arith.select %lt3A_1998, %sub3A_2001, %select_n3A_1990 : vector<16xi1>, vector<16xi32>
      %lt3A_2003 = arith.constant 0 : i32
      %lt3A_2004 = vector.broadcast %lt3A_2003 : i32 to vector<16xi32>
      %lt3A_2005 = arith.cmpi slt, %select_n3A_1995, %lt3A_2004 : vector<16xi32>
      %add3A_2006 = arith.addi %select_n3A_1995, %select_n3A_1392 : vector<16xi32>
      %select_n3A_2007 = arith.select %lt3A_2005, %add3A_2006, %select_n3A_1995 : vector<16xi1>, vector<16xi32>
      %ge3A_2008 = arith.cmpi sge, %select_n3A_2007, %select_n3A_1392 : vector<16xi32>
      %add3A_2009 = arith.constant 1 : i32
      %add3A_2010 = vector.broadcast %add3A_2009 : i32 to vector<16xi32>
      %add3A_2011 = arith.addi %select_n3A_2002, %add3A_2010 : vector<16xi32>
      %select_n3A_2012 = arith.select %ge3A_2008, %add3A_2011, %select_n3A_2002 : vector<16xi1>, vector<16xi32>
      %ge3A_2013 = arith.cmpi sge, %select_n3A_2007, %select_n3A_1392 : vector<16xi32>
      %sub3A_2014 = arith.subi %select_n3A_2007, %select_n3A_1392 : vector<16xi32>
      %select_n3A_2015 = arith.select %ge3A_2013, %sub3A_2014, %select_n3A_2007 : vector<16xi1>, vector<16xi32>
      %ge3A_2016 = arith.cmpi sge, %select_n3A_2015, %select_n3A_1392 : vector<16xi32>
      %add3A_2017 = arith.constant 1 : i32
      %add3A_2018 = vector.broadcast %add3A_2017 : i32 to vector<16xi32>
      %add3A_2019 = arith.addi %select_n3A_2012, %add3A_2018 : vector<16xi32>
      %select_n3A_2020 = arith.select %ge3A_2016, %add3A_2019, %select_n3A_2012 : vector<16xi1>, vector<16xi32>
      %ge3A_2021 = arith.cmpi sge, %select_n3A_2015, %select_n3A_1392 : vector<16xi32>
      %sub3A_2022 = arith.subi %select_n3A_2015, %select_n3A_1392 : vector<16xi32>
      %select_n3A_2023 = arith.select %ge3A_2021, %sub3A_2022, %select_n3A_2015 : vector<16xi1>, vector<16xi32>
      %shift_left3A_2024 = arith.constant 8 : i32
      %shift_left3A_2025 = vector.broadcast %shift_left3A_2024 : i32 to vector<16xi32>
      %shift_left3A_2026 = arith.shli %or3A_1958, %shift_left3A_2025 : vector<16xi32>
      %broadcast_in_dim3A_2027 = arith.constant 24 : i32
      %broadcast_in_dim3A_2028 = vector.broadcast %broadcast_in_dim3A_2027 : i32 to vector<16xi32>
      %shift_right_logical3A_2029 = arith.shrui %or3A_1962, %broadcast_in_dim3A_2028 : vector<16xi32>
      %or3A_2030 = arith.ori %shift_left3A_2026, %shift_right_logical3A_2029 : vector<16xi32>
      %shift_left3A_2031 = arith.constant 8 : i32
      %shift_left3A_2032 = vector.broadcast %shift_left3A_2031 : i32 to vector<16xi32>
      %shift_left3A_2033 = arith.shli %or3A_1962, %shift_left3A_2032 : vector<16xi32>
      %or3A_2034 = arith.ori %shift_left3A_2033, %select_n3A_2020 : vector<16xi32>
      %ne3A = arith.constant 0 : i32
      %ne3A_2035 = vector.broadcast %ne3A : i32 to vector<16xi32>
      %ne3A_2036 = arith.cmpi ne, %select_n3A_2023, %ne3A_2035 : vector<16xi32>
      %jit3A_2037 = arith.constant 1 : i32
      %jit3A_2038 = arith.constant 0 : i32
      %broadcast_in_dim3A_2039 = vector.broadcast %jit3A_2037 : i32 to vector<16xi32>
      %broadcast_in_dim3A_2040 = vector.broadcast %jit3A_2038 : i32 to vector<16xi32>
      %select_n3A_2041 = arith.select %ne3A_2036, %broadcast_in_dim3A_2039, %broadcast_in_dim3A_2040 : vector<16xi1>, vector<16xi32>
      %add3A_2042 = arith.addi %or3A_2034, %select_n3A_2041 : vector<16xi32>
      %eq3A_2043 = arith.constant 0 : i32
      %eq3A_2044 = vector.broadcast %eq3A_2043 : i32 to vector<16xi32>
      %eq3A_2045 = arith.cmpi eq, %add3A_2042, %eq3A_2044 : vector<16xi32>
      %eq3A_2046 = arith.constant 1 : i32
      %eq3A_2047 = vector.broadcast %eq3A_2046 : i32 to vector<16xi32>
      %eq3A_2048 = arith.cmpi eq, %select_n3A_2041, %eq3A_2047 : vector<16xi32>
      %and3A_2049 = arith.andi %eq3A_2045, %eq3A_2048 : vector<16xi1>
      %jit3A_2050 = arith.constant 1 : i32
      %jit3A_2051 = arith.constant 0 : i32
      %broadcast_in_dim3A_2052 = vector.broadcast %jit3A_2050 : i32 to vector<16xi32>
      %broadcast_in_dim3A_2053 = vector.broadcast %jit3A_2051 : i32 to vector<16xi32>
      %select_n3A_2054 = arith.select %and3A_2049, %broadcast_in_dim3A_2052, %broadcast_in_dim3A_2053 : vector<16xi1>, vector<16xi32>
      %add3A_2055 = arith.addi %or3A_2030, %select_n3A_2054 : vector<16xi32>
      %neg3A_2056 = arith.constant 0 : i32
      %neg3A_2057 = vector.broadcast %neg3A_2056 : i32 to vector<16xi32>
      %neg3A_2058 = arith.subi %neg3A_2057, %add3A_2042 : vector<16xi32>
      %not3A_2059 = arith.constant dense<-1> : vector<16xi32>
      %not3A_2060 = arith.xori %add3A_2055, %not3A_2059 : vector<16xi32>
      %eq3A_2061 = arith.constant 0 : i32
      %eq3A_2062 = vector.broadcast %eq3A_2061 : i32 to vector<16xi32>
      %eq3A_2063 = arith.cmpi eq, %add3A_2042, %eq3A_2062 : vector<16xi32>
      %jit3A_2064 = arith.constant 1 : i32
      %jit3A_2065 = arith.constant 0 : i32
      %broadcast_in_dim3A_2066 = vector.broadcast %jit3A_2064 : i32 to vector<16xi32>
      %broadcast_in_dim3A_2067 = vector.broadcast %jit3A_2065 : i32 to vector<16xi32>
      %select_n3A_2068 = arith.select %eq3A_2063, %broadcast_in_dim3A_2066, %broadcast_in_dim3A_2067 : vector<16xi1>, vector<16xi32>
      %add3A_2069 = arith.addi %not3A_2060, %select_n3A_2068 : vector<16xi32>
      %select_n3A_2070 = arith.select %lt3A_1397, %neg3A_2058, %or3A_2034 : vector<16xi1>, vector<16xi32>
      %select_n3A_2071 = arith.select %lt3A_1397, %add3A_2069, %or3A_2030 : vector<16xi1>, vector<16xi32>
      %eq3A_2072 = arith.constant 1 : i32
      %eq3A_2073 = vector.broadcast %eq3A_2072 : i32 to vector<16xi32>
      %eq3A_2074 = arith.cmpi eq, %select_n3A_2041, %eq3A_2073 : vector<16xi32>
      %sub3A_2075 = arith.subi %select_n3A_1392, %select_n3A_2023 : vector<16xi32>
      %select_n3A_2076 = arith.select %eq3A_2074, %sub3A_2075, %select_n3A_2023 : vector<16xi1>, vector<16xi32>
      %select_n3A_2077 = arith.select %lt3A_1397, %select_n3A_2076, %select_n3A_2023 : vector<16xi1>, vector<16xi32>
      %lt3A_2078 = arith.constant 0 : i32
      %lt3A_2079 = vector.broadcast %lt3A_2078 : i32 to vector<16xi32>
      %lt3A_2080 = arith.cmpi slt, %select_n3A_2071, %lt3A_2079 : vector<16xi32>
      %neg3A_2081 = arith.constant 0 : i32
      %neg3A_2082 = vector.broadcast %neg3A_2081 : i32 to vector<16xi32>
      %neg3A_2083 = arith.subi %neg3A_2082, %select_n3A_2070 : vector<16xi32>
      %select_n3A_2084 = arith.select %lt3A_2080, %neg3A_2083, %select_n3A_2070 : vector<16xi1>, vector<16xi32>
      %not3A_2085 = arith.constant dense<-1> : vector<16xi32>
      %not3A_2086 = arith.xori %select_n3A_2071, %not3A_2085 : vector<16xi32>
      %eq3A_2087 = arith.constant 0 : i32
      %eq3A_2088 = vector.broadcast %eq3A_2087 : i32 to vector<16xi32>
      %eq3A_2089 = arith.cmpi eq, %select_n3A_2070, %eq3A_2088 : vector<16xi32>
      %jit3A_2090 = arith.constant 1 : i32
      %jit3A_2091 = arith.constant 0 : i32
      %broadcast_in_dim3A_2092 = vector.broadcast %jit3A_2090 : i32 to vector<16xi32>
      %broadcast_in_dim3A_2093 = vector.broadcast %jit3A_2091 : i32 to vector<16xi32>
      %select_n3A_2094 = arith.select %eq3A_2089, %broadcast_in_dim3A_2092, %broadcast_in_dim3A_2093 : vector<16xi1>, vector<16xi32>
      %add3A_2095 = arith.addi %not3A_2086, %select_n3A_2094 : vector<16xi32>
      %select_n3A_2096 = arith.select %lt3A_2080, %add3A_2095, %select_n3A_2071 : vector<16xi1>, vector<16xi32>
      %and3A_2097 = arith.constant 2147483647 : i32
      %and3A_2098 = vector.broadcast %and3A_2097 : i32 to vector<16xi32>
      %and3A_2099 = arith.andi %select_n3A_2096, %and3A_2098 : vector<16xi32>
      %convert_element_type3A_2100 = arith.sitofp %and3A_2099 : vector<16xi32> to vector<16xf32>
      %lt3A_2101 = arith.constant 0 : i32
      %lt3A_2102 = vector.broadcast %lt3A_2101 : i32 to vector<16xi32>
      %lt3A_2103 = arith.cmpi slt, %select_n3A_2096, %lt3A_2102 : vector<16xi32>
      %jit3A_2104 = arith.constant 2.14748365E+9 : f32
      %jit3A_2105 = arith.constant 0.000000e+00 : f32
      %broadcast_in_dim3A_2106 = vector.broadcast %jit3A_2104 : f32 to vector<16xf32>
      %broadcast_in_dim3A_2107 = vector.broadcast %jit3A_2105 : f32 to vector<16xf32>
      %select_n3A_2108 = arith.select %lt3A_2103, %broadcast_in_dim3A_2106, %broadcast_in_dim3A_2107 : vector<16xi1>, vector<16xf32>
      %add3A_2109 = arith.addf %convert_element_type3A_2100, %select_n3A_2108 : vector<16xf32>
      %mul3A_2110 = arith.constant 4.2949673E+9 : f32
      %mul3A_2111 = vector.broadcast %mul3A_2110 : f32 to vector<16xf32>
      %mul3A_2112 = arith.mulf %add3A_2109, %mul3A_2111 : vector<16xf32>
      %and3A_2113 = arith.constant 2147483647 : i32
      %and3A_2114 = vector.broadcast %and3A_2113 : i32 to vector<16xi32>
      %and3A_2115 = arith.andi %select_n3A_2084, %and3A_2114 : vector<16xi32>
      %convert_element_type3A_2116 = arith.sitofp %and3A_2115 : vector<16xi32> to vector<16xf32>
      %lt3A_2117 = arith.constant 0 : i32
      %lt3A_2118 = vector.broadcast %lt3A_2117 : i32 to vector<16xi32>
      %lt3A_2119 = arith.cmpi slt, %select_n3A_2084, %lt3A_2118 : vector<16xi32>
      %jit3A_2120 = arith.constant 2.14748365E+9 : f32
      %jit3A_2121 = arith.constant 0.000000e+00 : f32
      %broadcast_in_dim3A_2122 = vector.broadcast %jit3A_2120 : f32 to vector<16xf32>
      %broadcast_in_dim3A_2123 = vector.broadcast %jit3A_2121 : f32 to vector<16xf32>
      %select_n3A_2124 = arith.select %lt3A_2119, %broadcast_in_dim3A_2122, %broadcast_in_dim3A_2123 : vector<16xi1>, vector<16xf32>
      %add3A_2125 = arith.addf %convert_element_type3A_2116, %select_n3A_2124 : vector<16xf32>
      %add3A_2126 = arith.addf %mul3A_2112, %add3A_2125 : vector<16xf32>
      %neg3A_2127 = arith.constant 0.000000e+00 : f32
      %neg3A_2128 = vector.broadcast %neg3A_2127 : f32 to vector<16xf32>
      %neg3A_2129 = arith.subf %neg3A_2128, %add3A_2126 : vector<16xf32>
      %select_n3A_2130 = arith.select %lt3A_2080, %neg3A_2129, %add3A_2126 : vector<16xi1>, vector<16xf32>
      %convert_element_type3A_2131 = arith.sitofp %select_n3A_2077 : vector<16xi32> to vector<16xf32>
      %sub3A_2132 = arith.constant 1.000000e+00 : f32
      %sub3A_2133 = arith.subf %sub3A_2132, %select_n3A_1268 : f32
      %sub3A_2134 = arith.subf %sub3A_2133, %select_n3A_1273 : f32
      %sub3A_2135 = arith.subf %sub3A_2134, %select_n3A_1278 : f32
      %mul3A_2136 = arith.mulf %select_n3A_1263, %sub3A_2135 : f32
      %mul3A_2137 = arith.mulf %select_n3A_1385, %select_n3A_1268 : f32
      %add3A_2138 = arith.addf %mul3A_2136, %mul3A_2137 : f32
      %mul3A_2139 = vector.broadcast %select_n3A_1273 : f32 to vector<16xf32>
      %mul3A_2140 = arith.mulf %select_n3A_2130, %mul3A_2139 : vector<16xf32>
      %add3A_2141 = vector.broadcast %add3A_2138 : f32 to vector<16xf32>
      %add3A_2142 = arith.addf %add3A_2141, %mul3A_2140 : vector<16xf32>
      %mul3A_2143 = vector.broadcast %select_n3A_1278 : f32 to vector<16xf32>
      %mul3A_2144 = arith.mulf %convert_element_type3A_2131, %mul3A_2143 : vector<16xf32>
      %add3A_2145 = arith.addf %add3A_2142, %mul3A_2144 : vector<16xf32>
      %abs3A_2146 = math.absf %add3A_2145 : vector<16xf32>
      %lt3A_2147 = arith.constant 0x4B000000 : f32
      %lt3A_2148 = vector.broadcast %lt3A_2147 : f32 to vector<16xf32>
      %lt3A_2149 = arith.cmpf olt, %abs3A_2146, %lt3A_2148 : vector<16xf32>
      %convert_element_type3A_2150 = arith.fptosi %add3A_2145 : vector<16xf32> to vector<16xi32>
      %convert_element_type3A_2151 = arith.sitofp %convert_element_type3A_2150 : vector<16xi32> to vector<16xf32>
      %select_n3A_2152 = arith.select %lt3A_2149, %convert_element_type3A_2151, %add3A_2145 : vector<16xi1>, vector<16xf32>
      %eq3A_2153 = arith.constant 24 : i32
      %eq3A_2154 = arith.cmpi eq, %and3A_157, %eq3A_2153 : i32
      %jit3A_2155 = arith.constant 1.000000e+00 : f32
      %jit3A_2156 = arith.constant 0.000000e+00 : f32
      %select_n3A_2157 = arith.select %eq3A_2154, %jit3A_2155, %jit3A_2156 : f32
      %eq3A_2158 = arith.constant 25 : i32
      %eq3A_2159 = arith.cmpi eq, %and3A_157, %eq3A_2158 : i32
      %jit3A_2160 = arith.constant 1.000000e+00 : f32
      %jit3A_2161 = arith.constant 0.000000e+00 : f32
      %select_n3A_2162 = arith.select %eq3A_2159, %jit3A_2160, %jit3A_2161 : f32
      %eq3A_2163 = arith.constant 26 : i32
      %eq3A_2164 = arith.cmpi eq, %and3A_157, %eq3A_2163 : i32
      %jit3A_2165 = arith.constant 1.000000e+00 : f32
      %jit3A_2166 = arith.constant 0.000000e+00 : f32
      %select_n3A_2167 = arith.select %eq3A_2164, %jit3A_2165, %jit3A_2166 : f32
      %eq3A_2168 = arith.constant 27 : i32
      %eq3A_2169 = arith.cmpi eq, %and3A_157, %eq3A_2168 : i32
      %jit3A_2170 = arith.constant 1.000000e+00 : f32
      %jit3A_2171 = arith.constant 0.000000e+00 : f32
      %select_n3A_2172 = arith.select %eq3A_2169, %jit3A_2170, %jit3A_2171 : f32
      %eq3A_2173 = arith.constant 28 : i32
      %eq3A_2174 = arith.cmpi eq, %and3A_157, %eq3A_2173 : i32
      %jit3A_2175 = arith.constant 1.000000e+00 : f32
      %jit3A_2176 = arith.constant 0.000000e+00 : f32
      %select_n3A_2177 = arith.select %eq3A_2174, %jit3A_2175, %jit3A_2176 : f32
      %eq3A_2178 = arith.constant 29 : i32
      %eq3A_2179 = arith.cmpi eq, %and3A_157, %eq3A_2178 : i32
      %jit3A_2180 = arith.constant 1.000000e+00 : f32
      %jit3A_2181 = arith.constant 0.000000e+00 : f32
      %select_n3A_2182 = arith.select %eq3A_2179, %jit3A_2180, %jit3A_2181 : f32
      %eq3A_2183 = arith.constant 0 : i32
      %eq3A_2184 = arith.cmpi eq, %squeeze3A_155, %eq3A_2183 : i32
      %eq3A_2185 = arith.cmpi eq, %squeeze3A_153, %squeeze3A_12 : i32
      %and3A_2186 = arith.andi %eq3A_2184, %eq3A_2185 : i1
      %lt3A_2187 = arith.constant 0 : i32
      %lt3A_2188 = arith.cmpi slt, %squeeze3A_155, %lt3A_2187 : i32
      %eq3A_2189 = arith.constant 0 : i32
      %eq3A_2190 = arith.cmpi eq, %squeeze3A_155, %eq3A_2189 : i32
      %xor3A = arith.constant -2147483648 : i32
      %xor3A_2191 = arith.xori %squeeze3A_153, %xor3A : i32
      %xor3A_2192 = arith.constant -2147483648 : i32
      %xor3A_2193 = arith.xori %squeeze3A_12, %xor3A_2192 : i32
      %lt3A_2194 = arith.cmpi slt, %xor3A_2191, %xor3A_2193 : i32
      %and3A_2195 = arith.andi %eq3A_2190, %lt3A_2194 : i1
      %or3A_2196 = arith.ori %lt3A_2188, %and3A_2195 : i1
      %sub3A_2197 = arith.constant 1.000000e+00 : f32
      %sub3A_2198 = arith.subf %sub3A_2197, %select_n3A_2157 : f32
      %sub3A_2199 = arith.subf %sub3A_2198, %select_n3A_2162 : f32
      %sub3A_2200 = arith.subf %sub3A_2199, %select_n3A_2167 : f32
      %sub3A_2201 = arith.subf %sub3A_2200, %select_n3A_2172 : f32
      %sub3A_2202 = arith.subf %sub3A_2201, %select_n3A_2177 : f32
      %sub3A_2203 = arith.subf %sub3A_2202, %select_n3A_2182 : f32
      %mul3A_2204 = vector.broadcast %sub3A_2203 : f32 to vector<16xf32>
      %mul3A_2205 = arith.mulf %select_n3A_2152, %mul3A_2204 : vector<16xf32>
      %jit3A_2206 = arith.constant 1.000000e+00 : f32
      %jit3A_2207 = arith.constant 0.000000e+00 : f32
      %select_n3A_2208 = arith.select %and3A_2186, %jit3A_2206, %jit3A_2207 : f32
      %mul3A_2209 = arith.mulf %select_n3A_2208, %select_n3A_2157 : f32
      %add3A_2210 = vector.broadcast %mul3A_2209 : f32 to vector<16xf32>
      %add3A_2211 = arith.addf %mul3A_2205, %add3A_2210 : vector<16xf32>
      %not3A_2212 = arith.constant true
      %not3A_2213 = arith.xori %and3A_2186, %not3A_2212 : i1
      %jit3A_2214 = arith.constant 1.000000e+00 : f32
      %jit3A_2215 = arith.constant 0.000000e+00 : f32
      %select_n3A_2216 = arith.select %not3A_2213, %jit3A_2214, %jit3A_2215 : f32
      %mul3A_2217 = arith.mulf %select_n3A_2216, %select_n3A_2162 : f32
      %add3A_2218 = vector.broadcast %mul3A_2217 : f32 to vector<16xf32>
      %add3A_2219 = arith.addf %add3A_2211, %add3A_2218 : vector<16xf32>
      %jit3A_2220 = arith.constant 1.000000e+00 : f32
      %jit3A_2221 = arith.constant 0.000000e+00 : f32
      %select_n3A_2222 = arith.select %or3A_2196, %jit3A_2220, %jit3A_2221 : f32
      %mul3A_2223 = arith.mulf %select_n3A_2222, %select_n3A_2167 : f32
      %add3A_2224 = vector.broadcast %mul3A_2223 : f32 to vector<16xf32>
      %add3A_2225 = arith.addf %add3A_2219, %add3A_2224 : vector<16xf32>
      %not3A_2226 = arith.constant true
      %not3A_2227 = arith.xori %or3A_2196, %not3A_2226 : i1
      %not3A_2228 = arith.constant true
      %not3A_2229 = arith.xori %and3A_2186, %not3A_2228 : i1
      %and3A_2230 = arith.andi %not3A_2227, %not3A_2229 : i1
      %jit3A_2231 = arith.constant 1.000000e+00 : f32
      %jit3A_2232 = arith.constant 0.000000e+00 : f32
      %select_n3A_2233 = arith.select %and3A_2230, %jit3A_2231, %jit3A_2232 : f32
      %mul3A_2234 = arith.mulf %select_n3A_2233, %select_n3A_2172 : f32
      %add3A_2235 = vector.broadcast %mul3A_2234 : f32 to vector<16xf32>
      %add3A_2236 = arith.addf %add3A_2225, %add3A_2235 : vector<16xf32>
      %or3A_2237 = arith.ori %or3A_2196, %and3A_2186 : i1
      %jit3A_2238 = arith.constant 1.000000e+00 : f32
      %jit3A_2239 = arith.constant 0.000000e+00 : f32
      %select_n3A_2240 = arith.select %or3A_2237, %jit3A_2238, %jit3A_2239 : f32
      %mul3A_2241 = arith.mulf %select_n3A_2240, %select_n3A_2177 : f32
      %add3A_2242 = vector.broadcast %mul3A_2241 : f32 to vector<16xf32>
      %add3A_2243 = arith.addf %add3A_2236, %add3A_2242 : vector<16xf32>
      %not3A_2244 = arith.constant true
      %not3A_2245 = arith.xori %or3A_2196, %not3A_2244 : i1
      %jit3A_2246 = arith.constant 1.000000e+00 : f32
      %jit3A_2247 = arith.constant 0.000000e+00 : f32
      %select_n3A_2248 = arith.select %not3A_2245, %jit3A_2246, %jit3A_2247 : f32
      %mul3A_2249 = arith.mulf %select_n3A_2248, %select_n3A_2182 : f32
      %add3A_2250 = vector.broadcast %mul3A_2249 : f32 to vector<16xf32>
      %add3A_2251 = arith.addf %add3A_2243, %add3A_2250 : vector<16xf32>
      %eq3A_2252 = arith.constant 0 : i32
      %eq3A_2253 = vector.broadcast %eq3A_2252 : i32 to vector<16xi32>
      %eq3A_2254 = arith.cmpi eq, %iota3A, %eq3A_2253 : vector<16xi32>
      %broadcast_in_dim3A_2255 = vector.broadcast %select_n3A_1017 : f32 to vector<16xf32>
      %eq3A_2256 = arith.constant 1 : i32
      %eq3A_2257 = vector.broadcast %eq3A_2256 : i32 to vector<16xi32>
      %eq3A_2258 = arith.cmpi eq, %iota3A, %eq3A_2257 : vector<16xi32>
      %broadcast_in_dim3A_2259 = vector.broadcast %select_n3A_1099 : f32 to vector<16xf32>
      %eq3A_2260 = arith.constant 2 : i32
      %eq3A_2261 = vector.broadcast %eq3A_2260 : i32 to vector<16xi32>
      %eq3A_2262 = arith.cmpi eq, %iota3A, %eq3A_2261 : vector<16xi32>
      %broadcast_in_dim3A_2263 = vector.broadcast %select_n3A_1181 : f32 to vector<16xf32>
      %eq3A_2264 = arith.constant 3 : i32
      %eq3A_2265 = vector.broadcast %eq3A_2264 : i32 to vector<16xi32>
      %eq3A_2266 = arith.cmpi eq, %iota3A, %eq3A_2265 : vector<16xi32>
      %select_n3A_2267 = arith.select %eq3A_2266, %add3A_2251, %broadcast_in_dim3A_4 : vector<16xi1>, vector<16xf32>
      %select_n3A_2268 = arith.select %eq3A_2262, %broadcast_in_dim3A_2263, %select_n3A_2267 : vector<16xi1>, vector<16xf32>
      %select_n3A_2269 = arith.select %eq3A_2258, %broadcast_in_dim3A_2259, %select_n3A_2268 : vector<16xi1>, vector<16xf32>
      %select_n3A_2270 = arith.select %eq3A_2254, %broadcast_in_dim3A_2255, %select_n3A_2269 : vector<16xi1>, vector<16xf32>
      %swap3A = arith.constant 0 : index
      %swap3A_2271 = tpu.vector_load %arg22[%swap3A] {strides = array<i32>} : memref<16xf32, #tpu.memory_space<vmem>>, vector<16xf32>,
      %swap3A_2272 = vector.shape_cast %swap3A_2271 : vector<16xf32> to vector<16xf32>
      %swap3A_2273 = vector.shape_cast %select_n3A_2270 : vector<16xf32> to vector<16xf32>
      tpu.vector_store %arg22[%swap3A], %swap3A_2273 {strides = array<i32>} : memref<16xf32, #tpu.memory_space<vmem>>, vector<16xf32>,
      "tpu.region"() ({
        %run_scoped3A = tpu.sem_alloc : memref<!tpu.dma_semaphore, #tpu.memory_space<semaphore_mem>>
        tpu.enqueue_dma source(%arg22 : memref<16xf32, #tpu.memory_space<vmem>>) target(%arg8 : memref<16xf32, #tpu.memory_space<hbm>>) target_semaphore(%run_scoped3A : memref<!tpu.dma_semaphore, #tpu.memory_space<semaphore_mem>>)
        tpu.wait_dma2 semaphore(%run_scoped3A : memref<!tpu.dma_semaphore, #tpu.memory_space<semaphore_mem>>) src(%arg22 : memref<16xf32, #tpu.memory_space<vmem>>) dst(%arg8 : memref<16xf32, #tpu.memory_space<hbm>>)
        tpu.yield
      }) : () -> ()
    } else {
    }
    return
  }
}

</mosaic_0001>

<sc_bundles>
// kernel: kernel.3.cloned.1.call-start
scs
__scs_entry_jumppad:
0x0: {  	(pc) =	sbr.rel $0x88, $3  }
0x1: {  	(tag) =	ssettag $0x0;
	lr =	simm.s32 $0x1  }
0x2: {  	[smem:$0x3F98] =	sst lr;
	_ =	strace $0xD0000000  }
0x3: {  	_ = 	snop  }
0x4: {  	_ = 	snop  }
0x5: {  	_ = 	snop  }
0x6: {  	_ = 	snop  }
0x7: {  	_ = 	snop  }
__scs_overlays_trampoline_lowered:
0x8: {  	[smem:$0x3FA7] =	sst s0  }
0x9: {  	[smem:$0x3FA8] =	sst s1  }
0xa: {  	[smem:$0x3FA9] =	sst s2  }
0xb: {  	[smem:$0x3FAA] =	sst s3  }
0xc: {  	[smem:$0x3FAB] =	sst s4  }
0xd: {  	[smem:$0x3FAC] =	sst s5  }
0xe: {  	[smem:$0x3FAD] =	sst s6  }
0xf: {  	[smem:$0x3FAE] =	sst s7  }
0x10: {  	[smem:$0x3FAF] =	sst s8  }
0x11: {  	[smem:$0x3FB0] =	sst s9;
	s0 =	simm.s32 @!p0 $0x0  }
0x12: {  	s1 =	sld [smem:$0x3F96];
	s0 =	simm.s32 @p0 $0x1  }
0x13: {  	[smem:$0x3FB1] =	sst s0;
	s0 =	simm.s32 @!p1 $0x0  }
0x14: {  	s2 =	sld [smem:$0x3F95];
	s0 =	simm.s32 @p1 $0x1  }
0x15: {  	[smem:$0x3FB2] =	sst s0;
	s0 =	simm.s32 @!p2 $0x0  }
0x16: {  	s3 =	sld [smem:$0x3FDB];
	s0 =	simm.s32 @p2 $0x1  }
0x17: {  	s4 =	simm.s32 $0x1BF5;
	[smem:$0x3FB4] =	sst s0  }
0x18: {  	s0 =	sld [smem:$0x3F97];
	_ =	swait.ge [sflag:s4], $0x0  }
0x19: {  	s7 =	sld [smem:$0x3F98]  }
0x1a: {  	s8 =	sadd.s32 $0xFFFFE003, lr  }
0x1b: {  	s9 =	sadd.s32 $0xFFFFFEF7, lr;
	s5 =	simm.s32 $0xFFFFFFFF;
	p2 =	slt.u32 s8, $0xFFFFF086  }
0x1c: {  	p1 =	slt.u32 s9, $0xF7A;
	s5 =	simm.s32 @!p2 $0x0  }
0x1d: {  	s5 =	simm.s32 @p1 $0x1;
	p0 =	seq.s32 s7, s2  }
0x1e: {  	s7 =	smul.u32 @!p0 $0xF7A, s2;
	p2 =	seq.s32 @!p0 s5, $0x0  }
0x1f: {  	s9 =	smul.u32 $0xF7A, s1;
	s8 =	simm.s32 @!p0 $0x1BF5;
	p2 =	por !p2, p0  }
0x20: {  	[sflag:s8] =	ssyncset.s32 @!p0 $0xFFFFF086;
	s6 =	sadd.s32 @!p0 s3, s7;
	s7 =	simm.s32 @!p0 $0x108  }
0x21: {  	s3 =	sadd.s32 s3, s9;
	s6 =	sadd.s32 @!p0 $0x88, s6;
	s7 =	simm.s32 @p2 $0x1082  }
0x22: {  	[simem:s7], [sflag:s8] =	dma.local @!p0 [hbm:s6], $0xF7A  }
0x23: {  	s9 =	sor.u32 $0xD0000000, s2;
	s6 =	simm.s32 $0x108;
	_ =	swait.ge @!p0 [sflag:s8], $0x0  }
0x24: {  	s3 =	sadd.s32 $0x88, s3;
	s6 =	simm.s32 @!p1 $0x1082;
	[sflag:s4] =	ssyncset.s32 $0xFFFFF086  }
0x25: {  	[simem:s6], [sflag:s4] =	dma.local [hbm:s3], $0xF7A  }
0x26: {  	[smem:$0x3F98] =	sst s1;
	(tag) =	ssettag s2;
	_ =	strace s9  }
0x27: {  	s1 =	sld [smem:$0x3FA8]  }
0x28: {  	s2 =	sld [smem:$0x3FA9]  }
0x29: {  	s4 =	sld [smem:$0x3FAB]  }
0x2a: {  	p0 =	seq.s32 s5, $0x0;
	s5 =	sld [smem:$0x3FAC]  }
0x2b: {  	s6 =	sld [smem:$0x3FAD]  }
0x2c: {  	s7 =	sld [smem:$0x3FAE]  }
0x2d: {  	s3 =	simm.s32 $0x108;
	s8 =	sld [smem:$0x3FAF]  }
0x2e: {  	s3 =	simm.s32 @!p0 $0x1082;
	s9 =	sld [smem:$0x3FB0]  }
0x2f: {  	lr =	sadd.s32 s0, s3;
	s0 =	sld [smem:$0x3FA7]  }
0x30: {  	s3 =	sld [smem:$0x3FAA]  }
0x31: {  	[smem:$0x3FB3] =	sst s10  }
0x32: {  	s10 =	sld [smem:$0x3FB1];
	_ =	sdelay $0x3  }
0x33: {  	p0 =	seq.s32 s10, $0x1;
	s10 =	sld [smem:$0x3FB3];
	_ =	sdelay $0x3  }
0x34: {  	[smem:$0x3FB3] =	sst s10  }
0x35: {  	s10 =	sld [smem:$0x3FB2];
	_ =	sdelay $0x3  }
0x36: {  	p1 =	seq.s32 s10, $0x1;
	s10 =	sld [smem:$0x3FB3];
	_ =	sdelay $0x3  }
0x37: {  	[smem:$0x3FB3] =	sst s10  }
0x38: {  	s10 =	sld [smem:$0x3FB4]  }
0x39: {  	_ = 	snop;
	(pc) =	sbr.ind lr, $3  }
0x3a: {  	_ = 	snop  }
0x3b: {  	_ = 	snop  }
0x3c: {  	p2 =	seq.s32 s10, $0x1;
	s10 =	sld [smem:$0x3FB3]  }
0x3d: {  	_ =	shalt  }
0x3e: {  	_ =	shalt  }
0x3f: {  	_ =	shalt  }
0x40: {  	_ =	shalt  }
0x41: {  	_ =	shalt  }
0x42: {  	_ =	shalt  }
0x43: {  	_ =	shalt  }
0x44: {  	_ =	shalt  }
0x45: {  	_ =	shalt  }
0x46: {  	_ =	shalt  }
0x47: {  	_ =	shalt  }
0x48: {  	_ =	shalt  }
0x49: {  	_ =	shalt  }
0x4a: {  	_ =	shalt  }
0x4b: {  	_ =	shalt  }
0x4c: {  	_ =	shalt  }
0x4d: {  	_ =	shalt  }
0x4e: {  	_ =	shalt  }
0x4f: {  	_ =	shalt  }
0x50: {  	_ =	shalt  }
0x51: {  	_ =	shalt  }
0x52: {  	_ =	shalt  }
0x53: {  	_ =	shalt  }
0x54: {  	_ =	shalt  }
0x55: {  	_ =	shalt  }
0x56: {  	_ =	shalt  }
0x57: {  	_ =	shalt  }
0x58: {  	_ =	shalt  }
0x59: {  	_ =	shalt  }
0x5a: {  	_ =	shalt  }
0x5b: {  	_ =	shalt  }
0x5c: {  	_ =	shalt  }
0x5d: {  	_ =	shalt  }
0x5e: {  	_ =	shalt  }
0x5f: {  	_ =	shalt  }
0x60: {  	_ =	shalt  }
0x61: {  	_ =	shalt  }
0x62: {  	_ =	shalt  }
0x63: {  	_ =	shalt  }
0x64: {  	_ =	shalt  }
0x65: {  	_ =	shalt  }
0x66: {  	_ =	shalt  }
0x67: {  	_ =	shalt  }
0x68: {  	_ =	shalt  }
0x69: {  	_ =	shalt  }
0x6a: {  	_ =	shalt  }
0x6b: {  	_ =	shalt  }
0x6c: {  	_ =	shalt  }
0x6d: {  	_ =	shalt  }
0x6e: {  	_ =	shalt  }
0x6f: {  	_ =	shalt  }
0x70: {  	_ =	shalt  }
0x71: {  	_ =	shalt  }
0x72: {  	_ =	shalt  }
0x73: {  	_ =	shalt  }
0x74: {  	_ =	shalt  }
0x75: {  	_ =	shalt  }
0x76: {  	_ =	shalt  }
0x77: {  	_ =	shalt  }
0x78: {  	_ =	shalt  }
0x79: {  	_ =	shalt  }
0x7a: {  	_ =	shalt  }
0x7b: {  	_ =	shalt  }
0x7c: {  	_ =	shalt  }
0x7d: {  	_ =	shalt  }
0x7e: {  	_ =	shalt  }
0x7f: {  	_ =	shalt  }
0x80: {  	_ =	shalt  }
0x81: {  	_ =	shalt  }
0x82: {  	_ =	shalt  }
0x83: {  	_ =	shalt  }
0x84: {  	_ =	shalt  }
0x85: {  	_ =	shalt  }
0x86: {  	_ =	shalt  }
0x87: {  	_ =	shalt  }
.Lfunc_end0:
.L_simem_size_0:
called_computation_lowered:
.L_overlay_start_0:
0x88: {  	s2 =	sld [smem:$0x3FD9]  }
0x89: {  	s3 =	sld [smem:$0x3FFE];
	_ =	sdelay $0x1  }
0x8a: {  	s1 =	srdreg.scid  }
0x8b: {  	s0 =	sand.u32 $0x1, s1  }
0x8c: {  	s14 =	sshll.u32 s0, $0xA;
	s2 =	sadd.s32 s3, s2  }
0x8d: {  	s2 =	sadd.s32 s2, s14  }
0x8e: {  	[smem:$0x3FBF] =	sst s2  }
0x8f: {  	_ = 	snop  }
0x90: {  	s2 =	sld [smem:$0x3FD0];
	_ =	sdelay $0x1  }
0x91: {  	s15 =	sld [smem:$0x3FC3]  }
0x92: {  	s5 =	simm.s32 $0xA;
	s6 =	simm.s32 $0x10;
	s4 =	sld [smem:$0x3FC1]  }
0x93: {  	[smem:s6], [sflag:s5] =	dma.local [hbm:s2], $0x1  }
0x94: {  	_ =	swait.eq [sflag:s5], $0x1  }
0x95: {  	[sflag:s5] =	ssyncset.done $0x0  }
0x96: {  	s16 =	sld [smem:$0x12];
	[sflag:s5] =	ssyncadd.s32 $0xFFFFFFFF  }
0x97: {  	s17 =	sld [smem:$0x13];
	(tm) =	ssettm $0x1  }
0x98: {  	s18 =	sld [smem:$0x3FFB];
	_ =	sdelay $0x3  }
0x99: {  	_ =	strace s18  }
0x9a: {  	s6 =	sld [smem:$0x3FFC];
	_ =	sdelay $0x3  }
0x9b: {  	_ =	strace s6  }
0x9c: {  	s6 =	sld [smem:$0x3FFD];
	_ =	sdelay $0x3  }
0x9d: {  	_ =	strace s6  }
0x9e: {  	_ =	strace $0x8FFFFFFF  }
0x9f: {  	s19 =	sld [smem:$0x3FDB];
	_ =	sdelay $0x1  }
0xa0: {  	s7 =	simm.s32 $_scs_section_size  }
0xa1: {  	s8 =	simm.s32 $_size__tile_overlayer_lowered;
	s9 =	simm.s32 $_tile_overlayer_lowered  }
0xa2: {  	s22 =	simm.s32 $0x1BFF;
	s21 =	sshll.u32 s9, $0x1;
	s6 =	sadd.s32 s7, s19  }
0xa3: {  	s10 =	simm.s32 $0x0;
	s20 =	sshll.u32 s8, $0x1;
	s8 =	sadd.s32 s21, s6  }
0xa4: {  	[timem:s10], [sflag:s22] =	dma.local [hbm:s8], s20  }
0xa5: {  	_ =	swait.ge [sflag:s22], s20  }
0xa6: {  	s7 =	ssub.s32 $0x0, s20;
	[sflag:s22] =	ssyncset.done $0x0  }
0xa7: {  	[sflag:s22] =	ssyncadd.s32 s7;
	_ =	sdelay $0x1  }
0xa8: {  	s23 =	simm.s32 $0x1B8B  }
0xa9: {  	_ =	swait.ge [sflag:s23], $0x1  }
0xaa: {  	[sflag:s23] =	ssyncset.done $0x0  }
0xab: {  	s25 =	simm.s32 $0x1B8E;
	s24 =	sld [smem:$0x3FFE];
	[sflag:s23] =	ssyncadd.s32 $0xFFFFFFFF  }
0xac: {  	s26 =	simm.s32 $execute0_lowered;
	[smem:$0x3FD2] =	sst s25  }
0xad: {  	s8 =	sshll.u32 s26, $0x1;
	_ =	strace $0x80000046;
	[dreg:$0x1] =	wrdreg $0xFFFFFFFF  }
0xae: {  	s28 =	simm.s32 $_size_execute0_lowered;
	s6 =	sadd.s32 s6, s8;
	[dreg:$0x0] =	wrdreg $0x0  }
0xaf: {  	s8 =	sshll.u32 s28, $0x1;
	[dreg:$0x2] =	wrdreg s6  }
0xb0: {  	[dreg:$0x3] =	wrdreg s8  }
0xb1: {  	[dreg:$0x4] =	wrdreg $0xC0  }
0xb2: {  	_ =	task [dreg:s10], $0x5FFFF  }
0xb3: {  	[dreg:$0x1] =	wrdreg $0xFFFFFFFF  }
0xb4: {  	[dreg:$0x0] =	wrdreg $0x60  }
0xb5: {  	[dreg:$0x2] =	wrdreg s24  }
0xb6: {  	[dreg:$0x3] =	wrdreg s17  }
0xb7: {  	[dreg:$0x4] =	wrdreg s15  }
0xb8: {  	[dreg:$0x5] =	wrdreg s4  }
0xb9: {  	[dreg:$0x6] =	wrdreg s16  }
0xba: {  	[dreg:$0x7] =	wrdreg $0x9  }
0xbb: {  	_ =	task.clear_ibuf [dreg:s10], $0x8FFFF;
	_ =	strace $0x90000046  }
0xbc: {  	s29 =	simm.s32 $0x9;
	_ =	strace $0x80000048  }
0xbd: {  	_ =	swait.ge [sflag:s29], $0x1  }
0xbe: {  	[sflag:s29] =	ssyncadd.s32 $0xFFFFFFFF  }
0xbf: {  	_ =	strace $0x90000048  }
0xc0: {  	_ =	sfence  }
0xc1: {  	s30 =	sld [smem:$0x0];
	_ =	sdelay $0x2  }
0xc2: {  	s31 =	sshll.u32 s1, $0xD;
	s1 =	sshrl.u32 s1, $0x2  }
0xc3: {  	s3 =	sand.u32 $0x4000, s31;
	s1 =	sadd.s32 s1, s30  }
0xc4: {  	s0 =	sor.u32 s3, s0;
	s1 =	sshll.u32 s1, $0x11  }
0xc5: {  	s0 =	sor.u32 s1, s0  }
0xc6: {  	s0 =	sadd.s32 $0x8F2B, s0  }
0xc7: {  	[sflag:s0] =	ssyncadd.remote.s32 $0x1  }
0xc8: {  	_ =	sfence.sel $0xFFFF  }
0xc9: {  	[dreg:$0x0] =	wrdreg $0xFFFFFFFF;
	(pc) =	sbr.abs _section_cstart, $3  }
0xca: {  	[dreg:$0x1] =	wrdreg $0xFFFFFFFF  }
0xcb: {  	_ =	task.clear_ibuf [dreg:s10], $0x2FFFF;
	_ =	strace $0x9FFFFFFF  }
0xcc: {  	(tm) =	ssettm $0x7FFFFFFF  }
0xcd: {  	_ =	shalt  }
tec
execute0_lowered:
.L_overlay_start_1:
0x0: {  	(tag) =	ssettag $0x1  }
0x1: {  	s1 =	rddreg [dreg:$0x1];
	s30 =	srdreg.scid  }
0x2: {  	s3 =	stileid.u32;
	[dreg:$0x6] =	wrdreg s1;
	s1 =	sand.u32 $0x1, s30  }
0x3: {  	s28 =	rddreg [dreg:$0x2];
	s31 =	sor.u32 s3, s1  }
0x4: {  	s29 =	rddreg [dreg:$0x3];
	p0 =	sne.s32 s31, $0x0  }
.Ltmp0:
0x5: {  	s2 =	rddreg [dreg:$0x4];
	(pc) =	sbr.rel @p0 .LBB2_3-.Ltmp0, $4  }
0x6: {  	[dreg:$0x8] =	wrdreg s28  }
0x7: {  	[dreg:$0x9] =	wrdreg s29  }
0x8: {  	[dreg:$0xa] =	wrdreg s2  }
0x9: {  	s0 =	rddreg [dreg:$0x0];
	_ =	strace $0x80000047  }
0xa: {  	s2 =	sadd.s32 $0x800, s0  }
0xb: {  	s31 =	simm.s32 $0x480;
	[dreg:$0x7] =	wrdreg s2  }
0xc: {  	s3 =	simm.s32 $0x700;
	[dreg:$0xb] =	wrdreg s31  }
0xd: {  	s4 =	simm.s32 $0x80;
	[dreg:$0xc] =	wrdreg s3  }
0xe: {  	s5 =	simm.s32 $0x100;
	[dreg:$0xd] =	wrdreg s4  }
0xf: {  	s6 =	simm.s32 $0x180;
	[dreg:$0xe] =	wrdreg s5  }
0x10: {  	s7 =	simm.s32 $0x200;
	[dreg:$0xf] =	wrdreg s6  }
0x11: {  	s8 =	simm.s32 $0x280;
	[dreg:$0x10] =	wrdreg s7  }
0x12: {  	s9 =	simm.s32 $0x300;
	[dreg:$0x11] =	wrdreg s8  }
0x13: {  	s10 =	simm.s32 $0x380;
	[dreg:$0x12] =	wrdreg s9  }
0x14: {  	s11 =	simm.s32 $0x400;
	[dreg:$0x13] =	wrdreg s10  }
0x15: {  	s12 =	simm.s32 $0x780;
	[dreg:$0x14] =	wrdreg s11  }
0x16: {  	s13 =	simm.s32 $0x790;
	[dreg:$0x15] =	wrdreg s12  }
0x17: {  	s14 =	simm.s32 $0x7A0;
	[dreg:$0x16] =	wrdreg s13  }
0x18: {  	s15 =	simm.s32 $0x7B0;
	[dreg:$0x17] =	wrdreg s14  }
0x19: {  	s16 =	simm.s32 $0x7C0;
	[dreg:$0x18] =	wrdreg s15  }
0x1a: {  	s17 =	simm.s32 $0x7D0;
	[dreg:$0x19] =	wrdreg s16  }
0x1b: {  	s18 =	simm.s32 $0x7E0;
	[dreg:$0x1a] =	wrdreg s17  }
0x1c: {  	s19 =	simm.s32 $0x7F0;
	[dreg:$0x1b] =	wrdreg s18  }
0x1d: {  	s20 =	simm.s32 $0x800;
	[dreg:$0x1c] =	wrdreg s19  }
0x1e: {  	s21 =	simm.s32 $0x810;
	[dreg:$0x1d] =	wrdreg s20  }
0x1f: {  	s22 =	simm.s32 $0x820;
	[dreg:$0x1e] =	wrdreg s21  }
0x20: {  	s23 =	simm.s32 $0x830;
	[dreg:$0x1f] =	wrdreg s22  }
0x21: {  	s24 =	simm.s32 $0x840;
	[smem:$0x7F7] =	sst s23  }
0x22: {  	s26 =	simm.s32 $0x850;
	[smem:$0x7F8] =	sst s24  }
0x23: {  	s28 =	simm.s32 $0x860;
	[smem:$0x7F9] =	sst s26  }
0x24: {  	s1 =	ssub.s32 $0x2, s1;
	s29 =	simm.s32 $0x870;
	[smem:$0x7FA] =	sst s28  }
0x25: {  	s30 =	simm.s32 $0x880;
	s3 =	sadd.s32 $0x1000, s0;
	[smem:$0x7FB] =	sst s29  }
0x26: {  	vm3 =	vmmov $0x3;
	s25 =	sshrl.u32 s1, $0x1;
	s11 =	simm.s32 $0x0;
	[smem:$0x7FC] =	sst s30  }
0x27: {  	v0 =	vlaneseq.u32;
	vm4 =	vmmov $0xffff;
	v3 =	vimm.s32 $0x0;
	s31 =	simm.s32 $0x900;
	s9 =	simm.s32 $0x3;
	[smem:$0x7F6] =	sst s3  }
0x28: {  	v4 =	vimm.f32 $0.0e+00;
	v1 =	vmul.u32 $0x9C, v0;
	v2 =	vand.u32 $0x3, v0;
	s3 =	sadd.s32 $0xA00, s0;
	s1 =	ssub.s32 s1, s25;
	[smem:$0x7FD] =	sst s31  }
.LBB2_2:
0x29: {  	[smem:$0x7F5] =	sst s1  }
0x2a: {  	s0 =	rddreg [dreg:$0x7]  }
0x2b: {  	s22 =	rddreg [dreg:$0xb]  }
0x2c: {  	s2 =	rddreg [dreg:$0x8]  }
0x2d: {  	[tilespmem:s22], [sflag:$0x1] =	stream.linear.gather [hbm4b:s0+s11], $0x280, $0x38;
	[tilespmem:$0x980] =	vst v63  }
0x2e: {  	s4 =	rddreg [dreg:$0xc]  }
0x2f: {  	[tilespmem:s4], [sflag:$0x1] =	stream.linear.gather [hbm4b:s2+s11], $0x80, $0x38;
	[tilespmem:$0x980] =	vst v63  }
0x30: {  	s23 =	rddreg [dreg:$0x6];
	s24 =	simm.s32 $0x4  }
0x31: {  	[tilespmem:s11], [sflag:$0x4] =	stream.linear.gather [hbm4b:s23+s11], $0x80, $0x38;
	[tilespmem:$0x980] =	vst v63  }
0x32: {  	_ =	swait.ge [sflag:s24], $0x80  }
0x33: {  	[sflag:s24] =	ssyncset.done $0x0  }
0x34: {  	[sflag:s24] =	ssyncadd.s32 $0xFFFFFF80  }
0x35: {  	v6 =	vld [tilespmem:$0x0];
	_ =	sdelay $0x4  }
0x36: {  	(v2sf) =	vpush v6, $0x0  }
0x37: {  	(v2sf) =	vpush v6, $0x1  }
0x38: {  	(v2sf) =	vpush v6, $0x2;
	_ =	sdelay $0xc  }
0x39: {  	s19 =	spop (v2sf)  }
0x3a: {  	s17 =	spop (v2sf)  }
0x3b: {  	s16 =	spop (v2sf)  }
0x3c: {  	s25 =	sadd.s32 $0x8, s16  }
0x3d: {  	vm0 =	vcmask $0x1310;
	v7 =	vbroadcast v6, $0x2;
	v8 =	vmov s25  }
0x3e: {  	v5 =	vbroadcast v6, $0x3;
	v8 =	vnsel vm0, $0x0, v8;
	vm0 =	vcmask $0xF0C  }
0x3f: {  	v7 =	vsel vm0, v7, v8;
	vm0 =	vcmask $0x3F0C  }
0x40: {  	v7 =	vsel vm0, v7, v5  }
0x41: {  	v7 =	vsel vm3, v6, v7  }
0x42: {  	(v2sf) =	vpush v6, $0x3  }
0x43: {  	s29 =	sld [smem:$0x7F6];
	v42 =	vadd.s32 $0x1, v7  }
0x44: {  	s26 =	rddreg [dreg:$0xd]  }
0x45: {  	s28 =	rddreg [dreg:$0xe];
	v6 =	vadd.s32 $0x2, v7  }
0x46: {  	[tilespmem:s26], [sflag:$0x2] =	stream.indirect_vreg.gather [hbm4b:s29+s11], $0x1, v7, vm4, $0xb8;
	[tilespmem:$0x980] =	vst v63  }
0x47: {  	s30 =	rddreg [dreg:$0xf];
	v9 =	vadd.s32 $0x3, v7  }
0x48: {  	[tilespmem:s28], [sflag:$0x2] =	stream.indirect_vreg.gather [hbm4b:s29+s11], $0x1, v42, vm4, $0xb8;
	[tilespmem:$0x980] =	vst v63  }
0x49: {  	s31 =	rddreg [dreg:$0x10];
	v43 =	vadd.s32 $0x4, v7  }
0x4a: {  	[tilespmem:s30], [sflag:$0x2] =	stream.indirect_vreg.gather [hbm4b:s29+s11], $0x1, v6, vm4, $0xb8;
	[tilespmem:$0x980] =	vst v63  }
0x4b: {  	s4 =	rddreg [dreg:$0x11];
	v6 =	vadd.s32 $0x5, v7  }
0x4c: {  	[tilespmem:s31], [sflag:$0x2] =	stream.indirect_vreg.gather [hbm4b:s29+s11], $0x1, v9, vm4, $0xb8;
	[tilespmem:$0x980] =	vst v63  }
0x4d: {  	s5 =	rddreg [dreg:$0x12];
	v44 =	vadd.s32 $0x6, v7  }
0x4e: {  	[tilespmem:s4], [sflag:$0x2] =	stream.indirect_vreg.gather [hbm4b:s29+s11], $0x1, v43, vm4, $0xb8;
	[tilespmem:$0x980] =	vst v63  }
0x4f: {  	s6 =	rddreg [dreg:$0x13];
	v7 =	vadd.s32 $0x7, v7  }
0x50: {  	[tilespmem:s5], [sflag:$0x2] =	stream.indirect_vreg.gather [hbm4b:s29+s11], $0x1, v6, vm4, $0xb8;
	[tilespmem:$0x980] =	vst v63  }
0x51: {  	s7 =	rddreg [dreg:$0x14];
	s12 =	spop (v2sf)  }
0x52: {  	[tilespmem:s6], [sflag:$0x2] =	stream.indirect_vreg.gather [hbm4b:s29+s11], $0x1, v44, vm4, $0xb8;
	[tilespmem:$0x980] =	vst v63  }
0x53: {  	s8 =	simm.s32 $0x2;
	[smem:$0x7EE] =	sst s12  }
0x54: {  	[tilespmem:s7], [sflag:$0x2] =	stream.indirect_vreg.gather [hbm4b:s29+s11], $0x1, v7, vm4, $0xb8;
	[tilespmem:$0x980] =	vst v63  }
0x55: {  	_ =	swait.ge [sflag:s8], $0x10  }
0x56: {  	[sflag:s8] =	ssyncset.done $0x0  }
0x57: {  	[sflag:s8] =	ssyncadd.s32 $0xFFFFFFF0  }
0x58: {  	_ =	swait.ge [sflag:s8], $0x10  }
0x59: {  	[sflag:s8] =	ssyncset.done $0x0  }
0x5a: {  	[sflag:s8] =	ssyncadd.s32 $0xFFFFFFF0  }
0x5b: {  	_ =	swait.ge [sflag:s8], $0x10  }
0x5c: {  	[sflag:s8] =	ssyncset.done $0x0  }
0x5d: {  	[sflag:s8] =	ssyncadd.s32 $0xFFFFFFF0  }
0x5e: {  	_ =	swait.ge [sflag:s8], $0x10  }
0x5f: {  	[sflag:s8] =	ssyncset.done $0x0  }
0x60: {  	[sflag:s8] =	ssyncadd.s32 $0xFFFFFFF0  }
0x61: {  	_ =	swait.ge [sflag:s8], $0x10  }
0x62: {  	[sflag:s8] =	ssyncset.done $0x0  }
0x63: {  	[sflag:s8] =	ssyncadd.s32 $0xFFFFFFF0  }
0x64: {  	_ =	swait.ge [sflag:s8], $0x10  }
0x65: {  	[sflag:s8] =	ssyncset.done $0x0  }
0x66: {  	[sflag:s8] =	ssyncadd.s32 $0xFFFFFFF0  }
0x67: {  	_ =	swait.ge [sflag:s8], $0x10  }
0x68: {  	[sflag:s8] =	ssyncset.done $0x0  }
0x69: {  	[sflag:s8] =	ssyncadd.s32 $0xFFFFFFF0  }
0x6a: {  	_ =	swait.ge [sflag:s8], $0x10  }
0x6b: {  	[sflag:s8] =	ssyncset.done $0x0  }
0x6c: {  	[sflag:s8] =	ssyncadd.s32 $0xFFFFFFF0  }
0x6d: {  	v6 =	vld [tilespmem:$0x80]  }
0x6e: {  	v7 =	vld [tilespmem:$0x100]  }
0x6f: {  	v45 =	vld [tilespmem:$0x180]  }
0x70: {  	v46 =	vld [tilespmem:$0x200];
	_ =	sdelay $0x2  }
0x71: {  	v7 =	vshll.u32 v7, $0x8  }
0x72: {  	v6 =	vadd.s32 v6, v7;
	v7 =	vshll.u32 v45, $0x10  }
0x73: {  	v6 =	vadd.s32 v7, v6;
	v7 =	vshll.u32 v46, $0x18  }
0x74: {  	v6 =	vadd.s32 v7, v6  }
0x75: {  	(v2sf) =	vpush v6, $0x0;
	_ =	sdelay $0xe  }
0x76: {  	s23 =	spop (v2sf)  }
0x77: {  	s10 =	sand.u32 $0xFF, s23  }
0x78: {  	s1 =	smin.u32 s10, $0x26  }
0x79: {  	s0 =	sshll.u32 s1, $0x2  }
0x7a: {  	v7 =	vadd.s32 s0, v1;
	_ =	sdelay $0x1  }
0x7b: {  	v47 =	vld [tilespmem:$0x280];
	s14 =	sadd.s32 $0x9C0, s0  }
0x7c: {  	v48 =	vld [tilespmem:$0x300];
	v12 =	vadd.s32 s14, v1  }
0x7d: {  	s13 =	rddreg [dreg:$0x15];
	v10 =	vld [tilespmem:$0x380];
	s18 =	sadd.s32 $0x1380, s0  }
0x7e: {  	v11 =	vld [tilespmem:$0x400];
	[tilespmem:s13], [sflag:$0x3] =	stream.indirect_vreg.gather [hbm4b:s3+s11], $0x1, v7, vm4, $0xb8;
	v7 =	vadd.s32 s18, v1  }
0x7f: {  	_ = 	snop  }
0x80: {  	s15 =	rddreg [dreg:$0x16];
	s21 =	sadd.s32 $0x1D40, s0  }
0x81: {  	v49 =	vadd.s32 s21, v1;
	[tilespmem:s15], [sflag:$0x3] =	stream.indirect_vreg.gather [hbm4b:s3+s11], $0x1, v12, vm4, $0xb8;
	[tilespmem:$0x980] =	vst v63  }
0x82: {  	s20 =	rddreg [dreg:$0x17];
	s24 =	sor.u32 $0x1, s0  }
0x83: {  	[tilespmem:s20], [sflag:$0x3] =	stream.indirect_vreg.gather [hbm4b:s3+s11], $0x1, v7, vm4, $0xb8;
	v7 =	vadd.s32 s24, v1;
	[tilespmem:$0x980] =	vst v63  }
0x84: {  	_ = 	snop  }
0x85: {  	s22 =	rddreg [dreg:$0x18];
	s26 =	sadd.s32 $0x9C1, s0  }
0x86: {  	v50 =	vadd.s32 s26, v1;
	[tilespmem:s22], [sflag:$0x3] =	stream.indirect_vreg.gather [hbm4b:s3+s11], $0x1, v49, vm4, $0xb8;
	[tilespmem:$0x980] =	vst v63  }
0x87: {  	s25 =	rddreg [dreg:$0x19];
	s29 =	sadd.s32 $0x1381, s0  }
0x88: {  	[tilespmem:s25], [sflag:$0x3] =	stream.indirect_vreg.gather [hbm4b:s3+s11], $0x1, v7, vm4, $0xb8;
	v7 =	vadd.s32 s29, v1;
	[tilespmem:$0x980] =	vst v63  }
0x89: {  	_ = 	snop  }
0x8a: {  	s28 =	rddreg [dreg:$0x1a];
	s31 =	sadd.s32 $0x1D41, s0  }
0x8b: {  	v51 =	vadd.s32 s31, v1;
	[tilespmem:s28], [sflag:$0x3] =	stream.indirect_vreg.gather [hbm4b:s3+s11], $0x1, v50, vm4, $0xb8;
	[tilespmem:$0x980] =	vst v63  }
0x8c: {  	s30 =	rddreg [dreg:$0x1b];
	s6 =	sor.u32 $0x2, s0  }
0x8d: {  	[tilespmem:s30], [sflag:$0x3] =	stream.indirect_vreg.gather [hbm4b:s3+s11], $0x1, v7, vm4, $0xb8;
	v7 =	vadd.s32 s6, v1;
	[tilespmem:$0x980] =	vst v63  }
0x8e: {  	_ = 	snop  }
0x8f: {  	s5 =	rddreg [dreg:$0x1c];
	s8 =	sadd.s32 $0x9C2, s0  }
0x90: {  	v52 =	vadd.s32 s8, v1;
	[tilespmem:s5], [sflag:$0x3] =	stream.indirect_vreg.gather [hbm4b:s3+s11], $0x1, v51, vm4, $0xb8;
	[tilespmem:$0x980] =	vst v63  }
0x91: {  	s7 =	rddreg [dreg:$0x1d];
	s13 =	sadd.s32 $0x1382, s0  }
0x92: {  	[tilespmem:s7], [sflag:$0x3] =	stream.indirect_vreg.gather [hbm4b:s3+s11], $0x1, v7, vm4, $0xb8;
	v7 =	vadd.s32 s13, v1;
	[tilespmem:$0x980] =	vst v63  }
0x93: {  	[smem:$0x7F0] =	sst s10  }
0x94: {  	s10 =	rddreg [dreg:$0x1e]  }
0x95: {  	v9 =	vshll.u32 v48, $0x8;
	[tilespmem:s10], [sflag:$0x3] =	stream.indirect_vreg.gather [hbm4b:s3+s11], $0x1, v52, vm4, $0xb8;
	[tilespmem:$0x980] =	vst v63  }
0x96: {  	v54 =	vshll.u32 v10, $0x10;
	v8 =	vadd.s32 v47, v9;
	s14 =	rddreg [dreg:$0x1f];
	s15 =	sadd.s32 $0x1D42, s0  }
0x97: {  	v55 =	vshll.u32 v11, $0x18;
	[tilespmem:s14], [sflag:$0x3] =	stream.indirect_vreg.gather [hbm4b:s3+s11], $0x1, v7, vm4, $0xb8;
	v7 =	vadd.s32 v54, v8;
	[tilespmem:$0x980] =	vst v63  }
0x98: {  	v53 =	vadd.s32 s15, v1;
	v7 =	vadd.s32 v55, v7  }
0x99: {  	s1 =	sshllo.u32 s1, $0x2;
	(v2sf) =	vpush v7, $0x0  }
0x9a: {  	v56 =	vadd.s32 s1, v1;
	s18 =	sld [smem:$0x7F7];
	(v2sf) =	vpush v6, $0x1  }
0x9b: {  	s21 =	sadd.s32 $0x9C3, s0;
	(v2sf) =	vpush v7, $0x1  }
0x9c: {  	v57 =	vadd.s32 s21, v1;
	s20 =	sld [smem:$0x7F8];
	s24 =	sadd.s32 $0x1383, s0;
	(v2sf) =	vpush v6, $0x2  }
0x9d: {  	[tilespmem:s18], [sflag:$0x3] =	stream.indirect_vreg.gather [hbm4b:s3+s11], $0x1, v53, vm4, $0xb8;
	(v2sf) =	vpush v7, $0x2;
	[tilespmem:$0x980] =	vst v63  }
0x9e: {  	s26 =	sadd.s32 $0x1D43, s0;
	v58 =	vadd.s32 s24, v1;
	s22 =	sld [smem:$0x7F9];
	(v2sf) =	vpush v6, $0x3  }
0x9f: {  	[tilespmem:s20], [sflag:$0x3] =	stream.indirect_vreg.gather [hbm4b:s3+s11], $0x1, v56, vm4, $0xb8;
	(v2sf) =	vpush v7, $0x3;
	[tilespmem:$0x980] =	vst v63  }
0xa0: {  	v59 =	vadd.s32 s26, v1;
	s25 =	sld [smem:$0x7FA];
	(v2sf) =	vpush v6, $0x4  }
0xa1: {  	[tilespmem:s22], [sflag:$0x3] =	stream.indirect_vreg.gather [hbm4b:s3+s11], $0x1, v57, vm4, $0xb8;
	(v2sf) =	vpush v7, $0x4;
	[tilespmem:$0x980] =	vst v63  }
0xa2: {  	v60 =	vor.u32 s0, v2;
	s28 =	sld [smem:$0x7FB]  }
0xa3: {  	[tilespmem:s25], [sflag:$0x3] =	stream.indirect_vreg.gather [hbm4b:s3+s11], $0x1, v58, vm4, $0xb8;
	[tilespmem:$0x980] =	vst v63  }
0xa4: {  	s31 =	sld [smem:$0x7FC]  }
0xa5: {  	[tilespmem:s28], [sflag:$0x3] =	stream.indirect_vreg.gather [hbm4b:s3+s11], $0x1, v59, vm4, $0xb8;
	[tilespmem:$0x980] =	vst v63  }
0xa6: {  	s30 =	rddreg [dreg:$0x9]  }
0xa7: {  	[tilespmem:s31], [sflag:$0x3] =	stream.indirect_vreg.gather [hbm4b:s30+s11], $0x1, v60, vm4, $0xb8;
	[tilespmem:$0x980] =	vst v63  }
0xa8: {  	s29 =	spop (v2sf)  }
0xa9: {  	s13 =	spop (v2sf)  }
0xaa: {  	s5 =	spop (v2sf)  }
0xab: {  	s21 =	spop (v2sf)  }
0xac: {  	s22 =	spop (v2sf)  }
0xad: {  	s18 =	spop (v2sf)  }
0xae: {  	s20 =	spop (v2sf)  }
0xaf: {  	s14 =	spop (v2sf)  }
0xb0: {  	s6 =	simm.s32 $0x1;
	s15 =	spop (v2sf)  }
0xb1: {  	_ =	swait.ge [sflag:s6], $0x280  }
0xb2: {  	[sflag:s6] =	ssyncset.done $0x0  }
0xb3: {  	[sflag:s6] =	ssyncadd.s32 $0xFFFFFD80  }
0xb4: {  	_ =	swait.ge [sflag:s6], $0x80  }
0xb5: {  	[sflag:s6] =	ssyncset.done $0x0  }
0xb6: {  	[sflag:s6] =	ssyncadd.s32 $0xFFFFFF80  }
0xb7: {  	v53 =	vld [tilespmem:$0x480]  }
0xb8: {  	v52 =	vld [tilespmem:$0x4C0]  }
0xb9: {  	v51 =	vld [tilespmem:$0x500]  }
0xba: {  	v50 =	vld [tilespmem:$0x540]  }
0xbb: {  	v48 =	vld [tilespmem:$0x580]  }
0xbc: {  	v46 =	vld [tilespmem:$0x5C0]  }
0xbd: {  	v44 =	vld [tilespmem:$0x600]  }
0xbe: {  	v13 =	vld [tilespmem:$0x640]  }
0xbf: {  	v38 =	vld [tilespmem:$0x680]  }
0xc0: {  	v14 =	vld [tilespmem:$0x700]  }
0xc1: {  	v49 =	vld [tilespmem:$0x490]  }
0xc2: {  	v47 =	vld [tilespmem:$0x4D0]  }
0xc3: {  	v45 =	vld [tilespmem:$0x510]  }
0xc4: {  	v43 =	vld [tilespmem:$0x550]  }
0xc5: {  	v41 =	vld [tilespmem:$0x590]  }
0xc6: {  	v39 =	vld [tilespmem:$0x5D0]  }
0xc7: {  	v15 =	vld [tilespmem:$0x610]  }
0xc8: {  	v27 =	vld [tilespmem:$0x650]  }
0xc9: {  	v19 =	vld [tilespmem:$0x690]  }
0xca: {  	v16 =	vld [tilespmem:$0x710]  }
0xcb: {  	v40 =	vld [tilespmem:$0x4A0]  }
0xcc: {  	v36 =	vld [tilespmem:$0x4E0]  }
0xcd: {  	v34 =	vld [tilespmem:$0x520]  }
0xce: {  	v32 =	vld [tilespmem:$0x560]  }
0xcf: {  	v31 =	vld [tilespmem:$0x5A0]  }
0xd0: {  	v29 =	vld [tilespmem:$0x5E0]  }
0xd1: {  	v24 =	vld [tilespmem:$0x620]  }
0xd2: {  	v22 =	vld [tilespmem:$0x660]  }
0xd3: {  	v20 =	vld [tilespmem:$0x6A0]  }
0xd4: {  	v17 =	vld [tilespmem:$0x720]  }
0xd5: {  	v42 =	vld [tilespmem:$0x4B0]  }
0xd6: {  	v37 =	vld [tilespmem:$0x4F0]  }
0xd7: {  	v35 =	vld [tilespmem:$0x530]  }
0xd8: {  	v33 =	vld [tilespmem:$0x570]  }
0xd9: {  	v30 =	vld [tilespmem:$0x5B0]  }
0xda: {  	v28 =	vld [tilespmem:$0x5F0]  }
0xdb: {  	v25 =	vld [tilespmem:$0x630]  }
0xdc: {  	v23 =	vld [tilespmem:$0x670]  }
0xdd: {  	v21 =	vld [tilespmem:$0x6B0]  }
0xde: {  	v18 =	vld [tilespmem:$0x730];
	_ =	swait.ge [sflag:s9], $0x10  }
0xdf: {  	[sflag:s9] =	ssyncset.done $0x0  }
0xe0: {  	[sflag:s9] =	ssyncadd.s32 $0xFFFFFFF0  }
0xe1: {  	_ =	swait.ge [sflag:s9], $0x10  }
0xe2: {  	[sflag:s9] =	ssyncset.done $0x0  }
0xe3: {  	[sflag:s9] =	ssyncadd.s32 $0xFFFFFFF0  }
0xe4: {  	_ =	swait.ge [sflag:s9], $0x10  }
0xe5: {  	[sflag:s9] =	ssyncset.done $0x0  }
0xe6: {  	[sflag:s9] =	ssyncadd.s32 $0xFFFFFFF0  }
0xe7: {  	_ =	swait.ge [sflag:s9], $0x10  }
0xe8: {  	[sflag:s9] =	ssyncset.done $0x0  }
0xe9: {  	[sflag:s9] =	ssyncadd.s32 $0xFFFFFFF0  }
0xea: {  	_ =	swait.ge [sflag:s9], $0x10  }
0xeb: {  	[sflag:s9] =	ssyncset.done $0x0  }
0xec: {  	[sflag:s9] =	ssyncadd.s32 $0xFFFFFFF0  }
0xed: {  	_ =	swait.ge [sflag:s9], $0x10  }
0xee: {  	[sflag:s9] =	ssyncset.done $0x0  }
0xef: {  	[sflag:s9] =	ssyncadd.s32 $0xFFFFFFF0  }
0xf0: {  	_ =	swait.ge [sflag:s9], $0x10  }
0xf1: {  	[sflag:s9] =	ssyncset.done $0x0  }
0xf2: {  	[sflag:s9] =	ssyncadd.s32 $0xFFFFFFF0  }
0xf3: {  	_ =	swait.ge [sflag:s9], $0x10  }
0xf4: {  	[sflag:s9] =	ssyncset.done $0x0  }
0xf5: {  	[sflag:s9] =	ssyncadd.s32 $0xFFFFFFF0  }
0xf6: {  	_ =	swait.ge [sflag:s9], $0x10  }
0xf7: {  	[sflag:s9] =	ssyncset.done $0x0  }
0xf8: {  	[sflag:s9] =	ssyncadd.s32 $0xFFFFFFF0  }
0xf9: {  	_ =	swait.ge [sflag:s9], $0x10  }
0xfa: {  	[sflag:s9] =	ssyncset.done $0x0  }
0xfb: {  	[sflag:s9] =	ssyncadd.s32 $0xFFFFFFF0  }
0xfc: {  	_ =	swait.ge [sflag:s9], $0x10  }
0xfd: {  	[sflag:s9] =	ssyncset.done $0x0  }
0xfe: {  	[sflag:s9] =	ssyncadd.s32 $0xFFFFFFF0  }
0xff: {  	_ =	swait.ge [sflag:s9], $0x10  }
0x100: {  	[sflag:s9] =	ssyncset.done $0x0  }
0x101: {  	[sflag:s9] =	ssyncadd.s32 $0xFFFFFFF0  }
0x102: {  	_ =	swait.ge [sflag:s9], $0x10  }
0x103: {  	[sflag:s9] =	ssyncset.done $0x0  }
0x104: {  	[sflag:s9] =	ssyncadd.s32 $0xFFFFFFF0  }
0x105: {  	_ =	swait.ge [sflag:s9], $0x10  }
0x106: {  	[sflag:s9] =	ssyncset.done $0x0  }
0x107: {  	[sflag:s9] =	ssyncadd.s32 $0xFFFFFFF0  }
0x108: {  	_ =	swait.ge [sflag:s9], $0x10  }
0x109: {  	[sflag:s9] =	ssyncset.done $0x0  }
0x10a: {  	[sflag:s9] =	ssyncadd.s32 $0xFFFFFFF0  }
0x10b: {  	_ =	swait.ge [sflag:s9], $0x10  }
0x10c: {  	v5 =	vmax.u32 v5, $0x1;
	[sflag:s9] =	ssyncset.done $0x0  }
0x10d: {  	v61 =	vcvt.s32.f32 v5;
	[sflag:s9] =	ssyncadd.s32 $0xFFFFFFF0  }
0x10e: {  	_ =	swait.ge [sflag:s9], $0x10  }
0x10f: {  	(erf) = vrcp.f32 v61  }
0x110: {  	v26 =	vbroadcast v6, $0x1  }
0x111: {  	s7 =	scvt.s32.f32 s19;
	v6 =	vbroadcast v7, $0x1  }
0x112: {  	vm0 =	veq.s32 v3, v26  }
0x113: {  	v62 =	vsel vm0, $0x1, v3;
	s8 =	smul.f32 $6.553700000e+04, s7;
	v7 =	vxor.u32 $0xFFFFFFFF, v6  }
0x114: {  	s26 =	scvt.s32.f32 s12;
	s19 =	scvt.s32.f32 s16;
	vm6 =	vlt.s32 v6, $0x0;
	v7 =	vadd.s32 v62, v7  }
0x115: {  	s1 =	ssub.f32 s8, s7;
	s7 =	scvt.s32.f32 s17;
	v54 =	vsel vm6, v7, v6  }
0x116: {  	s10 =	sshrl.u32 s23, $0x8;
	s24 =	smul.f32 $6.553700000e+04, s19;
	v63 =	vshrl.u32 v54, $0x18;
	s6 =	sshll.u32 s29, $0x18  }
0x117: {  	s16 =	ssub.f32 s8, s1;
	s23 =	smul.f32 $6.553700000e+04, s7;
	v7 =	vcvt.s32.f32 v63;
	s4 =	sor.u32 s10, s6  }
0x118: {  	s8 =	simm.s32 $0x1;
	s0 =	sshra.s32 s29, $0x8;
	p0 =	seq.s32 s4, $0x0;
	v6 =	vpop (erf)  }
0x119: {  	s7 =	ssub.f32 s23, s7;
	s10 =	sxor.u32 $0xFFFFFFFF, s0;
	s8 =	simm.s32 @!p0 $0x0;
	v7 =	vmul.f32 v7, v6  }
0x11a: {  	p1 =	slt.s32 s0, $0x0;
	s30 =	sxor.u32 $0xFFFFFFFF, s5;
	s8 =	sadd.s32 s10, s8  }
0x11b: {  	s6 =	ssub.f32 s24, s19;
	s1 =	ssub.s32 $0x0, s4;
	s0 =	smov.u32 @p1 s8;
	v7 =	vtrunc.f32 v7  }
0x11c: {  	s19 =	ssub.f32 s23, s7;
	s4 =	smov.u32 @p1 s1;
	s25 =	sand.u32 $0x7FFFFFFF, s0;
	v7 =	vcvt.f32.s32 v7  }
0x11d: {  	p0 =	slt.s32 s0, $0x0;
	s0 =	simm.f32 $2.147483650e+09;
	s2 =	scvt.s32.f32 s25  }
0x11e: {  	s28 =	sand.u32 $0x7FFFFFFF, s4;
	s0 =	simm.s32 @!p0 $0x0;
	p0 =	slt.s32 s4, $0x0;
	v12 =	vmul.u32 v7, v5  }
0x11f: {  	s4 =	simm.f32 $2.147483650e+09;
	s0 =	sadd.f32 s2, s0;
	s2 =	scvt.s32.f32 s28  }
0x120: {  	s7 =	ssub.s32 $0x0, s13;
	s4 =	simm.s32 @!p0 $0x0;
	p0 =	seq.s32 s13, $0x0;
	v9 =	vsub.s32 v63, v12  }
0x121: {  	s0 =	smul.f32 $4.294967300e+09, s0;
	s2 =	sadd.f32 s2, s4;
	s4 =	simm.s32 $0x1;
	v8 =	vshra.s32 v9, $0x1F  }
0x122: {  	s10 =	smov.u32 s13;
	s4 =	simm.s32 @!p0 $0x0;
	p0 =	slt.s32 s5, $0x0;
	v55 =	vand.u32 v5, v8  }
0x123: {  	s0 =	sadd.f32 s0, s2;
	s2 =	sadd.s32 s4, s30;
	s4 =	smov.u32 s5;
	v10 =	vadd.s32 v9, v55  }
0x124: {  	s29 =	smul.f32 $6.553700000e+04, s26;
	s10 =	smov.u32 @p0 s7;
	s4 =	smov.u32 @p0 s2;
	v9 =	vshra.s32 v10, $0x1F  }
0x125: {  	s17 =	ssub.f32 s24, s6;
	s7 =	sand.u32 $0x7FFFFFFF, s10;
	s31 =	sand.u32 $0x7FFFFFFF, s4;
	v56 =	vand.u32 v5, v9  }
0x126: {  	p2 =	slt.s32 s4, $0x0;
	s4 =	simm.f32 $2.147483650e+09;
	s8 =	scvt.s32.f32 s31;
	v10 =	vadd.s32 v10, v56  }
0x127: {  	s2 =	ssub.f32 $0.0e+00, s0;
	s7 =	scvt.s32.f32 s7;
	s4 =	simm.s32 @!p2 $0x0;
	vm7 =	vge.s32 v10, v5  }
0x128: {  	p2 =	slt.s32 s10, $0x0;
	s4 =	sadd.f32 s8, s4;
	s8 =	simm.f32 $2.147483650e+09;
	v57 =	vnsel vm7, $0x0, v5  }
0x129: {  	s1 =	ssub.f32 s29, s26;
	s0 =	smov.u32 @p1 s2;
	s8 =	simm.s32 @!p2 $0x0;
	v10 =	vsub.s32 v10, v57  }
0x12a: {  	s7 =	sadd.f32 s7, s8;
	s8 =	smul.f32 $6.553700000e+04, s0;
	vm8 =	vge.s32 v10, v5  }
0x12b: {  	s26 =	sxor.u32 $0xFFFFFFFF, s20;
	s23 =	ssub.f32 s29, s1;
	v58 =	vnsel vm8, $0x0, v5  }
0x12c: {  	v59 =	vshrl.u32 v54, $0x10;
	s10 =	sxor.u32 $0xFFFFFFFF, s22;
	p1 =	seq.s32 s21, $0x0;
	s0 =	ssub.f32 s8, s0;
	v10 =	vsub.s32 v10, v58  }
0x12d: {  	v60 =	vand.u32 $0xFF, v59;
	[smem:$0x7EF] =	sst s5;
	s5 =	smul.f32 $4.294967300e+09, s4;
	s4 =	simm.s32 $0x1;
	v10 =	vshll.u32 v10, $0x8  }
0x12e: {  	s24 =	ssub.f32 s8, s0;
	s0 =	ssub.s32 $0x0, s21;
	s4 =	simm.s32 @!p1 $0x0;
	v11 =	vor.u32 v60, v10  }
0x12f: {  	p1 =	slt.s32 s22, $0x0;
	s2 =	sadd.f32 s5, s7;
	s4 =	sadd.s32 s4, s10;
	v61 =	vand.u32 $0x7FFFFFFF, v11  }
0x130: {  	[smem:$0x7ED] =	sst s13;
	s21 =	smov.u32 @p1 s0;
	s22 =	smov.u32 @p1 s4;
	vm0 =	vlt.s32 v10, $0x0;
	v12 =	vcvt.s32.f32 v61  }
0x131: {  	s4 =	simm.f32 $2.147483650e+09;
	s7 =	ssub.f32 $0.0e+00, s2;
	s12 =	sand.u32 $0x7FFFFFFF, s22;
	v10 =	vsel vm0, $0x4F000000, v4  }
0x132: {  	s25 =	sand.u32 $0x7FFFFFFF, s21;
	p2 =	slt.s32 s22, $0x0;
	s1 =	scvt.s32.f32 s12;
	v10 =	vadd.f32 v12, v10  }
0x133: {  	s4 =	simm.s32 @!p2 $0x0;
	p2 =	slt.s32 s21, $0x0;
	s2 =	smov.u32 @p0 s7  }
0x134: {  	s22 =	sadd.f32 s1, s4;
	s1 =	scvt.s32.f32 s25;
	s4 =	simm.f32 $2.147483650e+09;
	v10 =	vmul.f32 v10, v6  }
0x135: {  	s13 =	smul.f32 $6.553700000e+04, s2;
	s4 =	simm.s32 @!p2 $0x0;
	p2 =	seq.s32 s18, $0x0  }
0x136: {  	s0 =	smul.f32 $4.294967300e+09, s22;
	s1 =	sadd.f32 s1, s4;
	s4 =	simm.s32 $0x1;
	v10 =	vtrunc.f32 v10  }
0x137: {  	s6 =	simm.f32 $2.147483650e+09;
	s2 =	ssub.f32 s13, s2;
	s4 =	simm.s32 @!p2 $0x0;
	v10 =	vcvt.f32.s32 v10  }
0x138: {  	p2 =	slt.s32 s20, $0x0;
	s0 =	sadd.f32 s0, s1;
	s1 =	sadd.s32 s4, s26  }
0x139: {  	s8 =	simm.f32 $2.147483650e+09;
	s5 =	sxor.u32 $0xFFFFFFFF, s15;
	s20 =	smov.u32 @p2 s1;
	v62 =	vmul.u32 v10, v5  }
0x13a: {  	s28 =	ssub.f32 s13, s2;
	s2 =	ssub.s32 $0x0, s18;
	s29 =	sand.u32 $0x7FFFFFFF, s20  }
0x13b: {  	s18 =	smov.u32 @p2 s2;
	p3 =	slt.s32 s20, $0x0;
	s4 =	scvt.s32.f32 s29;
	v12 =	vsub.s32 v11, v62  }
0x13c: {  	s1 =	ssub.f32 $0.0e+00, s0;
	s31 =	sand.u32 $0x7FFFFFFF, s18;
	s6 =	simm.s32 @!p3 $0x0;
	v11 =	vshra.s32 v12, $0x1F  }
0x13d: {  	p3 =	seq.s32 s14, $0x0;
	s30 =	sadd.f32 s4, s6;
	s6 =	simm.s32 $0x1;
	v55 =	vand.u32 v5, v11  }
0x13e: {  	p4 =	slt.s32 s18, $0x0;
	s4 =	scvt.s32.f32 s31;
	s6 =	simm.s32 @!p3 $0x0;
	v55 =	vadd.s32 v12, v55  }
0x13f: {  	s8 =	simm.s32 @!p4 $0x0;
	p3 =	slt.s32 s15, $0x0;
	s6 =	sadd.s32 s6, s5;
	v12 =	vshra.s32 v55, $0x1F  }
0x140: {  	s4 =	sadd.f32 s4, s8;
	s8 =	simm.f32 $2.147483650e+09;
	s15 =	smov.u32 @p3 s6;
	v56 =	vand.u32 v5, v12  }
0x141: {  	s2 =	smul.f32 $4.294967300e+09, s30;
	s6 =	ssub.s32 $0x0, s14;
	s10 =	sand.u32 $0x7FFFFFFF, s15;
	v55 =	vadd.s32 v55, v56  }
0x142: {  	v53 =	vmul.f32 s16, v53;
	p4 =	slt.s32 s15, $0x0;
	s14 =	smov.u32 @p3 s6;
	s7 =	scvt.s32.f32 s10;
	vm9 =	vge.s32 v55, v5  }
0x143: {  	s8 =	simm.s32 @!p4 $0x0;
	s13 =	sand.u32 $0x7FFFFFFF, s14;
	p4 =	slt.s32 s14, $0x0;
	v63 =	vnsel vm9, $0x0, v5  }
0x144: {  	v52 =	vmul.f32 s19, v52;
	v53 =	vadd.f32 $0.0e+00, v53;
	s12 =	sadd.f32 s7, s8;
	s7 =	scvt.s32.f32 s13;
	s8 =	simm.f32 $2.147483650e+09;
	v55 =	vsub.s32 v55, v63  }
0x145: {  	s2 =	sadd.f32 s2, s4;
	s8 =	simm.s32 @!p4 $0x0;
	vm10 =	vge.s32 v55, v5  }
0x146: {  	v51 =	vmul.f32 s17, v51;
	v52 =	vadd.f32 v52, v53;
	s14 =	smul.f32 $4.294967300e+09, s12;
	s15 =	sadd.f32 s7, s8;
	v58 =	vnsel vm10, $0x0, v5  }
0x147: {  	v50 =	vmul.f32 s23, v50;
	s7 =	ssub.f32 $0.0e+00, s2;
	v60 =	vshrl.u32 v54, $0x8;
	v59 =	vsub.s32 v55, v58  }
0x148: {  	v51 =	vadd.f32 v51, v52;
	s0 =	smov.u32 @p1 s1;
	s4 =	sadd.f32 s14, s15;
	v53 =	vand.u32 $0xFF, v60;
	v52 =	vshll.u32 v59, $0x8  }
0x149: {  	s1 =	smul.f32 $6.553700000e+04, s0;
	s2 =	smov.u32 @p2 s7;
	v53 =	vor.u32 v53, v52  }
0x14a: {  	v50 =	vadd.f32 v50, v51;
	s18 =	smul.f32 $6.553700000e+04, s2;
	s7 =	ssub.f32 $0.0e+00, s4;
	v61 =	vand.u32 $0x7FFFFFFF, v53  }
0x14b: {  	v48 =	vmul.f32 s24, v48;
	s0 =	ssub.f32 s1, s0;
	vm0 =	vlt.s32 v52, $0x0;
	v51 =	vcvt.s32.f32 v61  }
0x14c: {  	v49 =	vmul.f32 s16, v49;
	s2 =	ssub.f32 s18, s2;
	s4 =	smov.u32 @p3 s7;
	v52 =	vsel vm0, $0x4F000000, v4  }
0x14d: {  	v48 =	vadd.f32 v48, v50;
	v46 =	vmul.f32 s28, v46;
	s1 =	ssub.f32 s1, s0;
	s7 =	smul.f32 $6.553700000e+04, s4;
	v62 =	vadd.f32 v51, v52  }
0x14e: {  	v47 =	vmul.f32 s19, v47;
	v49 =	vadd.f32 $0.0e+00, v49;
	s20 =	ssub.f32 s18, s2  }
0x14f: {  	v46 =	vadd.f32 v46, v48;
	v44 =	vmul.f32 s1, v44;
	s22 =	ssub.f32 s7, s4;
	v63 =	vmul.f32 v62, v6  }
0x150: {  	v45 =	vmul.f32 s17, v45;
	v47 =	vadd.f32 v47, v49  }
0x151: {  	v44 =	vadd.f32 v44, v46;
	v50 =	vmul.f32 s20, v13;
	s2 =	ssub.f32 s7, s22;
	v51 =	vtrunc.f32 v63  }
0x152: {  	v43 =	vmul.f32 s23, v43;
	v45 =	vadd.f32 v45, v47;
	v13 =	vcvt.f32.s32 v51  }
0x153: {  	v44 =	vadd.f32 v50, v44;
	v38 =	vmul.f32 s2, v38  }
0x154: {  	v43 =	vadd.f32 v43, v45;
	v41 =	vmul.f32 s24, v41;
	v52 =	vmul.u32 v13, v5  }
0x155: {  	v38 =	vadd.f32 v38, v44  }
0x156: {  	v41 =	vadd.f32 v41, v43;
	v39 =	vmul.f32 s28, v39;
	v53 =	vsub.s32 v53, v52  }
0x157: {  	v40 =	vmul.f32 s16, v40;
	v38 =	vadd.f32 v38, v14;
	v14 =	vshra.s32 v53, $0x1F  }
0x158: {  	v39 =	vadd.f32 v39, v41;
	v15 =	vmul.f32 s1, v15;
	v55 =	vand.u32 v5, v14  }
0x159: {  	v36 =	vmul.f32 s19, v36;
	v40 =	vadd.f32 $0.0e+00, v40;
	v41 =	vadd.s32 v53, v55  }
0x15a: {  	v39 =	vadd.f32 v15, v39;
	v15 =	vshra.s32 v41, $0x1F  }
0x15b: {  	v34 =	vmul.f32 s17, v34;
	v36 =	vadd.f32 v36, v40;
	v56 =	vand.u32 v5, v15  }
0x15c: {  	v42 =	vmul.f32 s16, v42;
	v40 =	vadd.s32 v41, v56  }
0x15d: {  	v32 =	vmul.f32 s23, v32;
	v34 =	vadd.f32 v34, v36;
	vm11 =	vge.s32 v40, v5  }
0x15e: {  	v37 =	vmul.f32 s19, v37;
	v57 =	vadd.f32 $0.0e+00, v42;
	v59 =	vnsel vm11, $0x0, v5  }
0x15f: {  	v35 =	vmul.f32 s17, v35;
	v32 =	vadd.f32 v32, v34;
	v60 =	vsub.s32 v40, v59  }
0x160: {  	v31 =	vmul.f32 s24, v31;
	v58 =	vadd.f32 v37, v57;
	vm12 =	vge.s32 v60, v5  }
0x161: {  	v33 =	vmul.f32 s23, v33;
	v30 =	vmul.f32 s24, v30;
	v61 =	vnsel vm12, $0x0, v5  }
0x162: {  	v31 =	vadd.f32 v31, v32;
	v35 =	vadd.f32 v35, v58;
	v32 =	vsub.s32 v60, v61  }
0x163: {  	v29 =	vmul.f32 s28, v29;
	v62 =	vand.u32 $0xFF, v54;
	v32 =	vshll.u32 v32, $0x8  }
0x164: {  	v28 =	vmul.f32 s28, v28;
	v33 =	vadd.f32 v33, v35;
	v63 =	vor.u32 v62, v32  }
0x165: {  	v29 =	vadd.f32 v29, v31;
	v24 =	vmul.f32 s1, v24;
	v36 =	vand.u32 $0x7FFFFFFF, v63  }
0x166: {  	v30 =	vadd.f32 v30, v33;
	vm0 =	vlt.s32 v32, $0x0;
	v33 =	vcvt.s32.f32 v36  }
0x167: {  	v25 =	vmul.f32 s1, v25;
	v27 =	vmul.f32 s20, v27;
	v37 =	vsel vm0, $0x4F000000, v4  }
0x168: {  	v24 =	vadd.f32 v24, v29;
	v22 =	vmul.f32 s20, v22;
	v29 =	vadd.f32 v33, v37  }
0x169: {  	v27 =	vadd.f32 v27, v39;
	v19 =	vmul.f32 s2, v19;
	v28 =	vadd.f32 v28, v30  }
0x16a: {  	v22 =	vadd.f32 v22, v24;
	v20 =	vmul.f32 s2, v20;
	v40 =	vmul.f32 v29, v6  }
0x16b: {  	v23 =	vmul.f32 s20, v23;
	v19 =	vadd.f32 v19, v27;
	v39 =	vadd.f32 v25, v28  }
0x16c: {  	v21 =	vmul.f32 s2, v21;
	v20 =	vadd.f32 v20, v22;
	v42 =	vtrunc.f32 v40  }
0x16d: {  	[sflag:s9] =	ssyncset.done $0x0;
	v19 =	vadd.f32 v19, v16;
	v41 =	vadd.f32 v23, v39;
	v16 =	vcvt.f32.s32 v42  }
0x16e: {  	[sflag:s9] =	ssyncadd.s32 $0xFFFFFFF0;
	v17 =	vadd.f32 v20, v17;
	v43 =	vmul.f32 $6.553700000e+04, v38  }
0x16f: {  	v45 =	vld [tilespmem:$0x780];
	v44 =	vadd.f32 v21, v41;
	v48 =	vmul.u32 v16, v5  }
0x170: {  	v49 =	vmul.f32 $6.553700000e+04, v17;
	v46 =	vsub.f32 v43, v38  }
0x171: {  	v47 =	vmul.f32 $6.553700000e+04, v19;
	v18 =	vadd.f32 v44, v18;
	v51 =	vsub.s32 v63, v48  }
0x172: {  	v50 =	vld [tilespmem:$0x790];
	v30 =	vsub.f32 v43, v46;
	v52 =	vsub.f32 v49, v17;
	v17 =	vshra.s32 v51, $0x1F  }
0x173: {  	v19 =	vsub.f32 v47, v19;
	v54 =	vld [tilespmem:$0x7A0];
	v53 =	vmul.f32 $6.553700000e+04, v18;
	v56 =	vand.u32 v5, v17  }
0x174: {  	v55 =	vmul.f32 v45, v30;
	v21 =	vadd.s32 v51, v56  }
0x175: {  	v57 =	vsub.f32 v53, v18;
	v29 =	vsub.f32 v47, v19;
	v18 =	vshra.s32 v21, $0x1F  }
0x176: {  	v58 =	vld [tilespmem:$0x7B0];
	v28 =	vsub.f32 v49, v52;
	v59 =	vand.u32 v5, v18  }
0x177: {  	v19 =	vadd.f32 $0.0e+00, v55;
	v20 =	vmul.f32 v50, v29;
	v21 =	vadd.s32 v21, v59  }
0x178: {  	v60 =	vmul.f32 v54, v28;
	vm13 =	vge.s32 v21, v5  }
0x179: {  	v27 =	vsub.f32 v53, v57;
	v19 =	vadd.f32 v20, v19;
	v62 =	vnsel vm13, $0x0, v5  }
0x17a: {  	v24 =	vsub.s32 $0x0, v26;
	v21 =	vsub.s32 v21, v62  }
0x17b: {  	v61 =	vmul.f32 v58, v27;
	v19 =	vadd.f32 v60, v19;
	vm14 =	vge.s32 v21, v5  }
0x17c: {  	v20 =	vsel vm6, v24, v26;
	v25 =	vnsel vm14, $0x0, v5  }
0x17d: {  	v26 =	vshrl.u32 v20, $0x1;
	v63 =	vadd.f32 v61, v19;
	v19 =	vsub.s32 v21, v25  }
0x17e: {  	v21 =	vshrl.u32 v26, $0x17;
	v19 =	vshll.u32 v19, $0x8  }
0x17f: {  	(v2sf) =	vpush v63, $0x0;
	v21 =	vor.u32 v21, v19  }
0x180: {  	(v2sf) =	vpush v63, $0x1;
	v32 =	vand.u32 $0x7FFFFFFF, v21  }
0x181: {  	v31 =	vld [tilespmem:$0x7C0];
	(v2sf) =	vpush v63, $0x2;
	vm0 =	vlt.s32 v21, $0x0;
	v23 =	vcvt.s32.f32 v32  }
0x182: {  	v33 =	vld [tilespmem:$0x7D0];
	(v2sf) =	vpush v63, $0x3;
	v34 =	vsel vm0, $0x4F000000, v4  }
0x183: {  	(v2sf) =	vpush v63, $0x4;
	v23 =	vadd.f32 v23, v34  }
0x184: {  	v35 =	vld [tilespmem:$0x7E0];
	(v2sf) =	vpush v63, $0x5  }
0x185: {  	(v2sf) =	vpush v63, $0x6;
	v23 =	vmul.f32 v23, v6  }
0x186: {  	v36 =	vld [tilespmem:$0x7F0];
	(v2sf) =	vpush v63, $0x7;
	v19 =	vmul.f32 v31, v30  }
0x187: {  	v24 =	vmul.f32 v33, v29;
	(v2sf) =	vpush v63, $0x8;
	v38 =	vtrunc.f32 v23  }
0x188: {  	(v2sf) =	vpush v63, $0x9;
	v37 =	vadd.f32 $0.0e+00, v19;
	v19 =	vcvt.f32.s32 v38  }
0x189: {  	v25 =	vmul.f32 v35, v28;
	(v2sf) =	vpush v63, $0xA  }
0x18a: {  	(v2sf) =	vpush v63, $0xB;
	v24 =	vadd.f32 v24, v37;
	v23 =	vld [tilespmem:$0x880];
	v39 =	vmul.u32 v19, v5  }
0x18b: {  	v40 =	vmul.f32 v36, v27;
	(v2sf) =	vpush v63, $0xC  }
0x18c: {  	(v2sf) =	vpush v63, $0xD;
	v24 =	vadd.f32 v25, v24;
	v41 =	vsub.s32 v21, v39  }
0x18d: {  	(v2sf) =	vpush v63, $0xE;
	v21 =	vshra.s32 v41, $0x1F  }
0x18e: {  	(v2sf) =	vpush v63, $0xF;
	s23 =	spop (v2sf);
	v24 =	vadd.f32 v40, v24;
	v42 =	vand.u32 v5, v21  }
0x18f: {  	v52 =	vld [tilespmem:$0x830];
	s24 =	spop (v2sf);
	(v2sf) =	vpush v23, $0x0;
	v43 =	vadd.s32 v41, v42  }
0x190: {  	s25 =	spop (v2sf);
	(v2sf) =	vpush v24, $0x0;
	v22 =	vshra.s32 v43, $0x1F  }
0x191: {  	v45 =	vld [tilespmem:$0x800];
	s28 =	spop (v2sf);
	(v2sf) =	vpush v24, $0x1;
	v44 =	vand.u32 v5, v22  }
0x192: {  	s29 =	spop (v2sf);
	(v2sf) =	vpush v24, $0x2;
	v25 =	vadd.s32 v43, v44  }
0x193: {  	s30 =	spop (v2sf);
	(v2sf) =	vpush v24, $0x3;
	vm0 =	vge.s32 v25, v5  }
0x194: {  	v57 =	vmul.f32 v52, v27;
	v47 =	vld [tilespmem:$0x810];
	s31 =	spop (v2sf);
	(v2sf) =	vpush v24, $0x4;
	v46 =	vnsel vm0, $0x0, v5  }
0x195: {  	v49 =	vld [tilespmem:$0x820];
	v50 =	vshrl.u32 v20, $0x10;
	s5 =	spop (v2sf);
	(v2sf) =	vpush v24, $0x5;
	v25 =	vsub.s32 v25, v46  }
0x196: {  	v26 =	vmul.f32 v45, v30;
	s13 =	spop (v2sf);
	(v2sf) =	vpush v24, $0x6;
	vm15 =	vge.s32 v25, v5  }
0x197: {  	v51 =	vand.u32 $0xFF, v50;
	s15 =	spop (v2sf);
	(v2sf) =	vpush v24, $0x7;
	v48 =	vnsel vm15, $0x0, v5  }
0x198: {  	v26 =	vadd.f32 $0.0e+00, v26;
	s26 =	spop (v2sf);
	(v2sf) =	vpush v24, $0x8;
	v25 =	vsub.s32 v25, v48  }
0x199: {  	v31 =	vmul.f32 v47, v29;
	s8 =	spop (v2sf);
	(v2sf) =	vpush v24, $0x9;
	v25 =	vshll.u32 v25, $0x8  }
0x19a: {  	v55 =	vmul.f32 v49, v28;
	s12 =	sadd.f32 s24, s23;
	s0 =	spop (v2sf);
	(v2sf) =	vpush v24, $0xA;
	v32 =	vor.u32 v51, v25  }
0x19b: {  	v54 =	vadd.f32 v31, v26;
	s1 =	spop (v2sf);
	(v2sf) =	vpush v24, $0xB;
	v53 =	vand.u32 $0x7FFFFFFF, v32  }
0x19c: {  	s12 =	sadd.f32 s12, s25;
	s14 =	spop (v2sf);
	(v2sf) =	vpush v24, $0xC;
	vm1 =	vlt.s32 v25, $0x0;
	v35 =	vcvt.s32.f32 v53  }
0x19d: {  	s16 =	spop (v2sf);
	(v2sf) =	vpush v24, $0xD;
	v25 =	vadd.f32 v55, v54;
	v56 =	vsel vm1, $0x4F000000, v4  }
0x19e: {  	s10 =	sadd.f32 s12, s28;
	(v2sf) =	vpush v24, $0xE;
	s17 =	spop (v2sf);
	v31 =	vadd.f32 v35, v56  }
0x19f: {  	(v2sf) =	vpush v24, $0xF;
	v58 =	vadd.f32 v57, v25;
	s18 =	spop (v2sf)  }
0x1a0: {  	s7 =	sadd.f32 s10, s29;
	(v2sf) =	vpush v23, $0x1;
	s22 =	spop (v2sf);
	v31 =	vmul.f32 v31, v6  }
0x1a1: {  	v61 =	vld [tilespmem:$0x840];
	(v2sf) =	vpush v58, $0x0;
	s21 =	spop (v2sf)  }
0x1a2: {  	s4 =	sadd.f32 s7, s30;
	(v2sf) =	vpush v58, $0x1;
	s20 =	spop (v2sf);
	v59 =	vtrunc.f32 v31  }
0x1a3: {  	(v2sf) =	vpush v58, $0x2;
	s19 =	spop (v2sf);
	v24 =	vcvt.f32.s32 v59  }
0x1a4: {  	v63 =	vld [tilespmem:$0x850];
	s25 =	sadd.f32 s4, s31;
	(v2sf) =	vpush v58, $0x3;
	s12 =	spop (v2sf)  }
0x1a5: {  	v37 =	vld [tilespmem:$0x860];
	(v2sf) =	vpush v58, $0x4;
	s29 =	spop (v2sf);
	v60 =	vmul.u32 v24, v5  }
0x1a6: {  	v30 =	vmul.f32 v61, v30;
	s25 =	sadd.f32 s25, s5;
	(v2sf) =	vpush v58, $0x5;
	s7 =	spop (v2sf)  }
0x1a7: {  	(v2sf) =	vpush v58, $0x6;
	s10 =	spop (v2sf);
	v62 =	vsub.s32 v32, v60  }
0x1a8: {  	v30 =	vadd.f32 $0.0e+00, v30;
	s24 =	sadd.f32 s25, s13;
	(v2sf) =	vpush v58, $0x7;
	s2 =	spop (v2sf);
	v25 =	vshra.s32 v62, $0x1F  }
0x1a9: {  	v29 =	vmul.f32 v63, v29;
	v39 =	vld [tilespmem:$0x870];
	(v2sf) =	vpush v58, $0x8;
	s4 =	spop (v2sf);
	v36 =	vand.u32 v5, v25  }
0x1aa: {  	v28 =	vmul.f32 v37, v28;
	s23 =	sadd.f32 s24, s15;
	(v2sf) =	vpush v58, $0x9;
	s6 =	spop (v2sf);
	v34 =	vadd.s32 v62, v36  }
0x1ab: {  	v29 =	vadd.f32 v29, v30;
	(v2sf) =	vpush v58, $0xA;
	s30 =	spop (v2sf);
	v26 =	vshra.s32 v34, $0x1F  }
0x1ac: {  	s15 =	sadd.f32 s23, s26;
	(v2sf) =	vpush v58, $0xB;
	s28 =	spop (v2sf);
	v38 =	vand.u32 v5, v26  }
0x1ad: {  	v28 =	vadd.f32 v28, v29;
	(v2sf) =	vpush v58, $0xC;
	s31 =	spop (v2sf);
	v31 =	vadd.s32 v34, v38  }
0x1ae: {  	v27 =	vmul.f32 v39, v27;
	s8 =	sadd.f32 s15, s8;
	(v2sf) =	vpush v58, $0xD;
	s13 =	spop (v2sf);
	vm2 =	vge.s32 v31, v5  }
0x1af: {  	(v2sf) =	vpush v58, $0xE;
	s23 =	spop (v2sf);
	v40 =	vnsel vm2, $0x0, v5  }
0x1b0: {  	v45 =	vadd.f32 v27, v28;
	s15 =	sadd.f32 s8, s0;
	(v2sf) =	vpush v58, $0xF;
	s26 =	spop (v2sf);
	v41 =	vsub.s32 v31, v40  }
0x1b1: {  	[smem:$0x7F1] =	sst s28;
	(v2sf) =	vpush v23, $0x2;
	s28 =	spop (v2sf);
	vm1 =	vge.s32 v41, v5  }
0x1b2: {  	(v2sf) =	vpush v45, $0x0;
	s25 =	spop (v2sf);
	v42 =	vnsel vm1, $0x0, v5  }
0x1b3: {  	v43 =	vshrl.u32 v20, $0x8;
	s15 =	sadd.f32 s15, s1;
	(v2sf) =	vpush v45, $0x1;
	s8 =	spop (v2sf);
	v29 =	vsub.s32 v41, v42  }
0x1b4: {  	v44 =	vand.u32 $0xFF, v43;
	s22 =	sadd.f32 s22, s18;
	s0 =	spop (v2sf);
	v29 =	vshll.u32 v29, $0x8  }
0x1b5: {  	s24 =	sadd.f32 s15, s14;
	(v2sf) =	vpush v45, $0x2;
	s1 =	spop (v2sf);
	v46 =	vor.u32 v44, v29  }
0x1b6: {  	[smem:$0x7F2] =	sst s31;
	s31 =	spop (v2sf);
	v47 =	vand.u32 $0x7FFFFFFF, v46  }
0x1b7: {  	s21 =	sadd.f32 s22, s21;
	(v2sf) =	vpush v45, $0x3;
	s14 =	spop (v2sf);
	vm5 =	vlt.s32 v29, $0x0;
	v27 =	vcvt.s32.f32 v47  }
0x1b8: {  	[smem:$0x7F4] =	sst s23;
	s15 =	spop (v2sf);
	v29 =	vsel vm5, $0x4F000000, v4  }
0x1b9: {  	s23 =	sadd.f32 s24, s16;
	(v2sf) =	vpush v45, $0x4;
	s16 =	spop (v2sf);
	v27 =	vadd.f32 v27, v29  }
0x1ba: {  	s5 =	sadd.f32 s21, s20;
	s18 =	spop (v2sf)  }
0x1bb: {  	s17 =	sadd.f32 s23, s17;
	(v2sf) =	vpush v45, $0x5;
	s24 =	spop (v2sf);
	v27 =	vmul.f32 v27, v6  }
0x1bc: {  	[smem:$0x7F3] =	sst s13;
	s23 =	spop (v2sf)  }
0x1bd: {  	s13 =	smul.f32 $6.553700000e+04, s17;
	(v2sf) =	vpush v45, $0x6;
	s22 =	spop (v2sf);
	v27 =	vtrunc.f32 v27  }
0x1be: {  	s5 =	sadd.f32 s5, s19;
	s21 =	spop (v2sf);
	v27 =	vcvt.f32.s32 v27  }
0x1bf: {  	s17 =	ssub.f32 s13, s17;
	(v2sf) =	vpush v45, $0x7;
	s20 =	spop (v2sf)  }
0x1c0: {  	s5 =	sadd.f32 s5, s12;
	s19 =	spop (v2sf);
	v48 =	vmul.u32 v27, v5  }
0x1c1: {  	s17 =	ssub.f32 s13, s17;
	(v2sf) =	vpush v45, $0x8;
	s13 =	spop (v2sf)  }
0x1c2: {  	s5 =	sadd.f32 s5, s29;
	s12 =	spop (v2sf);
	v29 =	vsub.s32 v46, v48  }
0x1c3: {  	s12 =	sadd.f32 s12, s13;
	v28 =	vshra.s32 v29, $0x1F  }
0x1c4: {  	s5 =	sadd.f32 s5, s7;
	(v2sf) =	vpush v45, $0x9;
	s29 =	spop (v2sf);
	v49 =	vand.u32 v5, v28  }
0x1c5: {  	s12 =	sadd.f32 s12, s29;
	v30 =	vadd.s32 v29, v49  }
0x1c6: {  	v7 =	vadd.s32 v7, v8;
	s5 =	sadd.f32 s5, s10;
	(v2sf) =	vpush v45, $0xA;
	s29 =	spop (v2sf);
	v29 =	vshra.s32 v30, $0x1F  }
0x1c7: {  	v7 =	vadd.s32 v9, v7;
	s7 =	sadd.f32 s12, s29;
	v50 =	vand.u32 v5, v29  }
0x1c8: {  	v13 =	vadd.s32 v13, v14;
	v52 =	vsel vm7, $0x1, v3;
	s2 =	sadd.f32 s5, s2;
	s12 =	spop (v2sf);
	v30 =	vadd.s32 v30, v50  }
0x1c9: {  	v7 =	vadd.s32 v52, v7;
	(v2sf) =	vpush v45, $0xB;
	s7 =	sadd.f32 s7, s12;
	vm5 =	vge.s32 v30, v5  }
0x1ca: {  	v17 =	vadd.s32 v16, v17;
	v63 =	vadd.s32 v10, v11;
	s2 =	sadd.f32 s2, s4;
	s13 =	spop (v2sf);
	v51 =	vnsel vm5, $0x0, v5  }
0x1cb: {  	v10 =	vadd.s32 v15, v13;
	(v2sf) =	vpush v45, $0xC;
	s5 =	sadd.f32 s7, s13;
	v30 =	vsub.s32 v30, v51  }
0x1cc: {  	v9 =	vadd.s32 v12, v63;
	s2 =	sadd.f32 s2, s6;
	(v2sf) =	vpush v45, $0xD;
	s29 =	spop (v2sf);
	vm7 =	vge.s32 v30, v5  }
0x1cd: {  	v54 =	vsel vm9, $0x1, v3;
	(v2sf) =	vpush v45, $0xE;
	s4 =	sadd.f32 s5, s29;
	v56 =	vnsel vm7, $0x0, v5  }
0x1ce: {  	v55 =	vsel vm10, $0x1, v3;
	v9 =	vadd.s32 v54, v9;
	s30 =	sadd.f32 s2, s30;
	s7 =	spop (v2sf);
	v30 =	vsub.s32 v30, v56  }
0x1cf: {  	v62 =	vand.u32 $0xFF, v20;
	(v2sf) =	vpush v45, $0xF;
	s4 =	sadd.f32 s4, s7;
	v30 =	vshll.u32 v30, $0x8  }
0x1d0: {  	v53 =	vsel vm8, $0x1, v3;
	s12 =	sadd.f32 s28, s26;
	(v2sf) =	vpush v23, $0x3;
	s10 =	spop (v2sf);
	v8 =	vor.u32 v62, v30  }
0x1d1: {  	v57 =	vsel vm11, $0x1, v3;
	v9 =	vadd.s32 v55, v9;
	s2 =	sadd.f32 s4, s10;
	v14 =	vand.u32 $0x7FFFFFFF, v8  }
0x1d2: {  	v60 =	vsel vm14, $0x1, v3;
	s4 =	sadd.f32 s12, s25;
	vm14 =	vlt.s32 v30, $0x0;
	v11 =	vcvt.s32.f32 v14  }
0x1d3: {  	v7 =	vadd.s32 v53, v7;
	v10 =	vadd.s32 v57, v10;
	s13 =	spop (v2sf);
	s25 =	sld [smem:$0x7EE];
	v61 =	vsel vm14, $0x4F000000, v4  }
0x1d4: {  	v9 =	vshll.u32 v9, $0x8;
	v7 =	vshll.u32 v7, $0x10;
	s2 =	sadd.f32 s2, s13;
	v11 =	vadd.f32 v11, v61  }
0x1d5: {  	v7 =	vor.u32 v7, v9;
	v59 =	vsel vm13, $0x1, v3;
	v58 =	vsel vm12, $0x1, v3;
	s26 =	spop (v2sf);
	s4 =	sadd.f32 s4, s8  }
0x1d6: {  	v20 =	vadd.s32 v18, v17;
	v10 =	vadd.s32 v58, v10;
	s2 =	sadd.f32 s2, s26;
	v6 =	vmul.f32 v11, v6  }
0x1d7: {  	v36 =	vadd.s32 v24, v25;
	v9 =	vadd.s32 v59, v20;
	v7 =	vor.u32 v10, v7;
	s0 =	sadd.f32 s4, s0  }
0x1d8: {  	v9 =	vadd.s32 v60, v9;
	v7 =	vshll.u32 v7, $0x8;
	s28 =	spop (v2sf);
	s26 =	sld [smem:$0x7ED];
	v6 =	vtrunc.f32 v6  }
0x1d9: {  	v35 =	vsel vm2, $0x1, v3;
	v7 =	vor.u32 v7, v9;
	s2 =	sadd.f32 s2, s28;
	v6 =	vcvt.f32.s32 v6  }
0x1da: {  	v31 =	vsel vm15, $0x1, v3;
	v33 =	vshll.u32 v7, $0x8;
	v7 =	vshrl.u32 v7, $0x18;
	s29 =	spop (v2sf);
	s0 =	sadd.f32 s0, s1  }
0x1db: {  	v37 =	vsel vm1, $0x1, v3;
	v7 =	vshll.u32 v7, $0x8;
	s4 =	sand.u32 $0xFFFF, s25;
	s5 =	spop (v2sf);
	s28 =	sld [smem:$0x7EF];
	v34 =	vmul.u32 v6, v5  }
0x1dc: {  	v42 =	vadd.s32 v27, v28;
	v23 =	vsel vm0, $0x1, v3;
	v30 =	vadd.s32 v19, v21;
	s6 =	spop (v2sf);
	s7 =	sand.u32 $0xFFFF, s26;
	s2 =	sadd.f32 s2, s29  }
0x1dd: {  	v44 =	vsel vm5, $0x1, v3;
	v10 =	vadd.s32 v22, v30;
	s31 =	sadd.f32 s0, s31;
	s1 =	smul.u32 s4, s7;
	v8 =	vsub.s32 v8, v34  }
0x1de: {  	v45 =	vsel vm7, $0x1, v3;
	v32 =	vadd.s32 v23, v10;
	s8 =	spop (v2sf);
	s2 =	sadd.f32 s2, s5;
	s5 =	sshrl.u32 s25, $0x10;
	v38 =	vshra.s32 v8, $0x1F  }
0x1df: {  	v10 =	vadd.s32 v26, v36;
	v9 =	vadd.s32 v31, v32;
	s10 =	sshrl.u32 s26, $0x10;
	s12 =	spop (v2sf);
	s0 =	smul.u32 s5, s7;
	v40 =	vand.u32 v5, v38  }
0x1e0: {  	v10 =	vadd.s32 v35, v10;
	v9 =	vor.u32 v33, v9;
	s31 =	sadd.f32 s31, s14;
	s7 =	smul.u32 s5, s10;
	v8 =	vadd.s32 v8, v40  }
0x1e1: {  	v10 =	vadd.s32 v37, v10;
	v39 =	vshrl.u32 v9, $0x1;
	s2 =	sadd.f32 s2, s6;
	s6 =	smul.u32 s4, s10;
	v41 =	vshra.s32 v8, $0x1F  }
0x1e2: {  	v9 =	vshll.u32 v9, $0x8;
	v11 =	vshrl.u32 v39, $0x17;
	s5 =	smul.u32 s5, s28;
	s10 =	sand.u32 $0xFFFF, s28;
	s29 =	sand.u32 $0xFFFF, s0;
	v43 =	vand.u32 v5, v41  }
0x1e3: {  	v9 =	vor.u32 v9, v10;
	v10 =	vadd.s32 v29, v42;
	s4 =	smul.u32 s4, s10;
	s2 =	sadd.f32 s2, s8;
	s13 =	sand.u32 $0xFFFF, s6;
	v8 =	vadd.s32 v8, v43  }
0x1e4: {  	v7 =	vor.u32 v11, v7;
	v10 =	vadd.s32 v44, v10;
	s0 =	sshrl.u32 s0, $0x10;
	s6 =	sshrl.u32 s6, $0x10;
	s29 =	sadd.s32 s29, s13;
	vm0 =	vge.s32 v8, v5  }
0x1e5: {  	v46 =	vshll.u32 v9, $0x8;
	v10 =	vadd.s32 v45, v10;
	s13 =	sand.u32 $0xFFFF, s7;
	s2 =	sadd.f32 s2, s12;
	s12 =	sshrl.u32 s1, $0x10;
	v47 =	vnsel vm0, $0x0, v5  }
0x1e6: {  	v10 =	vor.u32 v46, v10;
	s7 =	sshrl.u32 s7, $0x10;
	s8 =	sadd.s32 s12, s29;
	v6 =	vadd.s32 v6, v38;
	s29 =	sshrl.u32 s28, $0x10;
	v8 =	vsub.s32 v8, v47  }
0x1e7: {  	s6 =	sadd.s32 s13, s6;
	s5 =	sadd.s32 s7, s5;
	s12 =	smul.u32 s25, s29;
	v6 =	vadd.s32 v41, v6;
	v48 =	vsel vm0, $0x1, v3;
	vm0 =	vge.s32 v8, v5  }
0x1e8: {  	s1 =	sand.u32 $0xFFFF, s1;
	s0 =	sadd.s32 s0, s6;
	s10 =	smul.f32 $6.553700000e+04, s2;
	v6 =	vadd.s32 v48, v6;
	v49 =	vsel vm0, $0x1, v3;
	v50 =	vnsel vm0, $0x0, v5  }
0x1e9: {  	v51 =	vshll.u32 v10, $0x8;
	s13 =	sshrl.u32 s8, $0x10;
	s29 =	sand.u32 $0xFFFF, s4;
	s5 =	sadd.s32 s12, s5;
	v6 =	vadd.s32 v49, v6;
	vm0 =	vne.s32 v8, v50  }
0x1ea: {  	v9 =	vshrl.u32 v9, $0x1;
	s8 =	sshll.u32 s8, $0x10;
	s6 =	sadd.s32 s13, s0;
	s5 =	sshll.u32 s5, $0x10;
	v6 =	vor.u32 v51, v6;
	v52 =	vsel vm0, $0x1, v3  }
0x1eb: {  	v9 =	vshrl.u32 v9, $0x17;
	v7 =	vshll.u32 v7, $0x8;
	s1 =	sor.u32 s1, s8;
	s2 =	ssub.f32 s10, s2;
	s4 =	sadd.s32 s5, s4;
	v11 =	vadd.s32 v52, v6  }
0x1ec: {  	v7 =	vor.u32 v9, v7;
	v53 =	vshrl.u32 v10, $0x1;
	s7 =	sadd.s32 s29, s6;
	p2 =	seq.s32 s1, $0x0;
	s4 =	sand.u32 $0xFFFF0000, s4;
	vm1 =	veq.s32 v3, v11  }
0x1ed: {  	v7 =	vshll.u32 v7, $0x8;
	v9 =	vshrl.u32 v53, $0x17;
	s0 =	ssub.f32 s10, s2;
	s2 =	sadd.s32 s4, s7;
	s4 =	simm.s32 $0x1;
	vm2 =	vmand vm0, vm1  }
0x1ee: {  	s14 =	sld [smem:$0x7F3];
	v7 =	vor.u32 v9, v7;
	s12 =	sxor.u32 $0xFFFFFFFF, s2;
	s4 =	simm.s32 @!p2 $0x0;
	v54 =	vsel vm2, $0x1, v3  }
0x1ef: {  	s5 =	ssub.s32 $0x0, s1;
	p2 =	slt.s32 s2, $0x0;
	s4 =	sadd.s32 s4, s12;
	v9 =	vadd.s32 v54, v7  }
0x1f0: {  	s8 =	simm.f32 $1.000000000e+00;
	s1 =	smov.u32 @p2 s5;
	s2 =	smov.u32 @p2 s4;
	v55 =	vsub.s32 $0x0, v11;
	v56 =	vsel vm1, $0x1, v3;
	v9 =	vxor.u32 $0xFFFFFFFF, v9  }
0x1f1: {  	s12 =	sld [smem:$0x7F0];
	s5 =	sand.u32 $0x7FFFFFFF, s1;
	s4 =	sand.u32 $0x7FFFFFFF, s2;
	v6 =	vsel vm6, v55, v6;
	v9 =	vadd.s32 v56, v9  }
0x1f2: {  	p4 =	slt.s32 s2, $0x0;
	s2 =	simm.f32 $2.147483650e+09;
	s4 =	scvt.s32.f32 s4;
	vm1 =	veq.s32 v3, v6;
	v7 =	vsel vm6, v9, v7  }
0x1f3: {  	s10 =	sand.u32 $0x7FFFFFFF, s0;
	s5 =	scvt.s32.f32 s5;
	s2 =	simm.s32 @!p4 $0x0;
	v57 =	vsel vm1, $0x1, v3;
	v9 =	vxor.u32 $0xFFFFFFFF, v7  }
0x1f4: {  	p4 =	slt.s32 s1, $0x0;
	s1 =	simm.f32 $2.147483650e+09;
	s2 =	sadd.f32 s4, s2;
	vm1 =	vlt.s32 v7, $0x0;
	v9 =	vadd.s32 v57, v9  }
0x1f5: {  	p3 =	seq.s32 s12, $0x10;
	s1 =	simm.s32 @!p4 $0x0;
	s4 =	simm.f32 $1.000000000e+00;
	v7 =	vsel vm1, v9, v7  }
0x1f6: {  	s1 =	sadd.f32 s5, s1;
	s4 =	simm.s32 @!p3 $0x0;
	v58 =	vsub.s32 $0x0, v6;
	s2 =	smul.f32 $4.294967300e+09, s2;
	v59 =	vand.u32 $0x7FFFFFFF, v7  }
0x1f7: {  	s5 =	simm.f32 $1.000000000e+00;
	p3 =	seq.s32 s12, $0x11;
	s13 =	ssub.f32 $1.000000000e+00, s4;
	v6 =	vsel vm1, v58, v6;
	vm2 =	vlt.s32 v7, $0x0;
	v60 =	vcvt.s32.f32 v59  }
0x1f8: {  	s29 =	scvt.f32.s32 s0;
	s5 =	simm.s32 @!p3 $0x0;
	s1 =	sadd.f32 s2, s1;
	v61 =	vand.u32 $0x7FFFFFFF, v6;
	v7 =	vsel vm2, $0x4F000000, v4  }
0x1f9: {  	p1 =	slt.f32 s10, $8.388608000e+06;
	p3 =	seq.s32 s12, $0x12;
	s6 =	ssub.f32 s13, s5;
	v62 =	vcvt.s32.f32 v61;
	vm2 =	vlt.s32 v6, $0x0;
	v7 =	vadd.f32 v60, v7  }
0x1fa: {  	s8 =	simm.s32 @!p3 $0x0;
	s2 =	scvt.s32.f32 s29;
	s7 =	ssub.f32 $0.0e+00, s1;
	v6 =	vsel vm2, $0x4F000000, v4  }
0x1fb: {  	s6 =	ssub.f32 s6, s8;
	v6 =	vadd.f32 v62, v6;
	v7 =	vmul.f32 $4.294967300e+09, v7  }
0x1fc: {  	s0 =	smov.u32 @p1 s2;
	s1 =	smov.u32 @p2 s7;
	s7 =	sadd.f32 s31, s15  }
0x1fd: {  	s0 =	smul.f32 s0, s6;
	s6 =	sld [smem:$0x7F1];
	v6 =	vadd.f32 v7, v6  }
0x1fe: {  	s1 =	smul.f32 s1, s4;
	s4 =	sadd.f32 s7, s16;
	v7 =	vsub.s32 v8, v50  }
0x1ff: {  	s16 =	sld [smem:$0x7F4];
	v5 =	vsub.s32 v5, v7;
	v63 =	vsub.f32 $0.0e+00, v6  }
0x200: {  	p1 =	seq.s32 s12, $0x18;
	s2 =	sadd.f32 s30, s6;
	s6 =	simm.f32 $1.000000000e+00;
	v5 =	vnsel vm0, $0x0, v5  }
0x201: {  	s0 =	sadd.f32 s0, s1;
	s6 =	simm.s32 @!p1 $0x0;
	v5 =	vsel vm6, v5, v7;
	v6 =	vsel vm1, v63, v6  }
0x202: {  	s1 =	simm.f32 $1.000000000e+00;
	p1 =	seq.s32 s12, $0x19;
	s10 =	ssub.f32 $1.000000000e+00, s6;
	v5 =	vcvt.s32.f32 v5;
	v6 =	vmul.f32 s5, v6  }
0x203: {  	s4 =	sadd.f32 s4, s18;
	s1 =	simm.s32 @!p1 $0x0  }
0x204: {  	p1 =	seq.s32 s12, $0x1A;
	s5 =	ssub.f32 s10, s1;
	v5 =	vmul.f32 s8, v5;
	v6 =	vadd.f32 s0, v6;
	s0 =	simm.f32 $1.000000000e+00  }
0x205: {  	s4 =	sadd.f32 s4, s24;
	s0 =	simm.s32 @!p1 $0x0  }
0x206: {  	s7 =	simm.f32 $1.000000000e+00;
	p1 =	seq.s32 s12, $0x1B;
	v5 =	vadd.f32 v6, v5;
	s5 =	ssub.f32 s5, s0  }
0x207: {  	s4 =	sadd.f32 s4, s23;
	s7 =	simm.s32 @!p1 $0x0  }
0x208: {  	s8 =	simm.f32 $1.000000000e+00;
	p1 =	seq.s32 s12, $0x1C;
	v6 =	vtrunc.f32 v5;
	s5 =	ssub.f32 s5, s7  }
0x209: {  	s8 =	simm.s32 @!p1 $0x0;
	p1 =	seq.s32 s12, $0x1D;
	s12 =	sld [smem:$0x7F2];
	v6 =	vcvt.f32.s32 v6  }
0x20a: {  	s10 =	simm.f32 $1.000000000e+00;
	s5 =	ssub.f32 s5, s8  }
0x20b: {  	s4 =	sadd.f32 s4, s22;
	v7 =	vand.u32 $0x7FFFFFFF, v5;
	s10 =	simm.s32 @!p1 $0x0;
	v6 =	vcvt.s32.f32 v6  }
0x20c: {  	p5 =	seq.s32 s26, s25;
	p4 =	seq.s32 s28, $0x0;
	vm0 =	vlt.f32 v7, $8.388608000e+06;
	s5 =	ssub.f32 s5, s10  }
0x20d: {  	p1 =	por !p5, !p4;
	s2 =	sadd.f32 s2, s12;
	v5 =	vsel vm0, v6, v5  }
0x20e: {  	s4 =	sadd.f32 s4, s21;
	p2 =	por !p1, !p1;
	v5 =	vmul.f32 s5, v5  }
0x20f: {  	p6 =	slt.u32 s26, s25;
	s6 =	simm.s32 @!p2 $0x0;
	s2 =	sadd.f32 s2, s14  }
0x210: {  	p3 =	por !p6, !p4;
	s4 =	sadd.f32 s4, s20;
	v5 =	vadd.f32 s6, v5  }
0x211: {  	p3 =	por !p3, !p3;
	s1 =	simm.s32 @p2 $0x0;
	s2 =	sadd.f32 s2, s16  }
0x212: {  	p0 =	por p0, p3;
	s4 =	sadd.f32 s4, s19;
	v5 =	vadd.f32 s1, v5  }
0x213: {  	p3 =	por !p0, !p0;
	s0 =	simm.s32 @!p0 $0x0;
	s19 =	smul.f32 $6.553700000e+04, s2  }
0x214: {  	s29 =	sld [smem:$0x7F5];
	s20 =	smul.f32 $6.553700000e+04, s4;
	p3 =	por @!p2 p0, p0;
	v5 =	vadd.f32 s0, v5  }
0x215: {  	s7 =	simm.s32 @p3 $0x0;
	s21 =	ssub.f32 s19, s2;
	s2 =	smov.u32 s8  }
0x216: {  	s4 =	ssub.f32 s20, s4;
	s2 =	simm.s32 @!p0 $0x0;
	v5 =	vadd.f32 s7, v5  }
0x217: {  	s0 =	ssub.f32 s19, s21;
	s2 =	smov.u32 @p2 s8  }
0x218: {  	s15 =	sand.u32 $0x7FFFFFFF, s17;
	s18 =	scvt.f32.s32 s17;
	s1 =	ssub.f32 s20, s4;
	v5 =	vadd.f32 s2, v5  }
0x219: {  	p1 =	slt.f32 s15, $8.388608000e+06;
	s10 =	simm.s32 @p0 $0x0;
	s22 =	scvt.f32.s32 s0  }
0x21a: {  	s4 =	scvt.s32.f32 s18;
	s24 =	scvt.f32.s32 s1;
	s23 =	sand.u32 $0x7FFFFFFF, s0;
	v5 =	vadd.f32 s10, v5  }
0x21b: {  	vm0 =	vcmask $0x3F10;
	s25 =	sand.u32 $0x7FFFFFFF, s1;
	p0 =	slt.f32 s23, $8.388608000e+06;
	s2 =	scvt.s32.f32 s22  }
0x21c: {  	s17 =	smov.u32 @p1 s4;
	p1 =	slt.f32 s25, $8.388608000e+06;
	s4 =	scvt.s32.f32 s24;
	v5 =	vsel vm0, $0x0, v5;
	vm0 =	veq.s32 v0, $0x0  }
0x21d: {  	s0 =	smov.u32 @p0 s2;
	v5 =	vsel vm0, s17, v5;
	vm0 =	veq.s32 v0, $0x1  }
0x21e: {  	s28 =	sld [smem:$0x7FD];
	s1 =	smov.u32 @p1 s4;
	v5 =	vsel vm0, s0, v5;
	vm0 =	veq.s32 v0, $0x2  }
0x21f: {  	p0 =	sne.s32 s29, $0x1;
	v5 =	vsel vm0, s1, v5  }
.Ltmp1:
0x220: {  	s26 =	rddreg [dreg:$0xa];
	s30 =	simm.s32 $0x4;
	[tilespmem:$0x900] =	vst v5;
	(pc) =	sbr.rel @p0 .LBB2_2-.Ltmp1, $4  }
0x221: {  	[hbm4b:s26+s11] =	stream.linear.scatter [tilespmem:s28], [sflag:$0x4], $0x80, $0x38;
	[tilespmem:$0x980] =	vst v63  }
0x222: {  	_ =	swait.ge [sflag:s30], $0x80  }
0x223: {  	s31 =	simm.s32 $0x4;
	[sflag:s30] =	ssyncset.done $0x0  }
0x224: {  	s1 =	sadd.s32 $0xFFFFFFFF, s29;
	[sflag:s31] =	ssyncadd.s32 $0xFFFFFF80  }
.LBB2_3:
0x225: {  	_ =	sfence.sel $0x180000  }
0x226: {  	[bflag:$0x0] =	sbarrier.arrive $0xFFFF  }
0x227: {  	_ =	strace $0x90000047  }
0x228: {  	s0 =	stileid.u32;
	[bflag:$0x2] =	sbarrier.arrive $0xFFFF  }
0x229: {  	p0 =	sne.s32 s0, $0x0;
	s0 =	rddreg [dreg:$0x5]  }
0x22a: {  	s0 =	sadd.s32 @!p0 $0x100000, s0  }
0x22b: {  	[sflag:s0] =	ssyncadd.tile.s32 @!p0 $0x1;
	_ =	shalt  }
.Lfunc_end2:
_tile_overlayer_lowered:
.L_overlay_start_2:
0x22c: {  	(tag) =	ssettag $0x2  }
0x22d: {  	s0 =	rddreg [dreg:$0x0];
	s2 =	stileid.u32  }
0x22e: {  	s1 =	rddreg [dreg:$0x1];
	p0 =	sne.s32 s2, $0x0  }
0x22f: {  	s3 =	rddreg [dreg:$0x2];
	[bflag:$0x3] =	sbarrier.arrive $0xFFFF;
	s2 =	simm.s32 @!p0 $0x1C04  }
0x230: {  	[timem:s3], [sflag:s2] =	dma.local @!p0 [hbm:s0], s1  }
0x231: {  	s0 =	simm.s32 @!p0 $0x4  }
0x232: {  	_ =	swait.ge @!p0 [sflag:s0], s1  }
0x233: {  	s1 =	ssub.s32 @!p0 $0x0, s1;
	[sflag:s0] =	ssyncset.done @!p0 $0x0  }
0x234: {  	[sflag:s0] =	ssyncadd.s32 @!p0 s1  }
0x235: {  	[bflag:$0x3] =	sbarrier.arrive $0xFFFF  }
0x236: {  	_ =	shalt  }

</sc_bundles>
